<compile_context>
chip_gen: v7x
topology: tpu7x:2x2x1
jax: 0.10.2.dev20260603
libtpu: 0.0.44.dev20260713+nightly
codegen_flags: <defaults>
</compile_context>

<pallas_src>
import jax
import jax.numpy as jnp
from jax import lax
from jax.experimental import pallas as pl
from jax.experimental.pallas import tpu as pltpu
from jax.experimental.pallas import tpu_sc as plsc

_K = 1000000
_M = 64
_B = 16384
_L = 50
_BL = _B * _L

_NC, _NS = 2, 16
_NW = _NC * _NS
_RPW = _BL // _NW
_CHUNK = 128
_NCHUNK = _RPW // _CHUNK
_NBUF = 4


def _scratch():
    out = [pltpu.VMEM((_NCHUNK, _CHUNK), jnp.int32)]
    out += [pltpu.VMEM((_CHUNK, _M), jnp.float32)] * _NBUF
    out += [pltpu.SemaphoreType.DMA] * (2 * _NBUF)
    return out


def _body(idx_hbm, table_hbm, out_hbm,
          idx_v, r0, r1, r2, r3,
          g0, g1, g2, g3, s0, s1, s2, s3):
    rows = (r0, r1, r2, r3)
    gsem = (g0, g1, g2, g3)
    ssem = (s0, s1, s2, s3)
    wid = lax.axis_index("s") * _NC + lax.axis_index("c")
    dst0 = wid * _RPW

    pltpu.sync_copy(idx_hbm.at[pl.ds(wid * _NCHUNK, _NCHUNK)], idx_v)

    def _wait_store(b):
        pltpu.make_async_copy(
            rows[b], out_hbm.at[pl.ds(0, _CHUNK)], ssem[b]).wait()

    def _gather(t, b):
        return pltpu.async_copy(
            table_hbm.at[idx_v.at[t]], rows[b], gsem[b])

    def _store(t, b):
        return pltpu.async_copy(
            rows[b], out_hbm.at[pl.ds(dst0 + t * _CHUNK, _CHUNK)], ssem[b])

    descs = [_gather(b, b) for b in range(_NBUF)]
    descs[0].wait()

    @pl.when(wid == 0)
    def _zero_head():
        z = jnp.zeros((16,), jnp.float32)
        for r in range(_L):
            for c in range(_M // 16):
                r0[r, pl.ds(c * 16, 16)] = z

    _store(0, 0)
    for b in range(1, _NBUF):
        descs[b].wait()
        _store(b, b)

    def _group(i):
        ds = []
        for b in range(_NBUF):
            _wait_store(b)
            ds.append(_gather(i + b, b))
        for b in range(_NBUF):
            ds[b].wait()
            _store(i + b, b)

    n_groups = _NCHUNK // _NBUF
    lax.fori_loop(1, n_groups - 1,
                  lambda k, c: (_group(k * _NBUF), c)[1], 0,
                  unroll=False)

    base = (n_groups - 1) * _NBUF
    for b in range(_NBUF):
        _wait_store(b)
        _gather(base + b, b).wait()
        _store(base + b, b).wait()


_emb_shift_kernel = pl.kernel(
    _body,
    out_type=jax.ShapeDtypeStruct((_BL, _M), jnp.float32),
    mesh=plsc.VectorSubcoreMesh(
        core_axis_name="c", subcore_axis_name="s",
        num_cores=_NC, num_subcores=_NS),
    scratch_types=_scratch(),
    compiler_params=pltpu.CompilerParams(use_tc_tiling_on_sc=False),
)


def kernel(y, table):
    yf = y.reshape(_BL).astype(jnp.int32)
    idx = jnp.pad(yf[:_BL - _L], (_L, 0))
    out = _emb_shift_kernel(idx.reshape(_BL // _CHUNK, _CHUNK), table)
    return out.reshape(_B, _L, _M)

# --- scband reference (transcript-rebuilt; emitter-appended) ---
"""Pipeline reference for scband-my-embedding-35089882808547 (READ-ONLY COPY).

The authoritative reference and input builder live on the scoring server;
editing this copy changes nothing except your own understanding.
"""

import jax, jax.numpy as jnp
import numpy as np

K = 1000000
M = 64
B = 16384
L = 50

def setup_inputs(seed: int = 0) -> dict:
    key = jax.random.key(seed)
    k1, k2 = jax.random.split(key)
    y = jax.random.randint(k1, (B, L), 0, K, dtype=jnp.int64)
    table = jax.random.normal(k2, (K, M), dtype=jnp.float32) * 0.02
    return {"y": y, "table": table}

def reference(y, table):
    # torch: y.sum() < 0 branch never taken for non-negative indices
    emb = jnp.take(table, y, axis=0)  # [B, L, M]
    # emb is 3D -> shift along batch dim: emb_shifted[1:] = emb[:-1]
    emb_shifted = jnp.zeros_like(emb).at[1:].set(emb[:-1])
    return emb_shifted

if __name__ == "__main__":
    import jax
    _d = setup_inputs()
    print(jax.jit(kernel)(*tuple(_d.values())))

</pallas_src>

<mosaic_0001>
#map = affine_map<(d0, d1) -> (0, 0)>
module attributes {stable_mosaic.version = 14 : i64} {
  func.func @_body(%arg0: i32, %arg1: i32, %arg2: memref<6400x128xi32, #tpu.memory_space<hbm>>, %arg3: memref<1000000x64xf32, #tpu.memory_space<hbm>>, %arg4: memref<819200x64xf32, #tpu.memory_space<hbm>>, %arg5: memref<200x128xi32, #tpu.memory_space<vmem>>, %arg6: memref<128x64xf32, #tpu.memory_space<vmem>>, %arg7: memref<128x64xf32, #tpu.memory_space<vmem>>, %arg8: memref<128x64xf32, #tpu.memory_space<vmem>>, %arg9: memref<128x64xf32, #tpu.memory_space<vmem>>, %arg10: memref<!tpu.dma_semaphore, #tpu.memory_space<semaphore_mem>>, %arg11: memref<!tpu.dma_semaphore, #tpu.memory_space<semaphore_mem>>, %arg12: memref<!tpu.dma_semaphore, #tpu.memory_space<semaphore_mem>>, %arg13: memref<!tpu.dma_semaphore, #tpu.memory_space<semaphore_mem>>, %arg14: memref<!tpu.dma_semaphore, #tpu.memory_space<semaphore_mem>>, %arg15: memref<!tpu.dma_semaphore, #tpu.memory_space<semaphore_mem>>, %arg16: memref<!tpu.dma_semaphore, #tpu.memory_space<semaphore_mem>>, %arg17: memref<!tpu.dma_semaphore, #tpu.memory_space<semaphore_mem>>) attributes {dimension_semantics = [#tpu.dimension_semantics<core_parallel>, #tpu.dimension_semantics<subcore_parallel>], iteration_bounds = array<i64: 2, 16>, scalar_prefetch = 0 : i64, scratch_operands = 13 : i64, tpu.core_type = #tpu.core_type<sc_vector_subcore>, window_params = [{transform_indices = #map}, {transform_indices = #map}, {transform_indices = #map}]} {
    %mul3A = arith.constant 2 : i32
    %mul3A_0 = arith.muli %arg1, %mul3A : i32
    %add3A = arith.addi %mul3A_0, %arg0 : i32
    %mul3A_1 = arith.constant 25600 : i32
    %mul3A_2 = arith.muli %add3A, %mul3A_1 : i32
    %mul3A_3 = arith.constant 200 : i32
    %mul3A_4 = arith.muli %add3A, %mul3A_3 : i32
    "tpu.region"() ({
      %run_scoped3A = tpu.sem_alloc : memref<!tpu.dma_semaphore, #tpu.memory_space<semaphore_mem>>
      %dma_start3A_210 = arith.constant 0 : i32
      %dma_start3A_211 = tpu.memref_slice %arg2[%mul3A_4, %dma_start3A_210] : memref<6400x128xi32, #tpu.memory_space<hbm>> -> memref<200x128xi32, #tpu.memory_space<hbm>>
      %dma_start3A_212 = arith.constant 0 : i32
      %dma_start3A_213 = tpu.memref_slice %arg2[%mul3A_4, %dma_start3A_212] : memref<6400x128xi32, #tpu.memory_space<hbm>> -> memref<200x128xi32, #tpu.memory_space<hbm>>
      tpu.enqueue_dma source(%dma_start3A_213 : memref<200x128xi32, #tpu.memory_space<hbm>>) target(%arg5 : memref<200x128xi32, #tpu.memory_space<vmem>>) target_semaphore(%run_scoped3A : memref<!tpu.dma_semaphore, #tpu.memory_space<semaphore_mem>>)
      %dma_wait3A_214 = arith.constant 0 : i32
      %dma_wait3A_215 = tpu.memref_slice %arg2[%mul3A_4, %dma_wait3A_214] : memref<6400x128xi32, #tpu.memory_space<hbm>> -> memref<200x128xi32, #tpu.memory_space<hbm>>
      %dma_wait3A_216 = arith.constant 0 : i32
      %dma_wait3A_217 = tpu.memref_slice %arg2[%mul3A_4, %dma_wait3A_216] : memref<6400x128xi32, #tpu.memory_space<hbm>> -> memref<200x128xi32, #tpu.memory_space<hbm>>
      tpu.wait_dma2 semaphore(%run_scoped3A : memref<!tpu.dma_semaphore, #tpu.memory_space<semaphore_mem>>) src(%dma_wait3A_217 : memref<200x128xi32, #tpu.memory_space<hbm>>) dst(%arg5 : memref<200x128xi32, #tpu.memory_space<vmem>>)
      tpu.yield
    }) : () -> ()
    %dma_start3A = arith.constant 0 : i32
    %dma_start3A_5 = arith.constant 0 : i32
    %dma_start3A_6 = tpu.memref_slice %arg5[%dma_start3A, %dma_start3A_5] : memref<200x128xi32, #tpu.memory_space<vmem>> -> memref<1x128xi32, #tpu.memory_space<vmem>>
    %dma_start3A_7 = tpu.memref_squeeze %dma_start3A_6 : memref<1x128xi32, #tpu.memory_space<vmem>> -> memref<128xi32, #tpu.memory_space<vmem>>
    %dma_start3A_8 = arith.constant 0 : i32
    %dma_start3A_9 = arith.constant 0 : i32
    %dma_start3A_10 = tpu.memref_slice %arg3[%dma_start3A_8, %dma_start3A_9] : memref<1000000x64xf32, #tpu.memory_space<hbm>> -> memref<1000000x64xf32, #tpu.memory_space<hbm>>
    tpu.enqueue_indirect_dma source(%dma_start3A_10 : memref<1000000x64xf32, #tpu.memory_space<hbm>>) target(%arg6 : memref<128x64xf32, #tpu.memory_space<vmem>>) offsets(%dma_start3A_7 : memref<128xi32, #tpu.memory_space<vmem>>) semaphore(%arg10 : memref<!tpu.dma_semaphore, #tpu.memory_space<semaphore_mem>>)
    %dma_start3A_11 = arith.constant 1 : i32
    %dma_start3A_12 = arith.constant 0 : i32
    %dma_start3A_13 = tpu.memref_slice %arg5[%dma_start3A_11, %dma_start3A_12] : memref<200x128xi32, #tpu.memory_space<vmem>> -> memref<1x128xi32, #tpu.memory_space<vmem>>
    %dma_start3A_14 = tpu.memref_squeeze %dma_start3A_13 : memref<1x128xi32, #tpu.memory_space<vmem>> -> memref<128xi32, #tpu.memory_space<vmem>>
    %dma_start3A_15 = arith.constant 0 : i32
    %dma_start3A_16 = arith.constant 0 : i32
    %dma_start3A_17 = tpu.memref_slice %arg3[%dma_start3A_15, %dma_start3A_16] : memref<1000000x64xf32, #tpu.memory_space<hbm>> -> memref<1000000x64xf32, #tpu.memory_space<hbm>>
    tpu.enqueue_indirect_dma source(%dma_start3A_17 : memref<1000000x64xf32, #tpu.memory_space<hbm>>) target(%arg7 : memref<128x64xf32, #tpu.memory_space<vmem>>) offsets(%dma_start3A_14 : memref<128xi32, #tpu.memory_space<vmem>>) semaphore(%arg11 : memref<!tpu.dma_semaphore, #tpu.memory_space<semaphore_mem>>)
    %dma_start3A_18 = arith.constant 2 : i32
    %dma_start3A_19 = arith.constant 0 : i32
    %dma_start3A_20 = tpu.memref_slice %arg5[%dma_start3A_18, %dma_start3A_19] : memref<200x128xi32, #tpu.memory_space<vmem>> -> memref<1x128xi32, #tpu.memory_space<vmem>>
    %dma_start3A_21 = tpu.memref_squeeze %dma_start3A_20 : memref<1x128xi32, #tpu.memory_space<vmem>> -> memref<128xi32, #tpu.memory_space<vmem>>
    %dma_start3A_22 = arith.constant 0 : i32
    %dma_start3A_23 = arith.constant 0 : i32
    %dma_start3A_24 = tpu.memref_slice %arg3[%dma_start3A_22, %dma_start3A_23] : memref<1000000x64xf32, #tpu.memory_space<hbm>> -> memref<1000000x64xf32, #tpu.memory_space<hbm>>
    tpu.enqueue_indirect_dma source(%dma_start3A_24 : memref<1000000x64xf32, #tpu.memory_space<hbm>>) target(%arg8 : memref<128x64xf32, #tpu.memory_space<vmem>>) offsets(%dma_start3A_21 : memref<128xi32, #tpu.memory_space<vmem>>) semaphore(%arg12 : memref<!tpu.dma_semaphore, #tpu.memory_space<semaphore_mem>>)
    %dma_start3A_25 = arith.constant 3 : i32
    %dma_start3A_26 = arith.constant 0 : i32
    %dma_start3A_27 = tpu.memref_slice %arg5[%dma_start3A_25, %dma_start3A_26] : memref<200x128xi32, #tpu.memory_space<vmem>> -> memref<1x128xi32, #tpu.memory_space<vmem>>
    %dma_start3A_28 = tpu.memref_squeeze %dma_start3A_27 : memref<1x128xi32, #tpu.memory_space<vmem>> -> memref<128xi32, #tpu.memory_space<vmem>>
    %dma_start3A_29 = arith.constant 0 : i32
    %dma_start3A_30 = arith.constant 0 : i32
    %dma_start3A_31 = tpu.memref_slice %arg3[%dma_start3A_29, %dma_start3A_30] : memref<1000000x64xf32, #tpu.memory_space<hbm>> -> memref<1000000x64xf32, #tpu.memory_space<hbm>>
    tpu.enqueue_indirect_dma source(%dma_start3A_31 : memref<1000000x64xf32, #tpu.memory_space<hbm>>) target(%arg9 : memref<128x64xf32, #tpu.memory_space<vmem>>) offsets(%dma_start3A_28 : memref<128xi32, #tpu.memory_space<vmem>>) semaphore(%arg13 : memref<!tpu.dma_semaphore, #tpu.memory_space<semaphore_mem>>)
    %dma_wait3A = arith.constant 0 : i32
    %dma_wait3A_32 = arith.constant 0 : i32
    %dma_wait3A_33 = tpu.memref_slice %arg5[%dma_wait3A, %dma_wait3A_32] : memref<200x128xi32, #tpu.memory_space<vmem>> -> memref<1x128xi32, #tpu.memory_space<vmem>>
    %dma_wait3A_34 = tpu.memref_squeeze %dma_wait3A_33 : memref<1x128xi32, #tpu.memory_space<vmem>> -> memref<128xi32, #tpu.memory_space<vmem>>
    %dma_wait3A_35 = arith.constant 0 : i32
    %dma_wait3A_36 = arith.constant 0 : i32
    %dma_wait3A_37 = tpu.memref_slice %arg3[%dma_wait3A_35, %dma_wait3A_36] : memref<1000000x64xf32, #tpu.memory_space<hbm>> -> memref<1000000x64xf32, #tpu.memory_space<hbm>>
    tpu.wait_indirect_dma semaphore(%arg10 : memref<!tpu.dma_semaphore, #tpu.memory_space<semaphore_mem>>) src(%dma_wait3A_37 : memref<1000000x64xf32, #tpu.memory_space<hbm>>) dst(%arg6 : memref<128x64xf32, #tpu.memory_space<vmem>>)
    %eq3A = arith.constant 0 : i32
    %eq3A_38 = arith.cmpi eq, %add3A, %eq3A : i32
    %convert_element_type3A = arith.extui %eq3A_38 : i1 to i32
    %cond3A = arith.constant 0 : i32
    %cond3A_39 = arith.cmpi ne, %convert_element_type3A, %cond3A : i32
    scf.if %cond3A_39 {
      %broadcast_in_dim3A = arith.constant 0.000000e+00 : f32
      %broadcast_in_dim3A_210 = vector.broadcast %broadcast_in_dim3A : f32 to vector<16xf32>
      %swap3A = arith.constant 0 : i32
      %swap3A_211 = arith.index_cast %swap3A : i32 to index
      %swap3A_212 = arith.constant 0 : index
      %swap3A_213 = tpu.vector_load %arg6[%swap3A_211, %swap3A_212] {strides = array<i32>} : memref<128x64xf32, #tpu.memory_space<vmem>>, vector<1x16xf32>,
      %swap3A_214 = vector.shape_cast %swap3A_213 : vector<1x16xf32> to vector<16xf32>
      %swap3A_215 = vector.shape_cast %broadcast_in_dim3A_210 : vector<16xf32> to vector<1x16xf32>
      tpu.vector_store %arg6[%swap3A_211, %swap3A_212], %swap3A_215 {strides = array<i32>} : memref<128x64xf32, #tpu.memory_space<vmem>>, vector<1x16xf32>,
      %swap3A_216 = arith.constant 0 : i32
      %swap3A_217 = arith.index_cast %swap3A_216 : i32 to index
      %swap3A_218 = arith.constant 16 : index
      %swap3A_219 = tpu.vector_load %arg6[%swap3A_217, %swap3A_218] {strides = array<i32>} : memref<128x64xf32, #tpu.memory_space<vmem>>, vector<1x16xf32>,
      %swap3A_220 = vector.shape_cast %swap3A_219 : vector<1x16xf32> to vector<16xf32>
      %swap3A_221 = vector.shape_cast %broadcast_in_dim3A_210 : vector<16xf32> to vector<1x16xf32>
      tpu.vector_store %arg6[%swap3A_217, %swap3A_218], %swap3A_221 {strides = array<i32>} : memref<128x64xf32, #tpu.memory_space<vmem>>, vector<1x16xf32>,
      %swap3A_222 = arith.constant 0 : i32
      %swap3A_223 = arith.index_cast %swap3A_222 : i32 to index
      %swap3A_224 = arith.constant 32 : index
      %swap3A_225 = tpu.vector_load %arg6[%swap3A_223, %swap3A_224] {strides = array<i32>} : memref<128x64xf32, #tpu.memory_space<vmem>>, vector<1x16xf32>,
      %swap3A_226 = vector.shape_cast %swap3A_225 : vector<1x16xf32> to vector<16xf32>
      %swap3A_227 = vector.shape_cast %broadcast_in_dim3A_210 : vector<16xf32> to vector<1x16xf32>
      tpu.vector_store %arg6[%swap3A_223, %swap3A_224], %swap3A_227 {strides = array<i32>} : memref<128x64xf32, #tpu.memory_space<vmem>>, vector<1x16xf32>,
      %swap3A_228 = arith.constant 0 : i32
      %swap3A_229 = arith.index_cast %swap3A_228 : i32 to index
      %swap3A_230 = arith.constant 48 : index
      %swap3A_231 = tpu.vector_load %arg6[%swap3A_229, %swap3A_230] {strides = array<i32>} : memref<128x64xf32, #tpu.memory_space<vmem>>, vector<1x16xf32>,
      %swap3A_232 = vector.shape_cast %swap3A_231 : vector<1x16xf32> to vector<16xf32>
      %swap3A_233 = vector.shape_cast %broadcast_in_dim3A_210 : vector<16xf32> to vector<1x16xf32>
      tpu.vector_store %arg6[%swap3A_229, %swap3A_230], %swap3A_233 {strides = array<i32>} : memref<128x64xf32, #tpu.memory_space<vmem>>, vector<1x16xf32>,
      %swap3A_234 = arith.constant 1 : i32
      %swap3A_235 = arith.index_cast %swap3A_234 : i32 to index
      %swap3A_236 = arith.constant 0 : index
      %swap3A_237 = tpu.vector_load %arg6[%swap3A_235, %swap3A_236] {strides = array<i32>} : memref<128x64xf32, #tpu.memory_space<vmem>>, vector<1x16xf32>,
      %swap3A_238 = vector.shape_cast %swap3A_237 : vector<1x16xf32> to vector<16xf32>
      %swap3A_239 = vector.shape_cast %broadcast_in_dim3A_210 : vector<16xf32> to vector<1x16xf32>
      tpu.vector_store %arg6[%swap3A_235, %swap3A_236], %swap3A_239 {strides = array<i32>} : memref<128x64xf32, #tpu.memory_space<vmem>>, vector<1x16xf32>,
      %swap3A_240 = arith.constant 1 : i32
      %swap3A_241 = arith.index_cast %swap3A_240 : i32 to index
      %swap3A_242 = arith.constant 16 : index
      %swap3A_243 = tpu.vector_load %arg6[%swap3A_241, %swap3A_242] {strides = array<i32>} : memref<128x64xf32, #tpu.memory_space<vmem>>, vector<1x16xf32>,
      %swap3A_244 = vector.shape_cast %swap3A_243 : vector<1x16xf32> to vector<16xf32>
      %swap3A_245 = vector.shape_cast %broadcast_in_dim3A_210 : vector<16xf32> to vector<1x16xf32>
      tpu.vector_store %arg6[%swap3A_241, %swap3A_242], %swap3A_245 {strides = array<i32>} : memref<128x64xf32, #tpu.memory_space<vmem>>, vector<1x16xf32>,
      %swap3A_246 = arith.constant 1 : i32
      %swap3A_247 = arith.index_cast %swap3A_246 : i32 to index
      %swap3A_248 = arith.constant 32 : index
      %swap3A_249 = tpu.vector_load %arg6[%swap3A_247, %swap3A_248] {strides = array<i32>} : memref<128x64xf32, #tpu.memory_space<vmem>>, vector<1x16xf32>,
      %swap3A_250 = vector.shape_cast %swap3A_249 : vector<1x16xf32> to vector<16xf32>
      %swap3A_251 = vector.shape_cast %broadcast_in_dim3A_210 : vector<16xf32> to vector<1x16xf32>
      tpu.vector_store %arg6[%swap3A_247, %swap3A_248], %swap3A_251 {strides = array<i32>} : memref<128x64xf32, #tpu.memory_space<vmem>>, vector<1x16xf32>,
      %swap3A_252 = arith.constant 1 : i32
      %swap3A_253 = arith.index_cast %swap3A_252 : i32 to index
      %swap3A_254 = arith.constant 48 : index
      %swap3A_255 = tpu.vector_load %arg6[%swap3A_253, %swap3A_254] {strides = array<i32>} : memref<128x64xf32, #tpu.memory_space<vmem>>, vector<1x16xf32>,
      %swap3A_256 = vector.shape_cast %swap3A_255 : vector<1x16xf32> to vector<16xf32>
      %swap3A_257 = vector.shape_cast %broadcast_in_dim3A_210 : vector<16xf32> to vector<1x16xf32>
      tpu.vector_store %arg6[%swap3A_253, %swap3A_254], %swap3A_257 {strides = array<i32>} : memref<128x64xf32, #tpu.memory_space<vmem>>, vector<1x16xf32>,
      %swap3A_258 = arith.constant 2 : i32
      %swap3A_259 = arith.index_cast %swap3A_258 : i32 to index
      %swap3A_260 = arith.constant 0 : index
      %swap3A_261 = tpu.vector_load %arg6[%swap3A_259, %swap3A_260] {strides = array<i32>} : memref<128x64xf32, #tpu.memory_space<vmem>>, vector<1x16xf32>,
      %swap3A_262 = vector.shape_cast %swap3A_261 : vector<1x16xf32> to vector<16xf32>
      %swap3A_263 = vector.shape_cast %broadcast_in_dim3A_210 : vector<16xf32> to vector<1x16xf32>
      tpu.vector_store %arg6[%swap3A_259, %swap3A_260], %swap3A_263 {strides = array<i32>} : memref<128x64xf32, #tpu.memory_space<vmem>>, vector<1x16xf32>,
      %swap3A_264 = arith.constant 2 : i32
      %swap3A_265 = arith.index_cast %swap3A_264 : i32 to index
      %swap3A_266 = arith.constant 16 : index
      %swap3A_267 = tpu.vector_load %arg6[%swap3A_265, %swap3A_266] {strides = array<i32>} : memref<128x64xf32, #tpu.memory_space<vmem>>, vector<1x16xf32>,
      %swap3A_268 = vector.shape_cast %swap3A_267 : vector<1x16xf32> to vector<16xf32>
      %swap3A_269 = vector.shape_cast %broadcast_in_dim3A_210 : vector<16xf32> to vector<1x16xf32>
      tpu.vector_store %arg6[%swap3A_265, %swap3A_266], %swap3A_269 {strides = array<i32>} : memref<128x64xf32, #tpu.memory_space<vmem>>, vector<1x16xf32>,
      %swap3A_270 = arith.constant 2 : i32
      %swap3A_271 = arith.index_cast %swap3A_270 : i32 to index
      %swap3A_272 = arith.constant 32 : index
      %swap3A_273 = tpu.vector_load %arg6[%swap3A_271, %swap3A_272] {strides = array<i32>} : memref<128x64xf32, #tpu.memory_space<vmem>>, vector<1x16xf32>,
      %swap3A_274 = vector.shape_cast %swap3A_273 : vector<1x16xf32> to vector<16xf32>
      %swap3A_275 = vector.shape_cast %broadcast_in_dim3A_210 : vector<16xf32> to vector<1x16xf32>
      tpu.vector_store %arg6[%swap3A_271, %swap3A_272], %swap3A_275 {strides = array<i32>} : memref<128x64xf32, #tpu.memory_space<vmem>>, vector<1x16xf32>,
      %swap3A_276 = arith.constant 2 : i32
      %swap3A_277 = arith.index_cast %swap3A_276 : i32 to index
      %swap3A_278 = arith.constant 48 : index
      %swap3A_279 = tpu.vector_load %arg6[%swap3A_277, %swap3A_278] {strides = array<i32>} : memref<128x64xf32, #tpu.memory_space<vmem>>, vector<1x16xf32>,
      %swap3A_280 = vector.shape_cast %swap3A_279 : vector<1x16xf32> to vector<16xf32>
      %swap3A_281 = vector.shape_cast %broadcast_in_dim3A_210 : vector<16xf32> to vector<1x16xf32>
      tpu.vector_store %arg6[%swap3A_277, %swap3A_278], %swap3A_281 {strides = array<i32>} : memref<128x64xf32, #tpu.memory_space<vmem>>, vector<1x16xf32>,
      %swap3A_282 = arith.constant 3 : i32
      %swap3A_283 = arith.index_cast %swap3A_282 : i32 to index
      %swap3A_284 = arith.constant 0 : index
      %swap3A_285 = tpu.vector_load %arg6[%swap3A_283, %swap3A_284] {strides = array<i32>} : memref<128x64xf32, #tpu.memory_space<vmem>>, vector<1x16xf32>,
      %swap3A_286 = vector.shape_cast %swap3A_285 : vector<1x16xf32> to vector<16xf32>
      %swap3A_287 = vector.shape_cast %broadcast_in_dim3A_210 : vector<16xf32> to vector<1x16xf32>
      tpu.vector_store %arg6[%swap3A_283, %swap3A_284], %swap3A_287 {strides = array<i32>} : memref<128x64xf32, #tpu.memory_space<vmem>>, vector<1x16xf32>,
      %swap3A_288 = arith.constant 3 : i32
      %swap3A_289 = arith.index_cast %swap3A_288 : i32 to index
      %swap3A_290 = arith.constant 16 : index
      %swap3A_291 = tpu.vector_load %arg6[%swap3A_289, %swap3A_290] {strides = array<i32>} : memref<128x64xf32, #tpu.memory_space<vmem>>, vector<1x16xf32>,
      %swap3A_292 = vector.shape_cast %swap3A_291 : vector<1x16xf32> to vector<16xf32>
      %swap3A_293 = vector.shape_cast %broadcast_in_dim3A_210 : vector<16xf32> to vector<1x16xf32>
      tpu.vector_store %arg6[%swap3A_289, %swap3A_290], %swap3A_293 {strides = array<i32>} : memref<128x64xf32, #tpu.memory_space<vmem>>, vector<1x16xf32>,
      %swap3A_294 = arith.constant 3 : i32
      %swap3A_295 = arith.index_cast %swap3A_294 : i32 to index
      %swap3A_296 = arith.constant 32 : index
      %swap3A_297 = tpu.vector_load %arg6[%swap3A_295, %swap3A_296] {strides = array<i32>} : memref<128x64xf32, #tpu.memory_space<vmem>>, vector<1x16xf32>,
      %swap3A_298 = vector.shape_cast %swap3A_297 : vector<1x16xf32> to vector<16xf32>
      %swap3A_299 = vector.shape_cast %broadcast_in_dim3A_210 : vector<16xf32> to vector<1x16xf32>
      tpu.vector_store %arg6[%swap3A_295, %swap3A_296], %swap3A_299 {strides = array<i32>} : memref<128x64xf32, #tpu.memory_space<vmem>>, vector<1x16xf32>,
      %swap3A_300 = arith.constant 3 : i32
      %swap3A_301 = arith.index_cast %swap3A_300 : i32 to index
      %swap3A_302 = arith.constant 48 : index
      %swap3A_303 = tpu.vector_load %arg6[%swap3A_301, %swap3A_302] {strides = array<i32>} : memref<128x64xf32, #tpu.memory_space<vmem>>, vector<1x16xf32>,
      %swap3A_304 = vector.shape_cast %swap3A_303 : vector<1x16xf32> to vector<16xf32>
      %swap3A_305 = vector.shape_cast %broadcast_in_dim3A_210 : vector<16xf32> to vector<1x16xf32>
      tpu.vector_store %arg6[%swap3A_301, %swap3A_302], %swap3A_305 {strides = array<i32>} : memref<128x64xf32, #tpu.memory_space<vmem>>, vector<1x16xf32>,
      %swap3A_306 = arith.constant 4 : i32
      %swap3A_307 = arith.index_cast %swap3A_306 : i32 to index
      %swap3A_308 = arith.constant 0 : index
      %swap3A_309 = tpu.vector_load %arg6[%swap3A_307, %swap3A_308] {strides = array<i32>} : memref<128x64xf32, #tpu.memory_space<vmem>>, vector<1x16xf32>,
      %swap3A_310 = vector.shape_cast %swap3A_309 : vector<1x16xf32> to vector<16xf32>
      %swap3A_311 = vector.shape_cast %broadcast_in_dim3A_210 : vector<16xf32> to vector<1x16xf32>
      tpu.vector_store %arg6[%swap3A_307, %swap3A_308], %swap3A_311 {strides = array<i32>} : memref<128x64xf32, #tpu.memory_space<vmem>>, vector<1x16xf32>,
      %swap3A_312 = arith.constant 4 : i32
      %swap3A_313 = arith.index_cast %swap3A_312 : i32 to index
      %swap3A_314 = arith.constant 16 : index
      %swap3A_315 = tpu.vector_load %arg6[%swap3A_313, %swap3A_314] {strides = array<i32>} : memref<128x64xf32, #tpu.memory_space<vmem>>, vector<1x16xf32>,
      %swap3A_316 = vector.shape_cast %swap3A_315 : vector<1x16xf32> to vector<16xf32>
      %swap3A_317 = vector.shape_cast %broadcast_in_dim3A_210 : vector<16xf32> to vector<1x16xf32>
      tpu.vector_store %arg6[%swap3A_313, %swap3A_314], %swap3A_317 {strides = array<i32>} : memref<128x64xf32, #tpu.memory_space<vmem>>, vector<1x16xf32>,
      %swap3A_318 = arith.constant 4 : i32
      %swap3A_319 = arith.index_cast %swap3A_318 : i32 to index
      %swap3A_320 = arith.constant 32 : index
      %swap3A_321 = tpu.vector_load %arg6[%swap3A_319, %swap3A_320] {strides = array<i32>} : memref<128x64xf32, #tpu.memory_space<vmem>>, vector<1x16xf32>,
      %swap3A_322 = vector.shape_cast %swap3A_321 : vector<1x16xf32> to vector<16xf32>
      %swap3A_323 = vector.shape_cast %broadcast_in_dim3A_210 : vector<16xf32> to vector<1x16xf32>
      tpu.vector_store %arg6[%swap3A_319, %swap3A_320], %swap3A_323 {strides = array<i32>} : memref<128x64xf32, #tpu.memory_space<vmem>>, vector<1x16xf32>,
      %swap3A_324 = arith.constant 4 : i32
      %swap3A_325 = arith.index_cast %swap3A_324 : i32 to index
      %swap3A_326 = arith.constant 48 : index
      %swap3A_327 = tpu.vector_load %arg6[%swap3A_325, %swap3A_326] {strides = array<i32>} : memref<128x64xf32, #tpu.memory_space<vmem>>, vector<1x16xf32>,
      %swap3A_328 = vector.shape_cast %swap3A_327 : vector<1x16xf32> to vector<16xf32>
      %swap3A_329 = vector.shape_cast %broadcast_in_dim3A_210 : vector<16xf32> to vector<1x16xf32>
      tpu.vector_store %arg6[%swap3A_325, %swap3A_326], %swap3A_329 {strides = array<i32>} : memref<128x64xf32, #tpu.memory_space<vmem>>, vector<1x16xf32>,
      %swap3A_330 = arith.constant 5 : i32
      %swap3A_331 = arith.index_cast %swap3A_330 : i32 to index
      %swap3A_332 = arith.constant 0 : index
      %swap3A_333 = tpu.vector_load %arg6[%swap3A_331, %swap3A_332] {strides = array<i32>} : memref<128x64xf32, #tpu.memory_space<vmem>>, vector<1x16xf32>,
      %swap3A_334 = vector.shape_cast %swap3A_333 : vector<1x16xf32> to vector<16xf32>
      %swap3A_335 = vector.shape_cast %broadcast_in_dim3A_210 : vector<16xf32> to vector<1x16xf32>
      tpu.vector_store %arg6[%swap3A_331, %swap3A_332], %swap3A_335 {strides = array<i32>} : memref<128x64xf32, #tpu.memory_space<vmem>>, vector<1x16xf32>,
      %swap3A_336 = arith.constant 5 : i32
      %swap3A_337 = arith.index_cast %swap3A_336 : i32 to index
      %swap3A_338 = arith.constant 16 : index
      %swap3A_339 = tpu.vector_load %arg6[%swap3A_337, %swap3A_338] {strides = array<i32>} : memref<128x64xf32, #tpu.memory_space<vmem>>, vector<1x16xf32>,
      %swap3A_340 = vector.shape_cast %swap3A_339 : vector<1x16xf32> to vector<16xf32>
      %swap3A_341 = vector.shape_cast %broadcast_in_dim3A_210 : vector<16xf32> to vector<1x16xf32>
      tpu.vector_store %arg6[%swap3A_337, %swap3A_338], %swap3A_341 {strides = array<i32>} : memref<128x64xf32, #tpu.memory_space<vmem>>, vector<1x16xf32>,
      %swap3A_342 = arith.constant 5 : i32
      %swap3A_343 = arith.index_cast %swap3A_342 : i32 to index
      %swap3A_344 = arith.constant 32 : index
      %swap3A_345 = tpu.vector_load %arg6[%swap3A_343, %swap3A_344] {strides = array<i32>} : memref<128x64xf32, #tpu.memory_space<vmem>>, vector<1x16xf32>,
      %swap3A_346 = vector.shape_cast %swap3A_345 : vector<1x16xf32> to vector<16xf32>
      %swap3A_347 = vector.shape_cast %broadcast_in_dim3A_210 : vector<16xf32> to vector<1x16xf32>
      tpu.vector_store %arg6[%swap3A_343, %swap3A_344], %swap3A_347 {strides = array<i32>} : memref<128x64xf32, #tpu.memory_space<vmem>>, vector<1x16xf32>,
      %swap3A_348 = arith.constant 5 : i32
      %swap3A_349 = arith.index_cast %swap3A_348 : i32 to index
      %swap3A_350 = arith.constant 48 : index
      %swap3A_351 = tpu.vector_load %arg6[%swap3A_349, %swap3A_350] {strides = array<i32>} : memref<128x64xf32, #tpu.memory_space<vmem>>, vector<1x16xf32>,
      %swap3A_352 = vector.shape_cast %swap3A_351 : vector<1x16xf32> to vector<16xf32>
      %swap3A_353 = vector.shape_cast %broadcast_in_dim3A_210 : vector<16xf32> to vector<1x16xf32>
      tpu.vector_store %arg6[%swap3A_349, %swap3A_350], %swap3A_353 {strides = array<i32>} : memref<128x64xf32, #tpu.memory_space<vmem>>, vector<1x16xf32>,
      %swap3A_354 = arith.constant 6 : i32
      %swap3A_355 = arith.index_cast %swap3A_354 : i32 to index
      %swap3A_356 = arith.constant 0 : index
      %swap3A_357 = tpu.vector_load %arg6[%swap3A_355, %swap3A_356] {strides = array<i32>} : memref<128x64xf32, #tpu.memory_space<vmem>>, vector<1x16xf32>,
      %swap3A_358 = vector.shape_cast %swap3A_357 : vector<1x16xf32> to vector<16xf32>
      %swap3A_359 = vector.shape_cast %broadcast_in_dim3A_210 : vector<16xf32> to vector<1x16xf32>
      tpu.vector_store %arg6[%swap3A_355, %swap3A_356], %swap3A_359 {strides = array<i32>} : memref<128x64xf32, #tpu.memory_space<vmem>>, vector<1x16xf32>,
      %swap3A_360 = arith.constant 6 : i32
      %swap3A_361 = arith.index_cast %swap3A_360 : i32 to index
      %swap3A_362 = arith.constant 16 : index
      %swap3A_363 = tpu.vector_load %arg6[%swap3A_361, %swap3A_362] {strides = array<i32>} : memref<128x64xf32, #tpu.memory_space<vmem>>, vector<1x16xf32>,
      %swap3A_364 = vector.shape_cast %swap3A_363 : vector<1x16xf32> to vector<16xf32>
      %swap3A_365 = vector.shape_cast %broadcast_in_dim3A_210 : vector<16xf32> to vector<1x16xf32>
      tpu.vector_store %arg6[%swap3A_361, %swap3A_362], %swap3A_365 {strides = array<i32>} : memref<128x64xf32, #tpu.memory_space<vmem>>, vector<1x16xf32>,
      %swap3A_366 = arith.constant 6 : i32
      %swap3A_367 = arith.index_cast %swap3A_366 : i32 to index
      %swap3A_368 = arith.constant 32 : index
      %swap3A_369 = tpu.vector_load %arg6[%swap3A_367, %swap3A_368] {strides = array<i32>} : memref<128x64xf32, #tpu.memory_space<vmem>>, vector<1x16xf32>,
      %swap3A_370 = vector.shape_cast %swap3A_369 : vector<1x16xf32> to vector<16xf32>
      %swap3A_371 = vector.shape_cast %broadcast_in_dim3A_210 : vector<16xf32> to vector<1x16xf32>
      tpu.vector_store %arg6[%swap3A_367, %swap3A_368], %swap3A_371 {strides = array<i32>} : memref<128x64xf32, #tpu.memory_space<vmem>>, vector<1x16xf32>,
      %swap3A_372 = arith.constant 6 : i32
      %swap3A_373 = arith.index_cast %swap3A_372 : i32 to index
      %swap3A_374 = arith.constant 48 : index
      %swap3A_375 = tpu.vector_load %arg6[%swap3A_373, %swap3A_374] {strides = array<i32>} : memref<128x64xf32, #tpu.memory_space<vmem>>, vector<1x16xf32>,
      %swap3A_376 = vector.shape_cast %swap3A_375 : vector<1x16xf32> to vector<16xf32>
      %swap3A_377 = vector.shape_cast %broadcast_in_dim3A_210 : vector<16xf32> to vector<1x16xf32>
      tpu.vector_store %arg6[%swap3A_373, %swap3A_374], %swap3A_377 {strides = array<i32>} : memref<128x64xf32, #tpu.memory_space<vmem>>, vector<1x16xf32>,
      %swap3A_378 = arith.constant 7 : i32
      %swap3A_379 = arith.index_cast %swap3A_378 : i32 to index
      %swap3A_380 = arith.constant 0 : index
      %swap3A_381 = tpu.vector_load %arg6[%swap3A_379, %swap3A_380] {strides = array<i32>} : memref<128x64xf32, #tpu.memory_space<vmem>>, vector<1x16xf32>,
      %swap3A_382 = vector.shape_cast %swap3A_381 : vector<1x16xf32> to vector<16xf32>
      %swap3A_383 = vector.shape_cast %broadcast_in_dim3A_210 : vector<16xf32> to vector<1x16xf32>
      tpu.vector_store %arg6[%swap3A_379, %swap3A_380], %swap3A_383 {strides = array<i32>} : memref<128x64xf32, #tpu.memory_space<vmem>>, vector<1x16xf32>,
      %swap3A_384 = arith.constant 7 : i32
      %swap3A_385 = arith.index_cast %swap3A_384 : i32 to index
      %swap3A_386 = arith.constant 16 : index
      %swap3A_387 = tpu.vector_load %arg6[%swap3A_385, %swap3A_386] {strides = array<i32>} : memref<128x64xf32, #tpu.memory_space<vmem>>, vector<1x16xf32>,
      %swap3A_388 = vector.shape_cast %swap3A_387 : vector<1x16xf32> to vector<16xf32>
      %swap3A_389 = vector.shape_cast %broadcast_in_dim3A_210 : vector<16xf32> to vector<1x16xf32>
      tpu.vector_store %arg6[%swap3A_385, %swap3A_386], %swap3A_389 {strides = array<i32>} : memref<128x64xf32, #tpu.memory_space<vmem>>, vector<1x16xf32>,
      %swap3A_390 = arith.constant 7 : i32
      %swap3A_391 = arith.index_cast %swap3A_390 : i32 to index
      %swap3A_392 = arith.constant 32 : index
      %swap3A_393 = tpu.vector_load %arg6[%swap3A_391, %swap3A_392] {strides = array<i32>} : memref<128x64xf32, #tpu.memory_space<vmem>>, vector<1x16xf32>,
      %swap3A_394 = vector.shape_cast %swap3A_393 : vector<1x16xf32> to vector<16xf32>
      %swap3A_395 = vector.shape_cast %broadcast_in_dim3A_210 : vector<16xf32> to vector<1x16xf32>
      tpu.vector_store %arg6[%swap3A_391, %swap3A_392], %swap3A_395 {strides = array<i32>} : memref<128x64xf32, #tpu.memory_space<vmem>>, vector<1x16xf32>,
      %swap3A_396 = arith.constant 7 : i32
      %swap3A_397 = arith.index_cast %swap3A_396 : i32 to index
      %swap3A_398 = arith.constant 48 : index
      %swap3A_399 = tpu.vector_load %arg6[%swap3A_397, %swap3A_398] {strides = array<i32>} : memref<128x64xf32, #tpu.memory_space<vmem>>, vector<1x16xf32>,
      %swap3A_400 = vector.shape_cast %swap3A_399 : vector<1x16xf32> to vector<16xf32>
      %swap3A_401 = vector.shape_cast %broadcast_in_dim3A_210 : vector<16xf32> to vector<1x16xf32>
      tpu.vector_store %arg6[%swap3A_397, %swap3A_398], %swap3A_401 {strides = array<i32>} : memref<128x64xf32, #tpu.memory_space<vmem>>, vector<1x16xf32>,
      %swap3A_402 = arith.constant 8 : i32
      %swap3A_403 = arith.index_cast %swap3A_402 : i32 to index
      %swap3A_404 = arith.constant 0 : index
      %swap3A_405 = tpu.vector_load %arg6[%swap3A_403, %swap3A_404] {strides = array<i32>} : memref<128x64xf32, #tpu.memory_space<vmem>>, vector<1x16xf32>,
      %swap3A_406 = vector.shape_cast %swap3A_405 : vector<1x16xf32> to vector<16xf32>
      %swap3A_407 = vector.shape_cast %broadcast_in_dim3A_210 : vector<16xf32> to vector<1x16xf32>
      tpu.vector_store %arg6[%swap3A_403, %swap3A_404], %swap3A_407 {strides = array<i32>} : memref<128x64xf32, #tpu.memory_space<vmem>>, vector<1x16xf32>,
      %swap3A_408 = arith.constant 8 : i32
      %swap3A_409 = arith.index_cast %swap3A_408 : i32 to index
      %swap3A_410 = arith.constant 16 : index
      %swap3A_411 = tpu.vector_load %arg6[%swap3A_409, %swap3A_410] {strides = array<i32>} : memref<128x64xf32, #tpu.memory_space<vmem>>, vector<1x16xf32>,
      %swap3A_412 = vector.shape_cast %swap3A_411 : vector<1x16xf32> to vector<16xf32>
      %swap3A_413 = vector.shape_cast %broadcast_in_dim3A_210 : vector<16xf32> to vector<1x16xf32>
      tpu.vector_store %arg6[%swap3A_409, %swap3A_410], %swap3A_413 {strides = array<i32>} : memref<128x64xf32, #tpu.memory_space<vmem>>, vector<1x16xf32>,
      %swap3A_414 = arith.constant 8 : i32
      %swap3A_415 = arith.index_cast %swap3A_414 : i32 to index
      %swap3A_416 = arith.constant 32 : index
      %swap3A_417 = tpu.vector_load %arg6[%swap3A_415, %swap3A_416] {strides = array<i32>} : memref<128x64xf32, #tpu.memory_space<vmem>>, vector<1x16xf32>,
      %swap3A_418 = vector.shape_cast %swap3A_417 : vector<1x16xf32> to vector<16xf32>
      %swap3A_419 = vector.shape_cast %broadcast_in_dim3A_210 : vector<16xf32> to vector<1x16xf32>
      tpu.vector_store %arg6[%swap3A_415, %swap3A_416], %swap3A_419 {strides = array<i32>} : memref<128x64xf32, #tpu.memory_space<vmem>>, vector<1x16xf32>,
      %swap3A_420 = arith.constant 8 : i32
      %swap3A_421 = arith.index_cast %swap3A_420 : i32 to index
      %swap3A_422 = arith.constant 48 : index
      %swap3A_423 = tpu.vector_load %arg6[%swap3A_421, %swap3A_422] {strides = array<i32>} : memref<128x64xf32, #tpu.memory_space<vmem>>, vector<1x16xf32>,
      %swap3A_424 = vector.shape_cast %swap3A_423 : vector<1x16xf32> to vector<16xf32>
      %swap3A_425 = vector.shape_cast %broadcast_in_dim3A_210 : vector<16xf32> to vector<1x16xf32>
      tpu.vector_store %arg6[%swap3A_421, %swap3A_422], %swap3A_425 {strides = array<i32>} : memref<128x64xf32, #tpu.memory_space<vmem>>, vector<1x16xf32>,
      %swap3A_426 = arith.constant 9 : i32
      %swap3A_427 = arith.index_cast %swap3A_426 : i32 to index
      %swap3A_428 = arith.constant 0 : index
      %swap3A_429 = tpu.vector_load %arg6[%swap3A_427, %swap3A_428] {strides = array<i32>} : memref<128x64xf32, #tpu.memory_space<vmem>>, vector<1x16xf32>,
      %swap3A_430 = vector.shape_cast %swap3A_429 : vector<1x16xf32> to vector<16xf32>
      %swap3A_431 = vector.shape_cast %broadcast_in_dim3A_210 : vector<16xf32> to vector<1x16xf32>
      tpu.vector_store %arg6[%swap3A_427, %swap3A_428], %swap3A_431 {strides = array<i32>} : memref<128x64xf32, #tpu.memory_space<vmem>>, vector<1x16xf32>,
      %swap3A_432 = arith.constant 9 : i32
      %swap3A_433 = arith.index_cast %swap3A_432 : i32 to index
      %swap3A_434 = arith.constant 16 : index
      %swap3A_435 = tpu.vector_load %arg6[%swap3A_433, %swap3A_434] {strides = array<i32>} : memref<128x64xf32, #tpu.memory_space<vmem>>, vector<1x16xf32>,
      %swap3A_436 = vector.shape_cast %swap3A_435 : vector<1x16xf32> to vector<16xf32>
      %swap3A_437 = vector.shape_cast %broadcast_in_dim3A_210 : vector<16xf32> to vector<1x16xf32>
      tpu.vector_store %arg6[%swap3A_433, %swap3A_434], %swap3A_437 {strides = array<i32>} : memref<128x64xf32, #tpu.memory_space<vmem>>, vector<1x16xf32>,
      %swap3A_438 = arith.constant 9 : i32
      %swap3A_439 = arith.index_cast %swap3A_438 : i32 to index
      %swap3A_440 = arith.constant 32 : index
      %swap3A_441 = tpu.vector_load %arg6[%swap3A_439, %swap3A_440] {strides = array<i32>} : memref<128x64xf32, #tpu.memory_space<vmem>>, vector<1x16xf32>,
      %swap3A_442 = vector.shape_cast %swap3A_441 : vector<1x16xf32> to vector<16xf32>
      %swap3A_443 = vector.shape_cast %broadcast_in_dim3A_210 : vector<16xf32> to vector<1x16xf32>
      tpu.vector_store %arg6[%swap3A_439, %swap3A_440], %swap3A_443 {strides = array<i32>} : memref<128x64xf32, #tpu.memory_space<vmem>>, vector<1x16xf32>,
      %swap3A_444 = arith.constant 9 : i32
      %swap3A_445 = arith.index_cast %swap3A_444 : i32 to index
      %swap3A_446 = arith.constant 48 : index
      %swap3A_447 = tpu.vector_load %arg6[%swap3A_445, %swap3A_446] {strides = array<i32>} : memref<128x64xf32, #tpu.memory_space<vmem>>, vector<1x16xf32>,
      %swap3A_448 = vector.shape_cast %swap3A_447 : vector<1x16xf32> to vector<16xf32>
      %swap3A_449 = vector.shape_cast %broadcast_in_dim3A_210 : vector<16xf32> to vector<1x16xf32>
      tpu.vector_store %arg6[%swap3A_445, %swap3A_446], %swap3A_449 {strides = array<i32>} : memref<128x64xf32, #tpu.memory_space<vmem>>, vector<1x16xf32>,
      %swap3A_450 = arith.constant 10 : i32
      %swap3A_451 = arith.index_cast %swap3A_450 : i32 to index
      %swap3A_452 = arith.constant 0 : index
      %swap3A_453 = tpu.vector_load %arg6[%swap3A_451, %swap3A_452] {strides = array<i32>} : memref<128x64xf32, #tpu.memory_space<vmem>>, vector<1x16xf32>,
      %swap3A_454 = vector.shape_cast %swap3A_453 : vector<1x16xf32> to vector<16xf32>
      %swap3A_455 = vector.shape_cast %broadcast_in_dim3A_210 : vector<16xf32> to vector<1x16xf32>
      tpu.vector_store %arg6[%swap3A_451, %swap3A_452], %swap3A_455 {strides = array<i32>} : memref<128x64xf32, #tpu.memory_space<vmem>>, vector<1x16xf32>,
      %swap3A_456 = arith.constant 10 : i32
      %swap3A_457 = arith.index_cast %swap3A_456 : i32 to index
      %swap3A_458 = arith.constant 16 : index
      %swap3A_459 = tpu.vector_load %arg6[%swap3A_457, %swap3A_458] {strides = array<i32>} : memref<128x64xf32, #tpu.memory_space<vmem>>, vector<1x16xf32>,
      %swap3A_460 = vector.shape_cast %swap3A_459 : vector<1x16xf32> to vector<16xf32>
      %swap3A_461 = vector.shape_cast %broadcast_in_dim3A_210 : vector<16xf32> to vector<1x16xf32>
      tpu.vector_store %arg6[%swap3A_457, %swap3A_458], %swap3A_461 {strides = array<i32>} : memref<128x64xf32, #tpu.memory_space<vmem>>, vector<1x16xf32>,
      %swap3A_462 = arith.constant 10 : i32
      %swap3A_463 = arith.index_cast %swap3A_462 : i32 to index
      %swap3A_464 = arith.constant 32 : index
      %swap3A_465 = tpu.vector_load %arg6[%swap3A_463, %swap3A_464] {strides = array<i32>} : memref<128x64xf32, #tpu.memory_space<vmem>>, vector<1x16xf32>,
      %swap3A_466 = vector.shape_cast %swap3A_465 : vector<1x16xf32> to vector<16xf32>
      %swap3A_467 = vector.shape_cast %broadcast_in_dim3A_210 : vector<16xf32> to vector<1x16xf32>
      tpu.vector_store %arg6[%swap3A_463, %swap3A_464], %swap3A_467 {strides = array<i32>} : memref<128x64xf32, #tpu.memory_space<vmem>>, vector<1x16xf32>,
      %swap3A_468 = arith.constant 10 : i32
      %swap3A_469 = arith.index_cast %swap3A_468 : i32 to index
      %swap3A_470 = arith.constant 48 : index
      %swap3A_471 = tpu.vector_load %arg6[%swap3A_469, %swap3A_470] {strides = array<i32>} : memref<128x64xf32, #tpu.memory_space<vmem>>, vector<1x16xf32>,
      %swap3A_472 = vector.shape_cast %swap3A_471 : vector<1x16xf32> to vector<16xf32>
      %swap3A_473 = vector.shape_cast %broadcast_in_dim3A_210 : vector<16xf32> to vector<1x16xf32>
      tpu.vector_store %arg6[%swap3A_469, %swap3A_470], %swap3A_473 {strides = array<i32>} : memref<128x64xf32, #tpu.memory_space<vmem>>, vector<1x16xf32>,
      %swap3A_474 = arith.constant 11 : i32
      %swap3A_475 = arith.index_cast %swap3A_474 : i32 to index
      %swap3A_476 = arith.constant 0 : index
      %swap3A_477 = tpu.vector_load %arg6[%swap3A_475, %swap3A_476] {strides = array<i32>} : memref<128x64xf32, #tpu.memory_space<vmem>>, vector<1x16xf32>,
      %swap3A_478 = vector.shape_cast %swap3A_477 : vector<1x16xf32> to vector<16xf32>
      %swap3A_479 = vector.shape_cast %broadcast_in_dim3A_210 : vector<16xf32> to vector<1x16xf32>
      tpu.vector_store %arg6[%swap3A_475, %swap3A_476], %swap3A_479 {strides = array<i32>} : memref<128x64xf32, #tpu.memory_space<vmem>>, vector<1x16xf32>,
      %swap3A_480 = arith.constant 11 : i32
      %swap3A_481 = arith.index_cast %swap3A_480 : i32 to index
      %swap3A_482 = arith.constant 16 : index
      %swap3A_483 = tpu.vector_load %arg6[%swap3A_481, %swap3A_482] {strides = array<i32>} : memref<128x64xf32, #tpu.memory_space<vmem>>, vector<1x16xf32>,
      %swap3A_484 = vector.shape_cast %swap3A_483 : vector<1x16xf32> to vector<16xf32>
      %swap3A_485 = vector.shape_cast %broadcast_in_dim3A_210 : vector<16xf32> to vector<1x16xf32>
      tpu.vector_store %arg6[%swap3A_481, %swap3A_482], %swap3A_485 {strides = array<i32>} : memref<128x64xf32, #tpu.memory_space<vmem>>, vector<1x16xf32>,
      %swap3A_486 = arith.constant 11 : i32
      %swap3A_487 = arith.index_cast %swap3A_486 : i32 to index
      %swap3A_488 = arith.constant 32 : index
      %swap3A_489 = tpu.vector_load %arg6[%swap3A_487, %swap3A_488] {strides = array<i32>} : memref<128x64xf32, #tpu.memory_space<vmem>>, vector<1x16xf32>,
      %swap3A_490 = vector.shape_cast %swap3A_489 : vector<1x16xf32> to vector<16xf32>
      %swap3A_491 = vector.shape_cast %broadcast_in_dim3A_210 : vector<16xf32> to vector<1x16xf32>
      tpu.vector_store %arg6[%swap3A_487, %swap3A_488], %swap3A_491 {strides = array<i32>} : memref<128x64xf32, #tpu.memory_space<vmem>>, vector<1x16xf32>,
      %swap3A_492 = arith.constant 11 : i32
      %swap3A_493 = arith.index_cast %swap3A_492 : i32 to index
      %swap3A_494 = arith.constant 48 : index
      %swap3A_495 = tpu.vector_load %arg6[%swap3A_493, %swap3A_494] {strides = array<i32>} : memref<128x64xf32, #tpu.memory_space<vmem>>, vector<1x16xf32>,
      %swap3A_496 = vector.shape_cast %swap3A_495 : vector<1x16xf32> to vector<16xf32>
      %swap3A_497 = vector.shape_cast %broadcast_in_dim3A_210 : vector<16xf32> to vector<1x16xf32>
      tpu.vector_store %arg6[%swap3A_493, %swap3A_494], %swap3A_497 {strides = array<i32>} : memref<128x64xf32, #tpu.memory_space<vmem>>, vector<1x16xf32>,
      %swap3A_498 = arith.constant 12 : i32
      %swap3A_499 = arith.index_cast %swap3A_498 : i32 to index
      %swap3A_500 = arith.constant 0 : index
      %swap3A_501 = tpu.vector_load %arg6[%swap3A_499, %swap3A_500] {strides = array<i32>} : memref<128x64xf32, #tpu.memory_space<vmem>>, vector<1x16xf32>,
      %swap3A_502 = vector.shape_cast %swap3A_501 : vector<1x16xf32> to vector<16xf32>
      %swap3A_503 = vector.shape_cast %broadcast_in_dim3A_210 : vector<16xf32> to vector<1x16xf32>
      tpu.vector_store %arg6[%swap3A_499, %swap3A_500], %swap3A_503 {strides = array<i32>} : memref<128x64xf32, #tpu.memory_space<vmem>>, vector<1x16xf32>,
      %swap3A_504 = arith.constant 12 : i32
      %swap3A_505 = arith.index_cast %swap3A_504 : i32 to index
      %swap3A_506 = arith.constant 16 : index
      %swap3A_507 = tpu.vector_load %arg6[%swap3A_505, %swap3A_506] {strides = array<i32>} : memref<128x64xf32, #tpu.memory_space<vmem>>, vector<1x16xf32>,
      %swap3A_508 = vector.shape_cast %swap3A_507 : vector<1x16xf32> to vector<16xf32>
      %swap3A_509 = vector.shape_cast %broadcast_in_dim3A_210 : vector<16xf32> to vector<1x16xf32>
      tpu.vector_store %arg6[%swap3A_505, %swap3A_506], %swap3A_509 {strides = array<i32>} : memref<128x64xf32, #tpu.memory_space<vmem>>, vector<1x16xf32>,
      %swap3A_510 = arith.constant 12 : i32
      %swap3A_511 = arith.index_cast %swap3A_510 : i32 to index
      %swap3A_512 = arith.constant 32 : index
      %swap3A_513 = tpu.vector_load %arg6[%swap3A_511, %swap3A_512] {strides = array<i32>} : memref<128x64xf32, #tpu.memory_space<vmem>>, vector<1x16xf32>,
      %swap3A_514 = vector.shape_cast %swap3A_513 : vector<1x16xf32> to vector<16xf32>
      %swap3A_515 = vector.shape_cast %broadcast_in_dim3A_210 : vector<16xf32> to vector<1x16xf32>
      tpu.vector_store %arg6[%swap3A_511, %swap3A_512], %swap3A_515 {strides = array<i32>} : memref<128x64xf32, #tpu.memory_space<vmem>>, vector<1x16xf32>,
      %swap3A_516 = arith.constant 12 : i32
      %swap3A_517 = arith.index_cast %swap3A_516 : i32 to index
      %swap3A_518 = arith.constant 48 : index
      %swap3A_519 = tpu.vector_load %arg6[%swap3A_517, %swap3A_518] {strides = array<i32>} : memref<128x64xf32, #tpu.memory_space<vmem>>, vector<1x16xf32>,
      %swap3A_520 = vector.shape_cast %swap3A_519 : vector<1x16xf32> to vector<16xf32>
      %swap3A_521 = vector.shape_cast %broadcast_in_dim3A_210 : vector<16xf32> to vector<1x16xf32>
      tpu.vector_store %arg6[%swap3A_517, %swap3A_518], %swap3A_521 {strides = array<i32>} : memref<128x64xf32, #tpu.memory_space<vmem>>, vector<1x16xf32>,
      %swap3A_522 = arith.constant 13 : i32
      %swap3A_523 = arith.index_cast %swap3A_522 : i32 to index
      %swap3A_524 = arith.constant 0 : index
      %swap3A_525 = tpu.vector_load %arg6[%swap3A_523, %swap3A_524] {strides = array<i32>} : memref<128x64xf32, #tpu.memory_space<vmem>>, vector<1x16xf32>,
      %swap3A_526 = vector.shape_cast %swap3A_525 : vector<1x16xf32> to vector<16xf32>
      %swap3A_527 = vector.shape_cast %broadcast_in_dim3A_210 : vector<16xf32> to vector<1x16xf32>
      tpu.vector_store %arg6[%swap3A_523, %swap3A_524], %swap3A_527 {strides = array<i32>} : memref<128x64xf32, #tpu.memory_space<vmem>>, vector<1x16xf32>,
      %swap3A_528 = arith.constant 13 : i32
      %swap3A_529 = arith.index_cast %swap3A_528 : i32 to index
      %swap3A_530 = arith.constant 16 : index
      %swap3A_531 = tpu.vector_load %arg6[%swap3A_529, %swap3A_530] {strides = array<i32>} : memref<128x64xf32, #tpu.memory_space<vmem>>, vector<1x16xf32>,
      %swap3A_532 = vector.shape_cast %swap3A_531 : vector<1x16xf32> to vector<16xf32>
      %swap3A_533 = vector.shape_cast %broadcast_in_dim3A_210 : vector<16xf32> to vector<1x16xf32>
      tpu.vector_store %arg6[%swap3A_529, %swap3A_530], %swap3A_533 {strides = array<i32>} : memref<128x64xf32, #tpu.memory_space<vmem>>, vector<1x16xf32>,
      %swap3A_534 = arith.constant 13 : i32
      %swap3A_535 = arith.index_cast %swap3A_534 : i32 to index
      %swap3A_536 = arith.constant 32 : index
      %swap3A_537 = tpu.vector_load %arg6[%swap3A_535, %swap3A_536] {strides = array<i32>} : memref<128x64xf32, #tpu.memory_space<vmem>>, vector<1x16xf32>,
      %swap3A_538 = vector.shape_cast %swap3A_537 : vector<1x16xf32> to vector<16xf32>
      %swap3A_539 = vector.shape_cast %broadcast_in_dim3A_210 : vector<16xf32> to vector<1x16xf32>
      tpu.vector_store %arg6[%swap3A_535, %swap3A_536], %swap3A_539 {strides = array<i32>} : memref<128x64xf32, #tpu.memory_space<vmem>>, vector<1x16xf32>,
      %swap3A_540 = arith.constant 13 : i32
      %swap3A_541 = arith.index_cast %swap3A_540 : i32 to index
      %swap3A_542 = arith.constant 48 : index
      %swap3A_543 = tpu.vector_load %arg6[%swap3A_541, %swap3A_542] {strides = array<i32>} : memref<128x64xf32, #tpu.memory_space<vmem>>, vector<1x16xf32>,
      %swap3A_544 = vector.shape_cast %swap3A_543 : vector<1x16xf32> to vector<16xf32>
      %swap3A_545 = vector.shape_cast %broadcast_in_dim3A_210 : vector<16xf32> to vector<1x16xf32>
      tpu.vector_store %arg6[%swap3A_541, %swap3A_542], %swap3A_545 {strides = array<i32>} : memref<128x64xf32, #tpu.memory_space<vmem>>, vector<1x16xf32>,
      %swap3A_546 = arith.constant 14 : i32
      %swap3A_547 = arith.index_cast %swap3A_546 : i32 to index
      %swap3A_548 = arith.constant 0 : index
      %swap3A_549 = tpu.vector_load %arg6[%swap3A_547, %swap3A_548] {strides = array<i32>} : memref<128x64xf32, #tpu.memory_space<vmem>>, vector<1x16xf32>,
      %swap3A_550 = vector.shape_cast %swap3A_549 : vector<1x16xf32> to vector<16xf32>
      %swap3A_551 = vector.shape_cast %broadcast_in_dim3A_210 : vector<16xf32> to vector<1x16xf32>
      tpu.vector_store %arg6[%swap3A_547, %swap3A_548], %swap3A_551 {strides = array<i32>} : memref<128x64xf32, #tpu.memory_space<vmem>>, vector<1x16xf32>,
      %swap3A_552 = arith.constant 14 : i32
      %swap3A_553 = arith.index_cast %swap3A_552 : i32 to index
      %swap3A_554 = arith.constant 16 : index
      %swap3A_555 = tpu.vector_load %arg6[%swap3A_553, %swap3A_554] {strides = array<i32>} : memref<128x64xf32, #tpu.memory_space<vmem>>, vector<1x16xf32>,
      %swap3A_556 = vector.shape_cast %swap3A_555 : vector<1x16xf32> to vector<16xf32>
      %swap3A_557 = vector.shape_cast %broadcast_in_dim3A_210 : vector<16xf32> to vector<1x16xf32>
      tpu.vector_store %arg6[%swap3A_553, %swap3A_554], %swap3A_557 {strides = array<i32>} : memref<128x64xf32, #tpu.memory_space<vmem>>, vector<1x16xf32>,
      %swap3A_558 = arith.constant 14 : i32
      %swap3A_559 = arith.index_cast %swap3A_558 : i32 to index
      %swap3A_560 = arith.constant 32 : index
      %swap3A_561 = tpu.vector_load %arg6[%swap3A_559, %swap3A_560] {strides = array<i32>} : memref<128x64xf32, #tpu.memory_space<vmem>>, vector<1x16xf32>,
      %swap3A_562 = vector.shape_cast %swap3A_561 : vector<1x16xf32> to vector<16xf32>
      %swap3A_563 = vector.shape_cast %broadcast_in_dim3A_210 : vector<16xf32> to vector<1x16xf32>
      tpu.vector_store %arg6[%swap3A_559, %swap3A_560], %swap3A_563 {strides = array<i32>} : memref<128x64xf32, #tpu.memory_space<vmem>>, vector<1x16xf32>,
      %swap3A_564 = arith.constant 14 : i32
      %swap3A_565 = arith.index_cast %swap3A_564 : i32 to index
      %swap3A_566 = arith.constant 48 : index
      %swap3A_567 = tpu.vector_load %arg6[%swap3A_565, %swap3A_566] {strides = array<i32>} : memref<128x64xf32, #tpu.memory_space<vmem>>, vector<1x16xf32>,
      %swap3A_568 = vector.shape_cast %swap3A_567 : vector<1x16xf32> to vector<16xf32>
      %swap3A_569 = vector.shape_cast %broadcast_in_dim3A_210 : vector<16xf32> to vector<1x16xf32>
      tpu.vector_store %arg6[%swap3A_565, %swap3A_566], %swap3A_569 {strides = array<i32>} : memref<128x64xf32, #tpu.memory_space<vmem>>, vector<1x16xf32>,
      %swap3A_570 = arith.constant 15 : i32
      %swap3A_571 = arith.index_cast %swap3A_570 : i32 to index
      %swap3A_572 = arith.constant 0 : index
      %swap3A_573 = tpu.vector_load %arg6[%swap3A_571, %swap3A_572] {strides = array<i32>} : memref<128x64xf32, #tpu.memory_space<vmem>>, vector<1x16xf32>,
      %swap3A_574 = vector.shape_cast %swap3A_573 : vector<1x16xf32> to vector<16xf32>
      %swap3A_575 = vector.shape_cast %broadcast_in_dim3A_210 : vector<16xf32> to vector<1x16xf32>
      tpu.vector_store %arg6[%swap3A_571, %swap3A_572], %swap3A_575 {strides = array<i32>} : memref<128x64xf32, #tpu.memory_space<vmem>>, vector<1x16xf32>,
      %swap3A_576 = arith.constant 15 : i32
      %swap3A_577 = arith.index_cast %swap3A_576 : i32 to index
      %swap3A_578 = arith.constant 16 : index
      %swap3A_579 = tpu.vector_load %arg6[%swap3A_577, %swap3A_578] {strides = array<i32>} : memref<128x64xf32, #tpu.memory_space<vmem>>, vector<1x16xf32>,
      %swap3A_580 = vector.shape_cast %swap3A_579 : vector<1x16xf32> to vector<16xf32>
      %swap3A_581 = vector.shape_cast %broadcast_in_dim3A_210 : vector<16xf32> to vector<1x16xf32>
      tpu.vector_store %arg6[%swap3A_577, %swap3A_578], %swap3A_581 {strides = array<i32>} : memref<128x64xf32, #tpu.memory_space<vmem>>, vector<1x16xf32>,
      %swap3A_582 = arith.constant 15 : i32
      %swap3A_583 = arith.index_cast %swap3A_582 : i32 to index
      %swap3A_584 = arith.constant 32 : index
      %swap3A_585 = tpu.vector_load %arg6[%swap3A_583, %swap3A_584] {strides = array<i32>} : memref<128x64xf32, #tpu.memory_space<vmem>>, vector<1x16xf32>,
      %swap3A_586 = vector.shape_cast %swap3A_585 : vector<1x16xf32> to vector<16xf32>
      %swap3A_587 = vector.shape_cast %broadcast_in_dim3A_210 : vector<16xf32> to vector<1x16xf32>
      tpu.vector_store %arg6[%swap3A_583, %swap3A_584], %swap3A_587 {strides = array<i32>} : memref<128x64xf32, #tpu.memory_space<vmem>>, vector<1x16xf32>,
      %swap3A_588 = arith.constant 15 : i32
      %swap3A_589 = arith.index_cast %swap3A_588 : i32 to index
      %swap3A_590 = arith.constant 48 : index
      %swap3A_591 = tpu.vector_load %arg6[%swap3A_589, %swap3A_590] {strides = array<i32>} : memref<128x64xf32, #tpu.memory_space<vmem>>, vector<1x16xf32>,
      %swap3A_592 = vector.shape_cast %swap3A_591 : vector<1x16xf32> to vector<16xf32>
      %swap3A_593 = vector.shape_cast %broadcast_in_dim3A_210 : vector<16xf32> to vector<1x16xf32>
      tpu.vector_store %arg6[%swap3A_589, %swap3A_590], %swap3A_593 {strides = array<i32>} : memref<128x64xf32, #tpu.memory_space<vmem>>, vector<1x16xf32>,
      %swap3A_594 = arith.constant 16 : i32
      %swap3A_595 = arith.index_cast %swap3A_594 : i32 to index
      %swap3A_596 = arith.constant 0 : index
      %swap3A_597 = tpu.vector_load %arg6[%swap3A_595, %swap3A_596] {strides = array<i32>} : memref<128x64xf32, #tpu.memory_space<vmem>>, vector<1x16xf32>,
      %swap3A_598 = vector.shape_cast %swap3A_597 : vector<1x16xf32> to vector<16xf32>
      %swap3A_599 = vector.shape_cast %broadcast_in_dim3A_210 : vector<16xf32> to vector<1x16xf32>
      tpu.vector_store %arg6[%swap3A_595, %swap3A_596], %swap3A_599 {strides = array<i32>} : memref<128x64xf32, #tpu.memory_space<vmem>>, vector<1x16xf32>,
      %swap3A_600 = arith.constant 16 : i32
      %swap3A_601 = arith.index_cast %swap3A_600 : i32 to index
      %swap3A_602 = arith.constant 16 : index
      %swap3A_603 = tpu.vector_load %arg6[%swap3A_601, %swap3A_602] {strides = array<i32>} : memref<128x64xf32, #tpu.memory_space<vmem>>, vector<1x16xf32>,
      %swap3A_604 = vector.shape_cast %swap3A_603 : vector<1x16xf32> to vector<16xf32>
      %swap3A_605 = vector.shape_cast %broadcast_in_dim3A_210 : vector<16xf32> to vector<1x16xf32>
      tpu.vector_store %arg6[%swap3A_601, %swap3A_602], %swap3A_605 {strides = array<i32>} : memref<128x64xf32, #tpu.memory_space<vmem>>, vector<1x16xf32>,
      %swap3A_606 = arith.constant 16 : i32
      %swap3A_607 = arith.index_cast %swap3A_606 : i32 to index
      %swap3A_608 = arith.constant 32 : index
      %swap3A_609 = tpu.vector_load %arg6[%swap3A_607, %swap3A_608] {strides = array<i32>} : memref<128x64xf32, #tpu.memory_space<vmem>>, vector<1x16xf32>,
      %swap3A_610 = vector.shape_cast %swap3A_609 : vector<1x16xf32> to vector<16xf32>
      %swap3A_611 = vector.shape_cast %broadcast_in_dim3A_210 : vector<16xf32> to vector<1x16xf32>
      tpu.vector_store %arg6[%swap3A_607, %swap3A_608], %swap3A_611 {strides = array<i32>} : memref<128x64xf32, #tpu.memory_space<vmem>>, vector<1x16xf32>,
      %swap3A_612 = arith.constant 16 : i32
      %swap3A_613 = arith.index_cast %swap3A_612 : i32 to index
      %swap3A_614 = arith.constant 48 : index
      %swap3A_615 = tpu.vector_load %arg6[%swap3A_613, %swap3A_614] {strides = array<i32>} : memref<128x64xf32, #tpu.memory_space<vmem>>, vector<1x16xf32>,
      %swap3A_616 = vector.shape_cast %swap3A_615 : vector<1x16xf32> to vector<16xf32>
      %swap3A_617 = vector.shape_cast %broadcast_in_dim3A_210 : vector<16xf32> to vector<1x16xf32>
      tpu.vector_store %arg6[%swap3A_613, %swap3A_614], %swap3A_617 {strides = array<i32>} : memref<128x64xf32, #tpu.memory_space<vmem>>, vector<1x16xf32>,
      %swap3A_618 = arith.constant 17 : i32
      %swap3A_619 = arith.index_cast %swap3A_618 : i32 to index
      %swap3A_620 = arith.constant 0 : index
      %swap3A_621 = tpu.vector_load %arg6[%swap3A_619, %swap3A_620] {strides = array<i32>} : memref<128x64xf32, #tpu.memory_space<vmem>>, vector<1x16xf32>,
      %swap3A_622 = vector.shape_cast %swap3A_621 : vector<1x16xf32> to vector<16xf32>
      %swap3A_623 = vector.shape_cast %broadcast_in_dim3A_210 : vector<16xf32> to vector<1x16xf32>
      tpu.vector_store %arg6[%swap3A_619, %swap3A_620], %swap3A_623 {strides = array<i32>} : memref<128x64xf32, #tpu.memory_space<vmem>>, vector<1x16xf32>,
      %swap3A_624 = arith.constant 17 : i32
      %swap3A_625 = arith.index_cast %swap3A_624 : i32 to index
      %swap3A_626 = arith.constant 16 : index
      %swap3A_627 = tpu.vector_load %arg6[%swap3A_625, %swap3A_626] {strides = array<i32>} : memref<128x64xf32, #tpu.memory_space<vmem>>, vector<1x16xf32>,
      %swap3A_628 = vector.shape_cast %swap3A_627 : vector<1x16xf32> to vector<16xf32>
      %swap3A_629 = vector.shape_cast %broadcast_in_dim3A_210 : vector<16xf32> to vector<1x16xf32>
      tpu.vector_store %arg6[%swap3A_625, %swap3A_626], %swap3A_629 {strides = array<i32>} : memref<128x64xf32, #tpu.memory_space<vmem>>, vector<1x16xf32>,
      %swap3A_630 = arith.constant 17 : i32
      %swap3A_631 = arith.index_cast %swap3A_630 : i32 to index
      %swap3A_632 = arith.constant 32 : index
      %swap3A_633 = tpu.vector_load %arg6[%swap3A_631, %swap3A_632] {strides = array<i32>} : memref<128x64xf32, #tpu.memory_space<vmem>>, vector<1x16xf32>,
      %swap3A_634 = vector.shape_cast %swap3A_633 : vector<1x16xf32> to vector<16xf32>
      %swap3A_635 = vector.shape_cast %broadcast_in_dim3A_210 : vector<16xf32> to vector<1x16xf32>
      tpu.vector_store %arg6[%swap3A_631, %swap3A_632], %swap3A_635 {strides = array<i32>} : memref<128x64xf32, #tpu.memory_space<vmem>>, vector<1x16xf32>,
      %swap3A_636 = arith.constant 17 : i32
      %swap3A_637 = arith.index_cast %swap3A_636 : i32 to index
      %swap3A_638 = arith.constant 48 : index
      %swap3A_639 = tpu.vector_load %arg6[%swap3A_637, %swap3A_638] {strides = array<i32>} : memref<128x64xf32, #tpu.memory_space<vmem>>, vector<1x16xf32>,
      %swap3A_640 = vector.shape_cast %swap3A_639 : vector<1x16xf32> to vector<16xf32>
      %swap3A_641 = vector.shape_cast %broadcast_in_dim3A_210 : vector<16xf32> to vector<1x16xf32>
      tpu.vector_store %arg6[%swap3A_637, %swap3A_638], %swap3A_641 {strides = array<i32>} : memref<128x64xf32, #tpu.memory_space<vmem>>, vector<1x16xf32>,
      %swap3A_642 = arith.constant 18 : i32
      %swap3A_643 = arith.index_cast %swap3A_642 : i32 to index
      %swap3A_644 = arith.constant 0 : index
      %swap3A_645 = tpu.vector_load %arg6[%swap3A_643, %swap3A_644] {strides = array<i32>} : memref<128x64xf32, #tpu.memory_space<vmem>>, vector<1x16xf32>,
      %swap3A_646 = vector.shape_cast %swap3A_645 : vector<1x16xf32> to vector<16xf32>
      %swap3A_647 = vector.shape_cast %broadcast_in_dim3A_210 : vector<16xf32> to vector<1x16xf32>
      tpu.vector_store %arg6[%swap3A_643, %swap3A_644], %swap3A_647 {strides = array<i32>} : memref<128x64xf32, #tpu.memory_space<vmem>>, vector<1x16xf32>,
      %swap3A_648 = arith.constant 18 : i32
      %swap3A_649 = arith.index_cast %swap3A_648 : i32 to index
      %swap3A_650 = arith.constant 16 : index
      %swap3A_651 = tpu.vector_load %arg6[%swap3A_649, %swap3A_650] {strides = array<i32>} : memref<128x64xf32, #tpu.memory_space<vmem>>, vector<1x16xf32>,
      %swap3A_652 = vector.shape_cast %swap3A_651 : vector<1x16xf32> to vector<16xf32>
      %swap3A_653 = vector.shape_cast %broadcast_in_dim3A_210 : vector<16xf32> to vector<1x16xf32>
      tpu.vector_store %arg6[%swap3A_649, %swap3A_650], %swap3A_653 {strides = array<i32>} : memref<128x64xf32, #tpu.memory_space<vmem>>, vector<1x16xf32>,
      %swap3A_654 = arith.constant 18 : i32
      %swap3A_655 = arith.index_cast %swap3A_654 : i32 to index
      %swap3A_656 = arith.constant 32 : index
      %swap3A_657 = tpu.vector_load %arg6[%swap3A_655, %swap3A_656] {strides = array<i32>} : memref<128x64xf32, #tpu.memory_space<vmem>>, vector<1x16xf32>,
      %swap3A_658 = vector.shape_cast %swap3A_657 : vector<1x16xf32> to vector<16xf32>
      %swap3A_659 = vector.shape_cast %broadcast_in_dim3A_210 : vector<16xf32> to vector<1x16xf32>
      tpu.vector_store %arg6[%swap3A_655, %swap3A_656], %swap3A_659 {strides = array<i32>} : memref<128x64xf32, #tpu.memory_space<vmem>>, vector<1x16xf32>,
      %swap3A_660 = arith.constant 18 : i32
      %swap3A_661 = arith.index_cast %swap3A_660 : i32 to index
      %swap3A_662 = arith.constant 48 : index
      %swap3A_663 = tpu.vector_load %arg6[%swap3A_661, %swap3A_662] {strides = array<i32>} : memref<128x64xf32, #tpu.memory_space<vmem>>, vector<1x16xf32>,
      %swap3A_664 = vector.shape_cast %swap3A_663 : vector<1x16xf32> to vector<16xf32>
      %swap3A_665 = vector.shape_cast %broadcast_in_dim3A_210 : vector<16xf32> to vector<1x16xf32>
      tpu.vector_store %arg6[%swap3A_661, %swap3A_662], %swap3A_665 {strides = array<i32>} : memref<128x64xf32, #tpu.memory_space<vmem>>, vector<1x16xf32>,
      %swap3A_666 = arith.constant 19 : i32
      %swap3A_667 = arith.index_cast %swap3A_666 : i32 to index
      %swap3A_668 = arith.constant 0 : index
      %swap3A_669 = tpu.vector_load %arg6[%swap3A_667, %swap3A_668] {strides = array<i32>} : memref<128x64xf32, #tpu.memory_space<vmem>>, vector<1x16xf32>,
      %swap3A_670 = vector.shape_cast %swap3A_669 : vector<1x16xf32> to vector<16xf32>
      %swap3A_671 = vector.shape_cast %broadcast_in_dim3A_210 : vector<16xf32> to vector<1x16xf32>
      tpu.vector_store %arg6[%swap3A_667, %swap3A_668], %swap3A_671 {strides = array<i32>} : memref<128x64xf32, #tpu.memory_space<vmem>>, vector<1x16xf32>,
      %swap3A_672 = arith.constant 19 : i32
      %swap3A_673 = arith.index_cast %swap3A_672 : i32 to index
      %swap3A_674 = arith.constant 16 : index
      %swap3A_675 = tpu.vector_load %arg6[%swap3A_673, %swap3A_674] {strides = array<i32>} : memref<128x64xf32, #tpu.memory_space<vmem>>, vector<1x16xf32>,
      %swap3A_676 = vector.shape_cast %swap3A_675 : vector<1x16xf32> to vector<16xf32>
      %swap3A_677 = vector.shape_cast %broadcast_in_dim3A_210 : vector<16xf32> to vector<1x16xf32>
      tpu.vector_store %arg6[%swap3A_673, %swap3A_674], %swap3A_677 {strides = array<i32>} : memref<128x64xf32, #tpu.memory_space<vmem>>, vector<1x16xf32>,
      %swap3A_678 = arith.constant 19 : i32
      %swap3A_679 = arith.index_cast %swap3A_678 : i32 to index
      %swap3A_680 = arith.constant 32 : index
      %swap3A_681 = tpu.vector_load %arg6[%swap3A_679, %swap3A_680] {strides = array<i32>} : memref<128x64xf32, #tpu.memory_space<vmem>>, vector<1x16xf32>,
      %swap3A_682 = vector.shape_cast %swap3A_681 : vector<1x16xf32> to vector<16xf32>
      %swap3A_683 = vector.shape_cast %broadcast_in_dim3A_210 : vector<16xf32> to vector<1x16xf32>
      tpu.vector_store %arg6[%swap3A_679, %swap3A_680], %swap3A_683 {strides = array<i32>} : memref<128x64xf32, #tpu.memory_space<vmem>>, vector<1x16xf32>,
      %swap3A_684 = arith.constant 19 : i32
      %swap3A_685 = arith.index_cast %swap3A_684 : i32 to index
      %swap3A_686 = arith.constant 48 : index
      %swap3A_687 = tpu.vector_load %arg6[%swap3A_685, %swap3A_686] {strides = array<i32>} : memref<128x64xf32, #tpu.memory_space<vmem>>, vector<1x16xf32>,
      %swap3A_688 = vector.shape_cast %swap3A_687 : vector<1x16xf32> to vector<16xf32>
      %swap3A_689 = vector.shape_cast %broadcast_in_dim3A_210 : vector<16xf32> to vector<1x16xf32>
      tpu.vector_store %arg6[%swap3A_685, %swap3A_686], %swap3A_689 {strides = array<i32>} : memref<128x64xf32, #tpu.memory_space<vmem>>, vector<1x16xf32>,
      %swap3A_690 = arith.constant 20 : i32
      %swap3A_691 = arith.index_cast %swap3A_690 : i32 to index
      %swap3A_692 = arith.constant 0 : index
      %swap3A_693 = tpu.vector_load %arg6[%swap3A_691, %swap3A_692] {strides = array<i32>} : memref<128x64xf32, #tpu.memory_space<vmem>>, vector<1x16xf32>,
      %swap3A_694 = vector.shape_cast %swap3A_693 : vector<1x16xf32> to vector<16xf32>
      %swap3A_695 = vector.shape_cast %broadcast_in_dim3A_210 : vector<16xf32> to vector<1x16xf32>
      tpu.vector_store %arg6[%swap3A_691, %swap3A_692], %swap3A_695 {strides = array<i32>} : memref<128x64xf32, #tpu.memory_space<vmem>>, vector<1x16xf32>,
      %swap3A_696 = arith.constant 20 : i32
      %swap3A_697 = arith.index_cast %swap3A_696 : i32 to index
      %swap3A_698 = arith.constant 16 : index
      %swap3A_699 = tpu.vector_load %arg6[%swap3A_697, %swap3A_698] {strides = array<i32>} : memref<128x64xf32, #tpu.memory_space<vmem>>, vector<1x16xf32>,
      %swap3A_700 = vector.shape_cast %swap3A_699 : vector<1x16xf32> to vector<16xf32>
      %swap3A_701 = vector.shape_cast %broadcast_in_dim3A_210 : vector<16xf32> to vector<1x16xf32>
      tpu.vector_store %arg6[%swap3A_697, %swap3A_698], %swap3A_701 {strides = array<i32>} : memref<128x64xf32, #tpu.memory_space<vmem>>, vector<1x16xf32>,
      %swap3A_702 = arith.constant 20 : i32
      %swap3A_703 = arith.index_cast %swap3A_702 : i32 to index
      %swap3A_704 = arith.constant 32 : index
      %swap3A_705 = tpu.vector_load %arg6[%swap3A_703, %swap3A_704] {strides = array<i32>} : memref<128x64xf32, #tpu.memory_space<vmem>>, vector<1x16xf32>,
      %swap3A_706 = vector.shape_cast %swap3A_705 : vector<1x16xf32> to vector<16xf32>
      %swap3A_707 = vector.shape_cast %broadcast_in_dim3A_210 : vector<16xf32> to vector<1x16xf32>
      tpu.vector_store %arg6[%swap3A_703, %swap3A_704], %swap3A_707 {strides = array<i32>} : memref<128x64xf32, #tpu.memory_space<vmem>>, vector<1x16xf32>,
      %swap3A_708 = arith.constant 20 : i32
      %swap3A_709 = arith.index_cast %swap3A_708 : i32 to index
      %swap3A_710 = arith.constant 48 : index
      %swap3A_711 = tpu.vector_load %arg6[%swap3A_709, %swap3A_710] {strides = array<i32>} : memref<128x64xf32, #tpu.memory_space<vmem>>, vector<1x16xf32>,
      %swap3A_712 = vector.shape_cast %swap3A_711 : vector<1x16xf32> to vector<16xf32>
      %swap3A_713 = vector.shape_cast %broadcast_in_dim3A_210 : vector<16xf32> to vector<1x16xf32>
      tpu.vector_store %arg6[%swap3A_709, %swap3A_710], %swap3A_713 {strides = array<i32>} : memref<128x64xf32, #tpu.memory_space<vmem>>, vector<1x16xf32>,
      %swap3A_714 = arith.constant 21 : i32
      %swap3A_715 = arith.index_cast %swap3A_714 : i32 to index
      %swap3A_716 = arith.constant 0 : index
      %swap3A_717 = tpu.vector_load %arg6[%swap3A_715, %swap3A_716] {strides = array<i32>} : memref<128x64xf32, #tpu.memory_space<vmem>>, vector<1x16xf32>,
      %swap3A_718 = vector.shape_cast %swap3A_717 : vector<1x16xf32> to vector<16xf32>
      %swap3A_719 = vector.shape_cast %broadcast_in_dim3A_210 : vector<16xf32> to vector<1x16xf32>
      tpu.vector_store %arg6[%swap3A_715, %swap3A_716], %swap3A_719 {strides = array<i32>} : memref<128x64xf32, #tpu.memory_space<vmem>>, vector<1x16xf32>,
      %swap3A_720 = arith.constant 21 : i32
      %swap3A_721 = arith.index_cast %swap3A_720 : i32 to index
      %swap3A_722 = arith.constant 16 : index
      %swap3A_723 = tpu.vector_load %arg6[%swap3A_721, %swap3A_722] {strides = array<i32>} : memref<128x64xf32, #tpu.memory_space<vmem>>, vector<1x16xf32>,
      %swap3A_724 = vector.shape_cast %swap3A_723 : vector<1x16xf32> to vector<16xf32>
      %swap3A_725 = vector.shape_cast %broadcast_in_dim3A_210 : vector<16xf32> to vector<1x16xf32>
      tpu.vector_store %arg6[%swap3A_721, %swap3A_722], %swap3A_725 {strides = array<i32>} : memref<128x64xf32, #tpu.memory_space<vmem>>, vector<1x16xf32>,
      %swap3A_726 = arith.constant 21 : i32
      %swap3A_727 = arith.index_cast %swap3A_726 : i32 to index
      %swap3A_728 = arith.constant 32 : index
      %swap3A_729 = tpu.vector_load %arg6[%swap3A_727, %swap3A_728] {strides = array<i32>} : memref<128x64xf32, #tpu.memory_space<vmem>>, vector<1x16xf32>,
      %swap3A_730 = vector.shape_cast %swap3A_729 : vector<1x16xf32> to vector<16xf32>
      %swap3A_731 = vector.shape_cast %broadcast_in_dim3A_210 : vector<16xf32> to vector<1x16xf32>
      tpu.vector_store %arg6[%swap3A_727, %swap3A_728], %swap3A_731 {strides = array<i32>} : memref<128x64xf32, #tpu.memory_space<vmem>>, vector<1x16xf32>,
      %swap3A_732 = arith.constant 21 : i32
      %swap3A_733 = arith.index_cast %swap3A_732 : i32 to index
      %swap3A_734 = arith.constant 48 : index
      %swap3A_735 = tpu.vector_load %arg6[%swap3A_733, %swap3A_734] {strides = array<i32>} : memref<128x64xf32, #tpu.memory_space<vmem>>, vector<1x16xf32>,
      %swap3A_736 = vector.shape_cast %swap3A_735 : vector<1x16xf32> to vector<16xf32>
      %swap3A_737 = vector.shape_cast %broadcast_in_dim3A_210 : vector<16xf32> to vector<1x16xf32>
      tpu.vector_store %arg6[%swap3A_733, %swap3A_734], %swap3A_737 {strides = array<i32>} : memref<128x64xf32, #tpu.memory_space<vmem>>, vector<1x16xf32>,
      %swap3A_738 = arith.constant 22 : i32
      %swap3A_739 = arith.index_cast %swap3A_738 : i32 to index
      %swap3A_740 = arith.constant 0 : index
      %swap3A_741 = tpu.vector_load %arg6[%swap3A_739, %swap3A_740] {strides = array<i32>} : memref<128x64xf32, #tpu.memory_space<vmem>>, vector<1x16xf32>,
      %swap3A_742 = vector.shape_cast %swap3A_741 : vector<1x16xf32> to vector<16xf32>
      %swap3A_743 = vector.shape_cast %broadcast_in_dim3A_210 : vector<16xf32> to vector<1x16xf32>
      tpu.vector_store %arg6[%swap3A_739, %swap3A_740], %swap3A_743 {strides = array<i32>} : memref<128x64xf32, #tpu.memory_space<vmem>>, vector<1x16xf32>,
      %swap3A_744 = arith.constant 22 : i32
      %swap3A_745 = arith.index_cast %swap3A_744 : i32 to index
      %swap3A_746 = arith.constant 16 : index
      %swap3A_747 = tpu.vector_load %arg6[%swap3A_745, %swap3A_746] {strides = array<i32>} : memref<128x64xf32, #tpu.memory_space<vmem>>, vector<1x16xf32>,
      %swap3A_748 = vector.shape_cast %swap3A_747 : vector<1x16xf32> to vector<16xf32>
      %swap3A_749 = vector.shape_cast %broadcast_in_dim3A_210 : vector<16xf32> to vector<1x16xf32>
      tpu.vector_store %arg6[%swap3A_745, %swap3A_746], %swap3A_749 {strides = array<i32>} : memref<128x64xf32, #tpu.memory_space<vmem>>, vector<1x16xf32>,
      %swap3A_750 = arith.constant 22 : i32
      %swap3A_751 = arith.index_cast %swap3A_750 : i32 to index
      %swap3A_752 = arith.constant 32 : index
      %swap3A_753 = tpu.vector_load %arg6[%swap3A_751, %swap3A_752] {strides = array<i32>} : memref<128x64xf32, #tpu.memory_space<vmem>>, vector<1x16xf32>,
      %swap3A_754 = vector.shape_cast %swap3A_753 : vector<1x16xf32> to vector<16xf32>
      %swap3A_755 = vector.shape_cast %broadcast_in_dim3A_210 : vector<16xf32> to vector<1x16xf32>
      tpu.vector_store %arg6[%swap3A_751, %swap3A_752], %swap3A_755 {strides = array<i32>} : memref<128x64xf32, #tpu.memory_space<vmem>>, vector<1x16xf32>,
      %swap3A_756 = arith.constant 22 : i32
      %swap3A_757 = arith.index_cast %swap3A_756 : i32 to index
      %swap3A_758 = arith.constant 48 : index
      %swap3A_759 = tpu.vector_load %arg6[%swap3A_757, %swap3A_758] {strides = array<i32>} : memref<128x64xf32, #tpu.memory_space<vmem>>, vector<1x16xf32>,
      %swap3A_760 = vector.shape_cast %swap3A_759 : vector<1x16xf32> to vector<16xf32>
      %swap3A_761 = vector.shape_cast %broadcast_in_dim3A_210 : vector<16xf32> to vector<1x16xf32>
      tpu.vector_store %arg6[%swap3A_757, %swap3A_758], %swap3A_761 {strides = array<i32>} : memref<128x64xf32, #tpu.memory_space<vmem>>, vector<1x16xf32>,
      %swap3A_762 = arith.constant 23 : i32
      %swap3A_763 = arith.index_cast %swap3A_762 : i32 to index
      %swap3A_764 = arith.constant 0 : index
      %swap3A_765 = tpu.vector_load %arg6[%swap3A_763, %swap3A_764] {strides = array<i32>} : memref<128x64xf32, #tpu.memory_space<vmem>>, vector<1x16xf32>,
      %swap3A_766 = vector.shape_cast %swap3A_765 : vector<1x16xf32> to vector<16xf32>
      %swap3A_767 = vector.shape_cast %broadcast_in_dim3A_210 : vector<16xf32> to vector<1x16xf32>
      tpu.vector_store %arg6[%swap3A_763, %swap3A_764], %swap3A_767 {strides = array<i32>} : memref<128x64xf32, #tpu.memory_space<vmem>>, vector<1x16xf32>,
      %swap3A_768 = arith.constant 23 : i32
      %swap3A_769 = arith.index_cast %swap3A_768 : i32 to index
      %swap3A_770 = arith.constant 16 : index
      %swap3A_771 = tpu.vector_load %arg6[%swap3A_769, %swap3A_770] {strides = array<i32>} : memref<128x64xf32, #tpu.memory_space<vmem>>, vector<1x16xf32>,
      %swap3A_772 = vector.shape_cast %swap3A_771 : vector<1x16xf32> to vector<16xf32>
      %swap3A_773 = vector.shape_cast %broadcast_in_dim3A_210 : vector<16xf32> to vector<1x16xf32>
      tpu.vector_store %arg6[%swap3A_769, %swap3A_770], %swap3A_773 {strides = array<i32>} : memref<128x64xf32, #tpu.memory_space<vmem>>, vector<1x16xf32>,
      %swap3A_774 = arith.constant 23 : i32
      %swap3A_775 = arith.index_cast %swap3A_774 : i32 to index
      %swap3A_776 = arith.constant 32 : index
      %swap3A_777 = tpu.vector_load %arg6[%swap3A_775, %swap3A_776] {strides = array<i32>} : memref<128x64xf32, #tpu.memory_space<vmem>>, vector<1x16xf32>,
      %swap3A_778 = vector.shape_cast %swap3A_777 : vector<1x16xf32> to vector<16xf32>
      %swap3A_779 = vector.shape_cast %broadcast_in_dim3A_210 : vector<16xf32> to vector<1x16xf32>
      tpu.vector_store %arg6[%swap3A_775, %swap3A_776], %swap3A_779 {strides = array<i32>} : memref<128x64xf32, #tpu.memory_space<vmem>>, vector<1x16xf32>,
      %swap3A_780 = arith.constant 23 : i32
      %swap3A_781 = arith.index_cast %swap3A_780 : i32 to index
      %swap3A_782 = arith.constant 48 : index
      %swap3A_783 = tpu.vector_load %arg6[%swap3A_781, %swap3A_782] {strides = array<i32>} : memref<128x64xf32, #tpu.memory_space<vmem>>, vector<1x16xf32>,
      %swap3A_784 = vector.shape_cast %swap3A_783 : vector<1x16xf32> to vector<16xf32>
      %swap3A_785 = vector.shape_cast %broadcast_in_dim3A_210 : vector<16xf32> to vector<1x16xf32>
      tpu.vector_store %arg6[%swap3A_781, %swap3A_782], %swap3A_785 {strides = array<i32>} : memref<128x64xf32, #tpu.memory_space<vmem>>, vector<1x16xf32>,
      %swap3A_786 = arith.constant 24 : i32
      %swap3A_787 = arith.index_cast %swap3A_786 : i32 to index
      %swap3A_788 = arith.constant 0 : index
      %swap3A_789 = tpu.vector_load %arg6[%swap3A_787, %swap3A_788] {strides = array<i32>} : memref<128x64xf32, #tpu.memory_space<vmem>>, vector<1x16xf32>,
      %swap3A_790 = vector.shape_cast %swap3A_789 : vector<1x16xf32> to vector<16xf32>
      %swap3A_791 = vector.shape_cast %broadcast_in_dim3A_210 : vector<16xf32> to vector<1x16xf32>
      tpu.vector_store %arg6[%swap3A_787, %swap3A_788], %swap3A_791 {strides = array<i32>} : memref<128x64xf32, #tpu.memory_space<vmem>>, vector<1x16xf32>,
      %swap3A_792 = arith.constant 24 : i32
      %swap3A_793 = arith.index_cast %swap3A_792 : i32 to index
      %swap3A_794 = arith.constant 16 : index
      %swap3A_795 = tpu.vector_load %arg6[%swap3A_793, %swap3A_794] {strides = array<i32>} : memref<128x64xf32, #tpu.memory_space<vmem>>, vector<1x16xf32>,
      %swap3A_796 = vector.shape_cast %swap3A_795 : vector<1x16xf32> to vector<16xf32>
      %swap3A_797 = vector.shape_cast %broadcast_in_dim3A_210 : vector<16xf32> to vector<1x16xf32>
      tpu.vector_store %arg6[%swap3A_793, %swap3A_794], %swap3A_797 {strides = array<i32>} : memref<128x64xf32, #tpu.memory_space<vmem>>, vector<1x16xf32>,
      %swap3A_798 = arith.constant 24 : i32
      %swap3A_799 = arith.index_cast %swap3A_798 : i32 to index
      %swap3A_800 = arith.constant 32 : index
      %swap3A_801 = tpu.vector_load %arg6[%swap3A_799, %swap3A_800] {strides = array<i32>} : memref<128x64xf32, #tpu.memory_space<vmem>>, vector<1x16xf32>,
      %swap3A_802 = vector.shape_cast %swap3A_801 : vector<1x16xf32> to vector<16xf32>
      %swap3A_803 = vector.shape_cast %broadcast_in_dim3A_210 : vector<16xf32> to vector<1x16xf32>
      tpu.vector_store %arg6[%swap3A_799, %swap3A_800], %swap3A_803 {strides = array<i32>} : memref<128x64xf32, #tpu.memory_space<vmem>>, vector<1x16xf32>,
      %swap3A_804 = arith.constant 24 : i32
      %swap3A_805 = arith.index_cast %swap3A_804 : i32 to index
      %swap3A_806 = arith.constant 48 : index
      %swap3A_807 = tpu.vector_load %arg6[%swap3A_805, %swap3A_806] {strides = array<i32>} : memref<128x64xf32, #tpu.memory_space<vmem>>, vector<1x16xf32>,
      %swap3A_808 = vector.shape_cast %swap3A_807 : vector<1x16xf32> to vector<16xf32>
      %swap3A_809 = vector.shape_cast %broadcast_in_dim3A_210 : vector<16xf32> to vector<1x16xf32>
      tpu.vector_store %arg6[%swap3A_805, %swap3A_806], %swap3A_809 {strides = array<i32>} : memref<128x64xf32, #tpu.memory_space<vmem>>, vector<1x16xf32>,
      %swap3A_810 = arith.constant 25 : i32
      %swap3A_811 = arith.index_cast %swap3A_810 : i32 to index
      %swap3A_812 = arith.constant 0 : index
      %swap3A_813 = tpu.vector_load %arg6[%swap3A_811, %swap3A_812] {strides = array<i32>} : memref<128x64xf32, #tpu.memory_space<vmem>>, vector<1x16xf32>,
      %swap3A_814 = vector.shape_cast %swap3A_813 : vector<1x16xf32> to vector<16xf32>
      %swap3A_815 = vector.shape_cast %broadcast_in_dim3A_210 : vector<16xf32> to vector<1x16xf32>
      tpu.vector_store %arg6[%swap3A_811, %swap3A_812], %swap3A_815 {strides = array<i32>} : memref<128x64xf32, #tpu.memory_space<vmem>>, vector<1x16xf32>,
      %swap3A_816 = arith.constant 25 : i32
      %swap3A_817 = arith.index_cast %swap3A_816 : i32 to index
      %swap3A_818 = arith.constant 16 : index
      %swap3A_819 = tpu.vector_load %arg6[%swap3A_817, %swap3A_818] {strides = array<i32>} : memref<128x64xf32, #tpu.memory_space<vmem>>, vector<1x16xf32>,
      %swap3A_820 = vector.shape_cast %swap3A_819 : vector<1x16xf32> to vector<16xf32>
      %swap3A_821 = vector.shape_cast %broadcast_in_dim3A_210 : vector<16xf32> to vector<1x16xf32>
      tpu.vector_store %arg6[%swap3A_817, %swap3A_818], %swap3A_821 {strides = array<i32>} : memref<128x64xf32, #tpu.memory_space<vmem>>, vector<1x16xf32>,
      %swap3A_822 = arith.constant 25 : i32
      %swap3A_823 = arith.index_cast %swap3A_822 : i32 to index
      %swap3A_824 = arith.constant 32 : index
      %swap3A_825 = tpu.vector_load %arg6[%swap3A_823, %swap3A_824] {strides = array<i32>} : memref<128x64xf32, #tpu.memory_space<vmem>>, vector<1x16xf32>,
      %swap3A_826 = vector.shape_cast %swap3A_825 : vector<1x16xf32> to vector<16xf32>
      %swap3A_827 = vector.shape_cast %broadcast_in_dim3A_210 : vector<16xf32> to vector<1x16xf32>
      tpu.vector_store %arg6[%swap3A_823, %swap3A_824], %swap3A_827 {strides = array<i32>} : memref<128x64xf32, #tpu.memory_space<vmem>>, vector<1x16xf32>,
      %swap3A_828 = arith.constant 25 : i32
      %swap3A_829 = arith.index_cast %swap3A_828 : i32 to index
      %swap3A_830 = arith.constant 48 : index
      %swap3A_831 = tpu.vector_load %arg6[%swap3A_829, %swap3A_830] {strides = array<i32>} : memref<128x64xf32, #tpu.memory_space<vmem>>, vector<1x16xf32>,
      %swap3A_832 = vector.shape_cast %swap3A_831 : vector<1x16xf32> to vector<16xf32>
      %swap3A_833 = vector.shape_cast %broadcast_in_dim3A_210 : vector<16xf32> to vector<1x16xf32>
      tpu.vector_store %arg6[%swap3A_829, %swap3A_830], %swap3A_833 {strides = array<i32>} : memref<128x64xf32, #tpu.memory_space<vmem>>, vector<1x16xf32>,
      %swap3A_834 = arith.constant 26 : i32
      %swap3A_835 = arith.index_cast %swap3A_834 : i32 to index
      %swap3A_836 = arith.constant 0 : index
      %swap3A_837 = tpu.vector_load %arg6[%swap3A_835, %swap3A_836] {strides = array<i32>} : memref<128x64xf32, #tpu.memory_space<vmem>>, vector<1x16xf32>,
      %swap3A_838 = vector.shape_cast %swap3A_837 : vector<1x16xf32> to vector<16xf32>
      %swap3A_839 = vector.shape_cast %broadcast_in_dim3A_210 : vector<16xf32> to vector<1x16xf32>
      tpu.vector_store %arg6[%swap3A_835, %swap3A_836], %swap3A_839 {strides = array<i32>} : memref<128x64xf32, #tpu.memory_space<vmem>>, vector<1x16xf32>,
      %swap3A_840 = arith.constant 26 : i32
      %swap3A_841 = arith.index_cast %swap3A_840 : i32 to index
      %swap3A_842 = arith.constant 16 : index
      %swap3A_843 = tpu.vector_load %arg6[%swap3A_841, %swap3A_842] {strides = array<i32>} : memref<128x64xf32, #tpu.memory_space<vmem>>, vector<1x16xf32>,
      %swap3A_844 = vector.shape_cast %swap3A_843 : vector<1x16xf32> to vector<16xf32>
      %swap3A_845 = vector.shape_cast %broadcast_in_dim3A_210 : vector<16xf32> to vector<1x16xf32>
      tpu.vector_store %arg6[%swap3A_841, %swap3A_842], %swap3A_845 {strides = array<i32>} : memref<128x64xf32, #tpu.memory_space<vmem>>, vector<1x16xf32>,
      %swap3A_846 = arith.constant 26 : i32
      %swap3A_847 = arith.index_cast %swap3A_846 : i32 to index
      %swap3A_848 = arith.constant 32 : index
      %swap3A_849 = tpu.vector_load %arg6[%swap3A_847, %swap3A_848] {strides = array<i32>} : memref<128x64xf32, #tpu.memory_space<vmem>>, vector<1x16xf32>,
      %swap3A_850 = vector.shape_cast %swap3A_849 : vector<1x16xf32> to vector<16xf32>
      %swap3A_851 = vector.shape_cast %broadcast_in_dim3A_210 : vector<16xf32> to vector<1x16xf32>
      tpu.vector_store %arg6[%swap3A_847, %swap3A_848], %swap3A_851 {strides = array<i32>} : memref<128x64xf32, #tpu.memory_space<vmem>>, vector<1x16xf32>,
      %swap3A_852 = arith.constant 26 : i32
      %swap3A_853 = arith.index_cast %swap3A_852 : i32 to index
      %swap3A_854 = arith.constant 48 : index
      %swap3A_855 = tpu.vector_load %arg6[%swap3A_853, %swap3A_854] {strides = array<i32>} : memref<128x64xf32, #tpu.memory_space<vmem>>, vector<1x16xf32>,
      %swap3A_856 = vector.shape_cast %swap3A_855 : vector<1x16xf32> to vector<16xf32>
      %swap3A_857 = vector.shape_cast %broadcast_in_dim3A_210 : vector<16xf32> to vector<1x16xf32>
      tpu.vector_store %arg6[%swap3A_853, %swap3A_854], %swap3A_857 {strides = array<i32>} : memref<128x64xf32, #tpu.memory_space<vmem>>, vector<1x16xf32>,
      %swap3A_858 = arith.constant 27 : i32
      %swap3A_859 = arith.index_cast %swap3A_858 : i32 to index
      %swap3A_860 = arith.constant 0 : index
      %swap3A_861 = tpu.vector_load %arg6[%swap3A_859, %swap3A_860] {strides = array<i32>} : memref<128x64xf32, #tpu.memory_space<vmem>>, vector<1x16xf32>,
      %swap3A_862 = vector.shape_cast %swap3A_861 : vector<1x16xf32> to vector<16xf32>
      %swap3A_863 = vector.shape_cast %broadcast_in_dim3A_210 : vector<16xf32> to vector<1x16xf32>
      tpu.vector_store %arg6[%swap3A_859, %swap3A_860], %swap3A_863 {strides = array<i32>} : memref<128x64xf32, #tpu.memory_space<vmem>>, vector<1x16xf32>,
      %swap3A_864 = arith.constant 27 : i32
      %swap3A_865 = arith.index_cast %swap3A_864 : i32 to index
      %swap3A_866 = arith.constant 16 : index
      %swap3A_867 = tpu.vector_load %arg6[%swap3A_865, %swap3A_866] {strides = array<i32>} : memref<128x64xf32, #tpu.memory_space<vmem>>, vector<1x16xf32>,
      %swap3A_868 = vector.shape_cast %swap3A_867 : vector<1x16xf32> to vector<16xf32>
      %swap3A_869 = vector.shape_cast %broadcast_in_dim3A_210 : vector<16xf32> to vector<1x16xf32>
      tpu.vector_store %arg6[%swap3A_865, %swap3A_866], %swap3A_869 {strides = array<i32>} : memref<128x64xf32, #tpu.memory_space<vmem>>, vector<1x16xf32>,
      %swap3A_870 = arith.constant 27 : i32
      %swap3A_871 = arith.index_cast %swap3A_870 : i32 to index
      %swap3A_872 = arith.constant 32 : index
      %swap3A_873 = tpu.vector_load %arg6[%swap3A_871, %swap3A_872] {strides = array<i32>} : memref<128x64xf32, #tpu.memory_space<vmem>>, vector<1x16xf32>,
      %swap3A_874 = vector.shape_cast %swap3A_873 : vector<1x16xf32> to vector<16xf32>
      %swap3A_875 = vector.shape_cast %broadcast_in_dim3A_210 : vector<16xf32> to vector<1x16xf32>
      tpu.vector_store %arg6[%swap3A_871, %swap3A_872], %swap3A_875 {strides = array<i32>} : memref<128x64xf32, #tpu.memory_space<vmem>>, vector<1x16xf32>,
      %swap3A_876 = arith.constant 27 : i32
      %swap3A_877 = arith.index_cast %swap3A_876 : i32 to index
      %swap3A_878 = arith.constant 48 : index
      %swap3A_879 = tpu.vector_load %arg6[%swap3A_877, %swap3A_878] {strides = array<i32>} : memref<128x64xf32, #tpu.memory_space<vmem>>, vector<1x16xf32>,
      %swap3A_880 = vector.shape_cast %swap3A_879 : vector<1x16xf32> to vector<16xf32>
      %swap3A_881 = vector.shape_cast %broadcast_in_dim3A_210 : vector<16xf32> to vector<1x16xf32>
      tpu.vector_store %arg6[%swap3A_877, %swap3A_878], %swap3A_881 {strides = array<i32>} : memref<128x64xf32, #tpu.memory_space<vmem>>, vector<1x16xf32>,
      %swap3A_882 = arith.constant 28 : i32
      %swap3A_883 = arith.index_cast %swap3A_882 : i32 to index
      %swap3A_884 = arith.constant 0 : index
      %swap3A_885 = tpu.vector_load %arg6[%swap3A_883, %swap3A_884] {strides = array<i32>} : memref<128x64xf32, #tpu.memory_space<vmem>>, vector<1x16xf32>,
      %swap3A_886 = vector.shape_cast %swap3A_885 : vector<1x16xf32> to vector<16xf32>
      %swap3A_887 = vector.shape_cast %broadcast_in_dim3A_210 : vector<16xf32> to vector<1x16xf32>
      tpu.vector_store %arg6[%swap3A_883, %swap3A_884], %swap3A_887 {strides = array<i32>} : memref<128x64xf32, #tpu.memory_space<vmem>>, vector<1x16xf32>,
      %swap3A_888 = arith.constant 28 : i32
      %swap3A_889 = arith.index_cast %swap3A_888 : i32 to index
      %swap3A_890 = arith.constant 16 : index
      %swap3A_891 = tpu.vector_load %arg6[%swap3A_889, %swap3A_890] {strides = array<i32>} : memref<128x64xf32, #tpu.memory_space<vmem>>, vector<1x16xf32>,
      %swap3A_892 = vector.shape_cast %swap3A_891 : vector<1x16xf32> to vector<16xf32>
      %swap3A_893 = vector.shape_cast %broadcast_in_dim3A_210 : vector<16xf32> to vector<1x16xf32>
      tpu.vector_store %arg6[%swap3A_889, %swap3A_890], %swap3A_893 {strides = array<i32>} : memref<128x64xf32, #tpu.memory_space<vmem>>, vector<1x16xf32>,
      %swap3A_894 = arith.constant 28 : i32
      %swap3A_895 = arith.index_cast %swap3A_894 : i32 to index
      %swap3A_896 = arith.constant 32 : index
      %swap3A_897 = tpu.vector_load %arg6[%swap3A_895, %swap3A_896] {strides = array<i32>} : memref<128x64xf32, #tpu.memory_space<vmem>>, vector<1x16xf32>,
      %swap3A_898 = vector.shape_cast %swap3A_897 : vector<1x16xf32> to vector<16xf32>
      %swap3A_899 = vector.shape_cast %broadcast_in_dim3A_210 : vector<16xf32> to vector<1x16xf32>
      tpu.vector_store %arg6[%swap3A_895, %swap3A_896], %swap3A_899 {strides = array<i32>} : memref<128x64xf32, #tpu.memory_space<vmem>>, vector<1x16xf32>,
      %swap3A_900 = arith.constant 28 : i32
      %swap3A_901 = arith.index_cast %swap3A_900 : i32 to index
      %swap3A_902 = arith.constant 48 : index
      %swap3A_903 = tpu.vector_load %arg6[%swap3A_901, %swap3A_902] {strides = array<i32>} : memref<128x64xf32, #tpu.memory_space<vmem>>, vector<1x16xf32>,
      %swap3A_904 = vector.shape_cast %swap3A_903 : vector<1x16xf32> to vector<16xf32>
      %swap3A_905 = vector.shape_cast %broadcast_in_dim3A_210 : vector<16xf32> to vector<1x16xf32>
      tpu.vector_store %arg6[%swap3A_901, %swap3A_902], %swap3A_905 {strides = array<i32>} : memref<128x64xf32, #tpu.memory_space<vmem>>, vector<1x16xf32>,
      %swap3A_906 = arith.constant 29 : i32
      %swap3A_907 = arith.index_cast %swap3A_906 : i32 to index
      %swap3A_908 = arith.constant 0 : index
      %swap3A_909 = tpu.vector_load %arg6[%swap3A_907, %swap3A_908] {strides = array<i32>} : memref<128x64xf32, #tpu.memory_space<vmem>>, vector<1x16xf32>,
      %swap3A_910 = vector.shape_cast %swap3A_909 : vector<1x16xf32> to vector<16xf32>
      %swap3A_911 = vector.shape_cast %broadcast_in_dim3A_210 : vector<16xf32> to vector<1x16xf32>
      tpu.vector_store %arg6[%swap3A_907, %swap3A_908], %swap3A_911 {strides = array<i32>} : memref<128x64xf32, #tpu.memory_space<vmem>>, vector<1x16xf32>,
      %swap3A_912 = arith.constant 29 : i32
      %swap3A_913 = arith.index_cast %swap3A_912 : i32 to index
      %swap3A_914 = arith.constant 16 : index
      %swap3A_915 = tpu.vector_load %arg6[%swap3A_913, %swap3A_914] {strides = array<i32>} : memref<128x64xf32, #tpu.memory_space<vmem>>, vector<1x16xf32>,
      %swap3A_916 = vector.shape_cast %swap3A_915 : vector<1x16xf32> to vector<16xf32>
      %swap3A_917 = vector.shape_cast %broadcast_in_dim3A_210 : vector<16xf32> to vector<1x16xf32>
      tpu.vector_store %arg6[%swap3A_913, %swap3A_914], %swap3A_917 {strides = array<i32>} : memref<128x64xf32, #tpu.memory_space<vmem>>, vector<1x16xf32>,
      %swap3A_918 = arith.constant 29 : i32
      %swap3A_919 = arith.index_cast %swap3A_918 : i32 to index
      %swap3A_920 = arith.constant 32 : index
      %swap3A_921 = tpu.vector_load %arg6[%swap3A_919, %swap3A_920] {strides = array<i32>} : memref<128x64xf32, #tpu.memory_space<vmem>>, vector<1x16xf32>,
      %swap3A_922 = vector.shape_cast %swap3A_921 : vector<1x16xf32> to vector<16xf32>
      %swap3A_923 = vector.shape_cast %broadcast_in_dim3A_210 : vector<16xf32> to vector<1x16xf32>
      tpu.vector_store %arg6[%swap3A_919, %swap3A_920], %swap3A_923 {strides = array<i32>} : memref<128x64xf32, #tpu.memory_space<vmem>>, vector<1x16xf32>,
      %swap3A_924 = arith.constant 29 : i32
      %swap3A_925 = arith.index_cast %swap3A_924 : i32 to index
      %swap3A_926 = arith.constant 48 : index
      %swap3A_927 = tpu.vector_load %arg6[%swap3A_925, %swap3A_926] {strides = array<i32>} : memref<128x64xf32, #tpu.memory_space<vmem>>, vector<1x16xf32>,
      %swap3A_928 = vector.shape_cast %swap3A_927 : vector<1x16xf32> to vector<16xf32>
      %swap3A_929 = vector.shape_cast %broadcast_in_dim3A_210 : vector<16xf32> to vector<1x16xf32>
      tpu.vector_store %arg6[%swap3A_925, %swap3A_926], %swap3A_929 {strides = array<i32>} : memref<128x64xf32, #tpu.memory_space<vmem>>, vector<1x16xf32>,
      %swap3A_930 = arith.constant 30 : i32
      %swap3A_931 = arith.index_cast %swap3A_930 : i32 to index
      %swap3A_932 = arith.constant 0 : index
      %swap3A_933 = tpu.vector_load %arg6[%swap3A_931, %swap3A_932] {strides = array<i32>} : memref<128x64xf32, #tpu.memory_space<vmem>>, vector<1x16xf32>,
      %swap3A_934 = vector.shape_cast %swap3A_933 : vector<1x16xf32> to vector<16xf32>
      %swap3A_935 = vector.shape_cast %broadcast_in_dim3A_210 : vector<16xf32> to vector<1x16xf32>
      tpu.vector_store %arg6[%swap3A_931, %swap3A_932], %swap3A_935 {strides = array<i32>} : memref<128x64xf32, #tpu.memory_space<vmem>>, vector<1x16xf32>,
      %swap3A_936 = arith.constant 30 : i32
      %swap3A_937 = arith.index_cast %swap3A_936 : i32 to index
      %swap3A_938 = arith.constant 16 : index
      %swap3A_939 = tpu.vector_load %arg6[%swap3A_937, %swap3A_938] {strides = array<i32>} : memref<128x64xf32, #tpu.memory_space<vmem>>, vector<1x16xf32>,
      %swap3A_940 = vector.shape_cast %swap3A_939 : vector<1x16xf32> to vector<16xf32>
      %swap3A_941 = vector.shape_cast %broadcast_in_dim3A_210 : vector<16xf32> to vector<1x16xf32>
      tpu.vector_store %arg6[%swap3A_937, %swap3A_938], %swap3A_941 {strides = array<i32>} : memref<128x64xf32, #tpu.memory_space<vmem>>, vector<1x16xf32>,
      %swap3A_942 = arith.constant 30 : i32
      %swap3A_943 = arith.index_cast %swap3A_942 : i32 to index
      %swap3A_944 = arith.constant 32 : index
      %swap3A_945 = tpu.vector_load %arg6[%swap3A_943, %swap3A_944] {strides = array<i32>} : memref<128x64xf32, #tpu.memory_space<vmem>>, vector<1x16xf32>,
      %swap3A_946 = vector.shape_cast %swap3A_945 : vector<1x16xf32> to vector<16xf32>
      %swap3A_947 = vector.shape_cast %broadcast_in_dim3A_210 : vector<16xf32> to vector<1x16xf32>
      tpu.vector_store %arg6[%swap3A_943, %swap3A_944], %swap3A_947 {strides = array<i32>} : memref<128x64xf32, #tpu.memory_space<vmem>>, vector<1x16xf32>,
      %swap3A_948 = arith.constant 30 : i32
      %swap3A_949 = arith.index_cast %swap3A_948 : i32 to index
      %swap3A_950 = arith.constant 48 : index
      %swap3A_951 = tpu.vector_load %arg6[%swap3A_949, %swap3A_950] {strides = array<i32>} : memref<128x64xf32, #tpu.memory_space<vmem>>, vector<1x16xf32>,
      %swap3A_952 = vector.shape_cast %swap3A_951 : vector<1x16xf32> to vector<16xf32>
      %swap3A_953 = vector.shape_cast %broadcast_in_dim3A_210 : vector<16xf32> to vector<1x16xf32>
      tpu.vector_store %arg6[%swap3A_949, %swap3A_950], %swap3A_953 {strides = array<i32>} : memref<128x64xf32, #tpu.memory_space<vmem>>, vector<1x16xf32>,
      %swap3A_954 = arith.constant 31 : i32
      %swap3A_955 = arith.index_cast %swap3A_954 : i32 to index
      %swap3A_956 = arith.constant 0 : index
      %swap3A_957 = tpu.vector_load %arg6[%swap3A_955, %swap3A_956] {strides = array<i32>} : memref<128x64xf32, #tpu.memory_space<vmem>>, vector<1x16xf32>,
      %swap3A_958 = vector.shape_cast %swap3A_957 : vector<1x16xf32> to vector<16xf32>
      %swap3A_959 = vector.shape_cast %broadcast_in_dim3A_210 : vector<16xf32> to vector<1x16xf32>
      tpu.vector_store %arg6[%swap3A_955, %swap3A_956], %swap3A_959 {strides = array<i32>} : memref<128x64xf32, #tpu.memory_space<vmem>>, vector<1x16xf32>,
      %swap3A_960 = arith.constant 31 : i32
      %swap3A_961 = arith.index_cast %swap3A_960 : i32 to index
      %swap3A_962 = arith.constant 16 : index
      %swap3A_963 = tpu.vector_load %arg6[%swap3A_961, %swap3A_962] {strides = array<i32>} : memref<128x64xf32, #tpu.memory_space<vmem>>, vector<1x16xf32>,
      %swap3A_964 = vector.shape_cast %swap3A_963 : vector<1x16xf32> to vector<16xf32>
      %swap3A_965 = vector.shape_cast %broadcast_in_dim3A_210 : vector<16xf32> to vector<1x16xf32>
      tpu.vector_store %arg6[%swap3A_961, %swap3A_962], %swap3A_965 {strides = array<i32>} : memref<128x64xf32, #tpu.memory_space<vmem>>, vector<1x16xf32>,
      %swap3A_966 = arith.constant 31 : i32
      %swap3A_967 = arith.index_cast %swap3A_966 : i32 to index
      %swap3A_968 = arith.constant 32 : index
      %swap3A_969 = tpu.vector_load %arg6[%swap3A_967, %swap3A_968] {strides = array<i32>} : memref<128x64xf32, #tpu.memory_space<vmem>>, vector<1x16xf32>,
      %swap3A_970 = vector.shape_cast %swap3A_969 : vector<1x16xf32> to vector<16xf32>
      %swap3A_971 = vector.shape_cast %broadcast_in_dim3A_210 : vector<16xf32> to vector<1x16xf32>
      tpu.vector_store %arg6[%swap3A_967, %swap3A_968], %swap3A_971 {strides = array<i32>} : memref<128x64xf32, #tpu.memory_space<vmem>>, vector<1x16xf32>,
      %swap3A_972 = arith.constant 31 : i32
      %swap3A_973 = arith.index_cast %swap3A_972 : i32 to index
      %swap3A_974 = arith.constant 48 : index
      %swap3A_975 = tpu.vector_load %arg6[%swap3A_973, %swap3A_974] {strides = array<i32>} : memref<128x64xf32, #tpu.memory_space<vmem>>, vector<1x16xf32>,
      %swap3A_976 = vector.shape_cast %swap3A_975 : vector<1x16xf32> to vector<16xf32>
      %swap3A_977 = vector.shape_cast %broadcast_in_dim3A_210 : vector<16xf32> to vector<1x16xf32>
      tpu.vector_store %arg6[%swap3A_973, %swap3A_974], %swap3A_977 {strides = array<i32>} : memref<128x64xf32, #tpu.memory_space<vmem>>, vector<1x16xf32>,
      %swap3A_978 = arith.constant 32 : i32
      %swap3A_979 = arith.index_cast %swap3A_978 : i32 to index
      %swap3A_980 = arith.constant 0 : index
      %swap3A_981 = tpu.vector_load %arg6[%swap3A_979, %swap3A_980] {strides = array<i32>} : memref<128x64xf32, #tpu.memory_space<vmem>>, vector<1x16xf32>,
      %swap3A_982 = vector.shape_cast %swap3A_981 : vector<1x16xf32> to vector<16xf32>
      %swap3A_983 = vector.shape_cast %broadcast_in_dim3A_210 : vector<16xf32> to vector<1x16xf32>
      tpu.vector_store %arg6[%swap3A_979, %swap3A_980], %swap3A_983 {strides = array<i32>} : memref<128x64xf32, #tpu.memory_space<vmem>>, vector<1x16xf32>,
      %swap3A_984 = arith.constant 32 : i32
      %swap3A_985 = arith.index_cast %swap3A_984 : i32 to index
      %swap3A_986 = arith.constant 16 : index
      %swap3A_987 = tpu.vector_load %arg6[%swap3A_985, %swap3A_986] {strides = array<i32>} : memref<128x64xf32, #tpu.memory_space<vmem>>, vector<1x16xf32>,
      %swap3A_988 = vector.shape_cast %swap3A_987 : vector<1x16xf32> to vector<16xf32>
      %swap3A_989 = vector.shape_cast %broadcast_in_dim3A_210 : vector<16xf32> to vector<1x16xf32>
      tpu.vector_store %arg6[%swap3A_985, %swap3A_986], %swap3A_989 {strides = array<i32>} : memref<128x64xf32, #tpu.memory_space<vmem>>, vector<1x16xf32>,
      %swap3A_990 = arith.constant 32 : i32
      %swap3A_991 = arith.index_cast %swap3A_990 : i32 to index
      %swap3A_992 = arith.constant 32 : index
      %swap3A_993 = tpu.vector_load %arg6[%swap3A_991, %swap3A_992] {strides = array<i32>} : memref<128x64xf32, #tpu.memory_space<vmem>>, vector<1x16xf32>,
      %swap3A_994 = vector.shape_cast %swap3A_993 : vector<1x16xf32> to vector<16xf32>
      %swap3A_995 = vector.shape_cast %broadcast_in_dim3A_210 : vector<16xf32> to vector<1x16xf32>
      tpu.vector_store %arg6[%swap3A_991, %swap3A_992], %swap3A_995 {strides = array<i32>} : memref<128x64xf32, #tpu.memory_space<vmem>>, vector<1x16xf32>,
      %swap3A_996 = arith.constant 32 : i32
      %swap3A_997 = arith.index_cast %swap3A_996 : i32 to index
      %swap3A_998 = arith.constant 48 : index
      %swap3A_999 = tpu.vector_load %arg6[%swap3A_997, %swap3A_998] {strides = array<i32>} : memref<128x64xf32, #tpu.memory_space<vmem>>, vector<1x16xf32>,
      %swap3A_1000 = vector.shape_cast %swap3A_999 : vector<1x16xf32> to vector<16xf32>
      %swap3A_1001 = vector.shape_cast %broadcast_in_dim3A_210 : vector<16xf32> to vector<1x16xf32>
      tpu.vector_store %arg6[%swap3A_997, %swap3A_998], %swap3A_1001 {strides = array<i32>} : memref<128x64xf32, #tpu.memory_space<vmem>>, vector<1x16xf32>,
      %swap3A_1002 = arith.constant 33 : i32
      %swap3A_1003 = arith.index_cast %swap3A_1002 : i32 to index
      %swap3A_1004 = arith.constant 0 : index
      %swap3A_1005 = tpu.vector_load %arg6[%swap3A_1003, %swap3A_1004] {strides = array<i32>} : memref<128x64xf32, #tpu.memory_space<vmem>>, vector<1x16xf32>,
      %swap3A_1006 = vector.shape_cast %swap3A_1005 : vector<1x16xf32> to vector<16xf32>
      %swap3A_1007 = vector.shape_cast %broadcast_in_dim3A_210 : vector<16xf32> to vector<1x16xf32>
      tpu.vector_store %arg6[%swap3A_1003, %swap3A_1004], %swap3A_1007 {strides = array<i32>} : memref<128x64xf32, #tpu.memory_space<vmem>>, vector<1x16xf32>,
      %swap3A_1008 = arith.constant 33 : i32
      %swap3A_1009 = arith.index_cast %swap3A_1008 : i32 to index
      %swap3A_1010 = arith.constant 16 : index
      %swap3A_1011 = tpu.vector_load %arg6[%swap3A_1009, %swap3A_1010] {strides = array<i32>} : memref<128x64xf32, #tpu.memory_space<vmem>>, vector<1x16xf32>,
      %swap3A_1012 = vector.shape_cast %swap3A_1011 : vector<1x16xf32> to vector<16xf32>
      %swap3A_1013 = vector.shape_cast %broadcast_in_dim3A_210 : vector<16xf32> to vector<1x16xf32>
      tpu.vector_store %arg6[%swap3A_1009, %swap3A_1010], %swap3A_1013 {strides = array<i32>} : memref<128x64xf32, #tpu.memory_space<vmem>>, vector<1x16xf32>,
      %swap3A_1014 = arith.constant 33 : i32
      %swap3A_1015 = arith.index_cast %swap3A_1014 : i32 to index
      %swap3A_1016 = arith.constant 32 : index
      %swap3A_1017 = tpu.vector_load %arg6[%swap3A_1015, %swap3A_1016] {strides = array<i32>} : memref<128x64xf32, #tpu.memory_space<vmem>>, vector<1x16xf32>,
      %swap3A_1018 = vector.shape_cast %swap3A_1017 : vector<1x16xf32> to vector<16xf32>
      %swap3A_1019 = vector.shape_cast %broadcast_in_dim3A_210 : vector<16xf32> to vector<1x16xf32>
      tpu.vector_store %arg6[%swap3A_1015, %swap3A_1016], %swap3A_1019 {strides = array<i32>} : memref<128x64xf32, #tpu.memory_space<vmem>>, vector<1x16xf32>,
      %swap3A_1020 = arith.constant 33 : i32
      %swap3A_1021 = arith.index_cast %swap3A_1020 : i32 to index
      %swap3A_1022 = arith.constant 48 : index
      %swap3A_1023 = tpu.vector_load %arg6[%swap3A_1021, %swap3A_1022] {strides = array<i32>} : memref<128x64xf32, #tpu.memory_space<vmem>>, vector<1x16xf32>,
      %swap3A_1024 = vector.shape_cast %swap3A_1023 : vector<1x16xf32> to vector<16xf32>
      %swap3A_1025 = vector.shape_cast %broadcast_in_dim3A_210 : vector<16xf32> to vector<1x16xf32>
      tpu.vector_store %arg6[%swap3A_1021, %swap3A_1022], %swap3A_1025 {strides = array<i32>} : memref<128x64xf32, #tpu.memory_space<vmem>>, vector<1x16xf32>,
      %swap3A_1026 = arith.constant 34 : i32
      %swap3A_1027 = arith.index_cast %swap3A_1026 : i32 to index
      %swap3A_1028 = arith.constant 0 : index
      %swap3A_1029 = tpu.vector_load %arg6[%swap3A_1027, %swap3A_1028] {strides = array<i32>} : memref<128x64xf32, #tpu.memory_space<vmem>>, vector<1x16xf32>,
      %swap3A_1030 = vector.shape_cast %swap3A_1029 : vector<1x16xf32> to vector<16xf32>
      %swap3A_1031 = vector.shape_cast %broadcast_in_dim3A_210 : vector<16xf32> to vector<1x16xf32>
      tpu.vector_store %arg6[%swap3A_1027, %swap3A_1028], %swap3A_1031 {strides = array<i32>} : memref<128x64xf32, #tpu.memory_space<vmem>>, vector<1x16xf32>,
      %swap3A_1032 = arith.constant 34 : i32
      %swap3A_1033 = arith.index_cast %swap3A_1032 : i32 to index
      %swap3A_1034 = arith.constant 16 : index
      %swap3A_1035 = tpu.vector_load %arg6[%swap3A_1033, %swap3A_1034] {strides = array<i32>} : memref<128x64xf32, #tpu.memory_space<vmem>>, vector<1x16xf32>,
      %swap3A_1036 = vector.shape_cast %swap3A_1035 : vector<1x16xf32> to vector<16xf32>
      %swap3A_1037 = vector.shape_cast %broadcast_in_dim3A_210 : vector<16xf32> to vector<1x16xf32>
      tpu.vector_store %arg6[%swap3A_1033, %swap3A_1034], %swap3A_1037 {strides = array<i32>} : memref<128x64xf32, #tpu.memory_space<vmem>>, vector<1x16xf32>,
      %swap3A_1038 = arith.constant 34 : i32
      %swap3A_1039 = arith.index_cast %swap3A_1038 : i32 to index
      %swap3A_1040 = arith.constant 32 : index
      %swap3A_1041 = tpu.vector_load %arg6[%swap3A_1039, %swap3A_1040] {strides = array<i32>} : memref<128x64xf32, #tpu.memory_space<vmem>>, vector<1x16xf32>,
      %swap3A_1042 = vector.shape_cast %swap3A_1041 : vector<1x16xf32> to vector<16xf32>
      %swap3A_1043 = vector.shape_cast %broadcast_in_dim3A_210 : vector<16xf32> to vector<1x16xf32>
      tpu.vector_store %arg6[%swap3A_1039, %swap3A_1040], %swap3A_1043 {strides = array<i32>} : memref<128x64xf32, #tpu.memory_space<vmem>>, vector<1x16xf32>,
      %swap3A_1044 = arith.constant 34 : i32
      %swap3A_1045 = arith.index_cast %swap3A_1044 : i32 to index
      %swap3A_1046 = arith.constant 48 : index
      %swap3A_1047 = tpu.vector_load %arg6[%swap3A_1045, %swap3A_1046] {strides = array<i32>} : memref<128x64xf32, #tpu.memory_space<vmem>>, vector<1x16xf32>,
      %swap3A_1048 = vector.shape_cast %swap3A_1047 : vector<1x16xf32> to vector<16xf32>
      %swap3A_1049 = vector.shape_cast %broadcast_in_dim3A_210 : vector<16xf32> to vector<1x16xf32>
      tpu.vector_store %arg6[%swap3A_1045, %swap3A_1046], %swap3A_1049 {strides = array<i32>} : memref<128x64xf32, #tpu.memory_space<vmem>>, vector<1x16xf32>,
      %swap3A_1050 = arith.constant 35 : i32
      %swap3A_1051 = arith.index_cast %swap3A_1050 : i32 to index
      %swap3A_1052 = arith.constant 0 : index
      %swap3A_1053 = tpu.vector_load %arg6[%swap3A_1051, %swap3A_1052] {strides = array<i32>} : memref<128x64xf32, #tpu.memory_space<vmem>>, vector<1x16xf32>,
      %swap3A_1054 = vector.shape_cast %swap3A_1053 : vector<1x16xf32> to vector<16xf32>
      %swap3A_1055 = vector.shape_cast %broadcast_in_dim3A_210 : vector<16xf32> to vector<1x16xf32>
      tpu.vector_store %arg6[%swap3A_1051, %swap3A_1052], %swap3A_1055 {strides = array<i32>} : memref<128x64xf32, #tpu.memory_space<vmem>>, vector<1x16xf32>,
      %swap3A_1056 = arith.constant 35 : i32
      %swap3A_1057 = arith.index_cast %swap3A_1056 : i32 to index
      %swap3A_1058 = arith.constant 16 : index
      %swap3A_1059 = tpu.vector_load %arg6[%swap3A_1057, %swap3A_1058] {strides = array<i32>} : memref<128x64xf32, #tpu.memory_space<vmem>>, vector<1x16xf32>,
      %swap3A_1060 = vector.shape_cast %swap3A_1059 : vector<1x16xf32> to vector<16xf32>
      %swap3A_1061 = vector.shape_cast %broadcast_in_dim3A_210 : vector<16xf32> to vector<1x16xf32>
      tpu.vector_store %arg6[%swap3A_1057, %swap3A_1058], %swap3A_1061 {strides = array<i32>} : memref<128x64xf32, #tpu.memory_space<vmem>>, vector<1x16xf32>,
      %swap3A_1062 = arith.constant 35 : i32
      %swap3A_1063 = arith.index_cast %swap3A_1062 : i32 to index
      %swap3A_1064 = arith.constant 32 : index
      %swap3A_1065 = tpu.vector_load %arg6[%swap3A_1063, %swap3A_1064] {strides = array<i32>} : memref<128x64xf32, #tpu.memory_space<vmem>>, vector<1x16xf32>,
      %swap3A_1066 = vector.shape_cast %swap3A_1065 : vector<1x16xf32> to vector<16xf32>
      %swap3A_1067 = vector.shape_cast %broadcast_in_dim3A_210 : vector<16xf32> to vector<1x16xf32>
      tpu.vector_store %arg6[%swap3A_1063, %swap3A_1064], %swap3A_1067 {strides = array<i32>} : memref<128x64xf32, #tpu.memory_space<vmem>>, vector<1x16xf32>,
      %swap3A_1068 = arith.constant 35 : i32
      %swap3A_1069 = arith.index_cast %swap3A_1068 : i32 to index
      %swap3A_1070 = arith.constant 48 : index
      %swap3A_1071 = tpu.vector_load %arg6[%swap3A_1069, %swap3A_1070] {strides = array<i32>} : memref<128x64xf32, #tpu.memory_space<vmem>>, vector<1x16xf32>,
      %swap3A_1072 = vector.shape_cast %swap3A_1071 : vector<1x16xf32> to vector<16xf32>
      %swap3A_1073 = vector.shape_cast %broadcast_in_dim3A_210 : vector<16xf32> to vector<1x16xf32>
      tpu.vector_store %arg6[%swap3A_1069, %swap3A_1070], %swap3A_1073 {strides = array<i32>} : memref<128x64xf32, #tpu.memory_space<vmem>>, vector<1x16xf32>,
      %swap3A_1074 = arith.constant 36 : i32
      %swap3A_1075 = arith.index_cast %swap3A_1074 : i32 to index
      %swap3A_1076 = arith.constant 0 : index
      %swap3A_1077 = tpu.vector_load %arg6[%swap3A_1075, %swap3A_1076] {strides = array<i32>} : memref<128x64xf32, #tpu.memory_space<vmem>>, vector<1x16xf32>,
      %swap3A_1078 = vector.shape_cast %swap3A_1077 : vector<1x16xf32> to vector<16xf32>
      %swap3A_1079 = vector.shape_cast %broadcast_in_dim3A_210 : vector<16xf32> to vector<1x16xf32>
      tpu.vector_store %arg6[%swap3A_1075, %swap3A_1076], %swap3A_1079 {strides = array<i32>} : memref<128x64xf32, #tpu.memory_space<vmem>>, vector<1x16xf32>,
      %swap3A_1080 = arith.constant 36 : i32
      %swap3A_1081 = arith.index_cast %swap3A_1080 : i32 to index
      %swap3A_1082 = arith.constant 16 : index
      %swap3A_1083 = tpu.vector_load %arg6[%swap3A_1081, %swap3A_1082] {strides = array<i32>} : memref<128x64xf32, #tpu.memory_space<vmem>>, vector<1x16xf32>,
      %swap3A_1084 = vector.shape_cast %swap3A_1083 : vector<1x16xf32> to vector<16xf32>
      %swap3A_1085 = vector.shape_cast %broadcast_in_dim3A_210 : vector<16xf32> to vector<1x16xf32>
      tpu.vector_store %arg6[%swap3A_1081, %swap3A_1082], %swap3A_1085 {strides = array<i32>} : memref<128x64xf32, #tpu.memory_space<vmem>>, vector<1x16xf32>,
      %swap3A_1086 = arith.constant 36 : i32
      %swap3A_1087 = arith.index_cast %swap3A_1086 : i32 to index
      %swap3A_1088 = arith.constant 32 : index
      %swap3A_1089 = tpu.vector_load %arg6[%swap3A_1087, %swap3A_1088] {strides = array<i32>} : memref<128x64xf32, #tpu.memory_space<vmem>>, vector<1x16xf32>,
      %swap3A_1090 = vector.shape_cast %swap3A_1089 : vector<1x16xf32> to vector<16xf32>
      %swap3A_1091 = vector.shape_cast %broadcast_in_dim3A_210 : vector<16xf32> to vector<1x16xf32>
      tpu.vector_store %arg6[%swap3A_1087, %swap3A_1088], %swap3A_1091 {strides = array<i32>} : memref<128x64xf32, #tpu.memory_space<vmem>>, vector<1x16xf32>,
      %swap3A_1092 = arith.constant 36 : i32
      %swap3A_1093 = arith.index_cast %swap3A_1092 : i32 to index
      %swap3A_1094 = arith.constant 48 : index
      %swap3A_1095 = tpu.vector_load %arg6[%swap3A_1093, %swap3A_1094] {strides = array<i32>} : memref<128x64xf32, #tpu.memory_space<vmem>>, vector<1x16xf32>,
      %swap3A_1096 = vector.shape_cast %swap3A_1095 : vector<1x16xf32> to vector<16xf32>
      %swap3A_1097 = vector.shape_cast %broadcast_in_dim3A_210 : vector<16xf32> to vector<1x16xf32>
      tpu.vector_store %arg6[%swap3A_1093, %swap3A_1094], %swap3A_1097 {strides = array<i32>} : memref<128x64xf32, #tpu.memory_space<vmem>>, vector<1x16xf32>,
      %swap3A_1098 = arith.constant 37 : i32
      %swap3A_1099 = arith.index_cast %swap3A_1098 : i32 to index
      %swap3A_1100 = arith.constant 0 : index
      %swap3A_1101 = tpu.vector_load %arg6[%swap3A_1099, %swap3A_1100] {strides = array<i32>} : memref<128x64xf32, #tpu.memory_space<vmem>>, vector<1x16xf32>,
      %swap3A_1102 = vector.shape_cast %swap3A_1101 : vector<1x16xf32> to vector<16xf32>
      %swap3A_1103 = vector.shape_cast %broadcast_in_dim3A_210 : vector<16xf32> to vector<1x16xf32>
      tpu.vector_store %arg6[%swap3A_1099, %swap3A_1100], %swap3A_1103 {strides = array<i32>} : memref<128x64xf32, #tpu.memory_space<vmem>>, vector<1x16xf32>,
      %swap3A_1104 = arith.constant 37 : i32
      %swap3A_1105 = arith.index_cast %swap3A_1104 : i32 to index
      %swap3A_1106 = arith.constant 16 : index
      %swap3A_1107 = tpu.vector_load %arg6[%swap3A_1105, %swap3A_1106] {strides = array<i32>} : memref<128x64xf32, #tpu.memory_space<vmem>>, vector<1x16xf32>,
      %swap3A_1108 = vector.shape_cast %swap3A_1107 : vector<1x16xf32> to vector<16xf32>
      %swap3A_1109 = vector.shape_cast %broadcast_in_dim3A_210 : vector<16xf32> to vector<1x16xf32>
      tpu.vector_store %arg6[%swap3A_1105, %swap3A_1106], %swap3A_1109 {strides = array<i32>} : memref<128x64xf32, #tpu.memory_space<vmem>>, vector<1x16xf32>,
      %swap3A_1110 = arith.constant 37 : i32
      %swap3A_1111 = arith.index_cast %swap3A_1110 : i32 to index
      %swap3A_1112 = arith.constant 32 : index
      %swap3A_1113 = tpu.vector_load %arg6[%swap3A_1111, %swap3A_1112] {strides = array<i32>} : memref<128x64xf32, #tpu.memory_space<vmem>>, vector<1x16xf32>,
      %swap3A_1114 = vector.shape_cast %swap3A_1113 : vector<1x16xf32> to vector<16xf32>
      %swap3A_1115 = vector.shape_cast %broadcast_in_dim3A_210 : vector<16xf32> to vector<1x16xf32>
      tpu.vector_store %arg6[%swap3A_1111, %swap3A_1112], %swap3A_1115 {strides = array<i32>} : memref<128x64xf32, #tpu.memory_space<vmem>>, vector<1x16xf32>,
      %swap3A_1116 = arith.constant 37 : i32
      %swap3A_1117 = arith.index_cast %swap3A_1116 : i32 to index
      %swap3A_1118 = arith.constant 48 : index
      %swap3A_1119 = tpu.vector_load %arg6[%swap3A_1117, %swap3A_1118] {strides = array<i32>} : memref<128x64xf32, #tpu.memory_space<vmem>>, vector<1x16xf32>,
      %swap3A_1120 = vector.shape_cast %swap3A_1119 : vector<1x16xf32> to vector<16xf32>
      %swap3A_1121 = vector.shape_cast %broadcast_in_dim3A_210 : vector<16xf32> to vector<1x16xf32>
      tpu.vector_store %arg6[%swap3A_1117, %swap3A_1118], %swap3A_1121 {strides = array<i32>} : memref<128x64xf32, #tpu.memory_space<vmem>>, vector<1x16xf32>,
      %swap3A_1122 = arith.constant 38 : i32
      %swap3A_1123 = arith.index_cast %swap3A_1122 : i32 to index
      %swap3A_1124 = arith.constant 0 : index
      %swap3A_1125 = tpu.vector_load %arg6[%swap3A_1123, %swap3A_1124] {strides = array<i32>} : memref<128x64xf32, #tpu.memory_space<vmem>>, vector<1x16xf32>,
      %swap3A_1126 = vector.shape_cast %swap3A_1125 : vector<1x16xf32> to vector<16xf32>
      %swap3A_1127 = vector.shape_cast %broadcast_in_dim3A_210 : vector<16xf32> to vector<1x16xf32>
      tpu.vector_store %arg6[%swap3A_1123, %swap3A_1124], %swap3A_1127 {strides = array<i32>} : memref<128x64xf32, #tpu.memory_space<vmem>>, vector<1x16xf32>,
      %swap3A_1128 = arith.constant 38 : i32
      %swap3A_1129 = arith.index_cast %swap3A_1128 : i32 to index
      %swap3A_1130 = arith.constant 16 : index
      %swap3A_1131 = tpu.vector_load %arg6[%swap3A_1129, %swap3A_1130] {strides = array<i32>} : memref<128x64xf32, #tpu.memory_space<vmem>>, vector<1x16xf32>,
      %swap3A_1132 = vector.shape_cast %swap3A_1131 : vector<1x16xf32> to vector<16xf32>
      %swap3A_1133 = vector.shape_cast %broadcast_in_dim3A_210 : vector<16xf32> to vector<1x16xf32>
      tpu.vector_store %arg6[%swap3A_1129, %swap3A_1130], %swap3A_1133 {strides = array<i32>} : memref<128x64xf32, #tpu.memory_space<vmem>>, vector<1x16xf32>,
      %swap3A_1134 = arith.constant 38 : i32
      %swap3A_1135 = arith.index_cast %swap3A_1134 : i32 to index
      %swap3A_1136 = arith.constant 32 : index
      %swap3A_1137 = tpu.vector_load %arg6[%swap3A_1135, %swap3A_1136] {strides = array<i32>} : memref<128x64xf32, #tpu.memory_space<vmem>>, vector<1x16xf32>,
      %swap3A_1138 = vector.shape_cast %swap3A_1137 : vector<1x16xf32> to vector<16xf32>
      %swap3A_1139 = vector.shape_cast %broadcast_in_dim3A_210 : vector<16xf32> to vector<1x16xf32>
      tpu.vector_store %arg6[%swap3A_1135, %swap3A_1136], %swap3A_1139 {strides = array<i32>} : memref<128x64xf32, #tpu.memory_space<vmem>>, vector<1x16xf32>,
      %swap3A_1140 = arith.constant 38 : i32
      %swap3A_1141 = arith.index_cast %swap3A_1140 : i32 to index
      %swap3A_1142 = arith.constant 48 : index
      %swap3A_1143 = tpu.vector_load %arg6[%swap3A_1141, %swap3A_1142] {strides = array<i32>} : memref<128x64xf32, #tpu.memory_space<vmem>>, vector<1x16xf32>,
      %swap3A_1144 = vector.shape_cast %swap3A_1143 : vector<1x16xf32> to vector<16xf32>
      %swap3A_1145 = vector.shape_cast %broadcast_in_dim3A_210 : vector<16xf32> to vector<1x16xf32>
      tpu.vector_store %arg6[%swap3A_1141, %swap3A_1142], %swap3A_1145 {strides = array<i32>} : memref<128x64xf32, #tpu.memory_space<vmem>>, vector<1x16xf32>,
      %swap3A_1146 = arith.constant 39 : i32
      %swap3A_1147 = arith.index_cast %swap3A_1146 : i32 to index
      %swap3A_1148 = arith.constant 0 : index
      %swap3A_1149 = tpu.vector_load %arg6[%swap3A_1147, %swap3A_1148] {strides = array<i32>} : memref<128x64xf32, #tpu.memory_space<vmem>>, vector<1x16xf32>,
      %swap3A_1150 = vector.shape_cast %swap3A_1149 : vector<1x16xf32> to vector<16xf32>
      %swap3A_1151 = vector.shape_cast %broadcast_in_dim3A_210 : vector<16xf32> to vector<1x16xf32>
      tpu.vector_store %arg6[%swap3A_1147, %swap3A_1148], %swap3A_1151 {strides = array<i32>} : memref<128x64xf32, #tpu.memory_space<vmem>>, vector<1x16xf32>,
      %swap3A_1152 = arith.constant 39 : i32
      %swap3A_1153 = arith.index_cast %swap3A_1152 : i32 to index
      %swap3A_1154 = arith.constant 16 : index
      %swap3A_1155 = tpu.vector_load %arg6[%swap3A_1153, %swap3A_1154] {strides = array<i32>} : memref<128x64xf32, #tpu.memory_space<vmem>>, vector<1x16xf32>,
      %swap3A_1156 = vector.shape_cast %swap3A_1155 : vector<1x16xf32> to vector<16xf32>
      %swap3A_1157 = vector.shape_cast %broadcast_in_dim3A_210 : vector<16xf32> to vector<1x16xf32>
      tpu.vector_store %arg6[%swap3A_1153, %swap3A_1154], %swap3A_1157 {strides = array<i32>} : memref<128x64xf32, #tpu.memory_space<vmem>>, vector<1x16xf32>,
      %swap3A_1158 = arith.constant 39 : i32
      %swap3A_1159 = arith.index_cast %swap3A_1158 : i32 to index
      %swap3A_1160 = arith.constant 32 : index
      %swap3A_1161 = tpu.vector_load %arg6[%swap3A_1159, %swap3A_1160] {strides = array<i32>} : memref<128x64xf32, #tpu.memory_space<vmem>>, vector<1x16xf32>,
      %swap3A_1162 = vector.shape_cast %swap3A_1161 : vector<1x16xf32> to vector<16xf32>
      %swap3A_1163 = vector.shape_cast %broadcast_in_dim3A_210 : vector<16xf32> to vector<1x16xf32>
      tpu.vector_store %arg6[%swap3A_1159, %swap3A_1160], %swap3A_1163 {strides = array<i32>} : memref<128x64xf32, #tpu.memory_space<vmem>>, vector<1x16xf32>,
      %swap3A_1164 = arith.constant 39 : i32
      %swap3A_1165 = arith.index_cast %swap3A_1164 : i32 to index
      %swap3A_1166 = arith.constant 48 : index
      %swap3A_1167 = tpu.vector_load %arg6[%swap3A_1165, %swap3A_1166] {strides = array<i32>} : memref<128x64xf32, #tpu.memory_space<vmem>>, vector<1x16xf32>,
      %swap3A_1168 = vector.shape_cast %swap3A_1167 : vector<1x16xf32> to vector<16xf32>
      %swap3A_1169 = vector.shape_cast %broadcast_in_dim3A_210 : vector<16xf32> to vector<1x16xf32>
      tpu.vector_store %arg6[%swap3A_1165, %swap3A_1166], %swap3A_1169 {strides = array<i32>} : memref<128x64xf32, #tpu.memory_space<vmem>>, vector<1x16xf32>,
      %swap3A_1170 = arith.constant 40 : i32
      %swap3A_1171 = arith.index_cast %swap3A_1170 : i32 to index
      %swap3A_1172 = arith.constant 0 : index
      %swap3A_1173 = tpu.vector_load %arg6[%swap3A_1171, %swap3A_1172] {strides = array<i32>} : memref<128x64xf32, #tpu.memory_space<vmem>>, vector<1x16xf32>,
      %swap3A_1174 = vector.shape_cast %swap3A_1173 : vector<1x16xf32> to vector<16xf32>
      %swap3A_1175 = vector.shape_cast %broadcast_in_dim3A_210 : vector<16xf32> to vector<1x16xf32>
      tpu.vector_store %arg6[%swap3A_1171, %swap3A_1172], %swap3A_1175 {strides = array<i32>} : memref<128x64xf32, #tpu.memory_space<vmem>>, vector<1x16xf32>,
      %swap3A_1176 = arith.constant 40 : i32
      %swap3A_1177 = arith.index_cast %swap3A_1176 : i32 to index
      %swap3A_1178 = arith.constant 16 : index
      %swap3A_1179 = tpu.vector_load %arg6[%swap3A_1177, %swap3A_1178] {strides = array<i32>} : memref<128x64xf32, #tpu.memory_space<vmem>>, vector<1x16xf32>,
      %swap3A_1180 = vector.shape_cast %swap3A_1179 : vector<1x16xf32> to vector<16xf32>
      %swap3A_1181 = vector.shape_cast %broadcast_in_dim3A_210 : vector<16xf32> to vector<1x16xf32>
      tpu.vector_store %arg6[%swap3A_1177, %swap3A_1178], %swap3A_1181 {strides = array<i32>} : memref<128x64xf32, #tpu.memory_space<vmem>>, vector<1x16xf32>,
      %swap3A_1182 = arith.constant 40 : i32
      %swap3A_1183 = arith.index_cast %swap3A_1182 : i32 to index
      %swap3A_1184 = arith.constant 32 : index
      %swap3A_1185 = tpu.vector_load %arg6[%swap3A_1183, %swap3A_1184] {strides = array<i32>} : memref<128x64xf32, #tpu.memory_space<vmem>>, vector<1x16xf32>,
      %swap3A_1186 = vector.shape_cast %swap3A_1185 : vector<1x16xf32> to vector<16xf32>
      %swap3A_1187 = vector.shape_cast %broadcast_in_dim3A_210 : vector<16xf32> to vector<1x16xf32>
      tpu.vector_store %arg6[%swap3A_1183, %swap3A_1184], %swap3A_1187 {strides = array<i32>} : memref<128x64xf32, #tpu.memory_space<vmem>>, vector<1x16xf32>,
      %swap3A_1188 = arith.constant 40 : i32
      %swap3A_1189 = arith.index_cast %swap3A_1188 : i32 to index
      %swap3A_1190 = arith.constant 48 : index
      %swap3A_1191 = tpu.vector_load %arg6[%swap3A_1189, %swap3A_1190] {strides = array<i32>} : memref<128x64xf32, #tpu.memory_space<vmem>>, vector<1x16xf32>,
      %swap3A_1192 = vector.shape_cast %swap3A_1191 : vector<1x16xf32> to vector<16xf32>
      %swap3A_1193 = vector.shape_cast %broadcast_in_dim3A_210 : vector<16xf32> to vector<1x16xf32>
      tpu.vector_store %arg6[%swap3A_1189, %swap3A_1190], %swap3A_1193 {strides = array<i32>} : memref<128x64xf32, #tpu.memory_space<vmem>>, vector<1x16xf32>,
      %swap3A_1194 = arith.constant 41 : i32
      %swap3A_1195 = arith.index_cast %swap3A_1194 : i32 to index
      %swap3A_1196 = arith.constant 0 : index
      %swap3A_1197 = tpu.vector_load %arg6[%swap3A_1195, %swap3A_1196] {strides = array<i32>} : memref<128x64xf32, #tpu.memory_space<vmem>>, vector<1x16xf32>,
      %swap3A_1198 = vector.shape_cast %swap3A_1197 : vector<1x16xf32> to vector<16xf32>
      %swap3A_1199 = vector.shape_cast %broadcast_in_dim3A_210 : vector<16xf32> to vector<1x16xf32>
      tpu.vector_store %arg6[%swap3A_1195, %swap3A_1196], %swap3A_1199 {strides = array<i32>} : memref<128x64xf32, #tpu.memory_space<vmem>>, vector<1x16xf32>,
      %swap3A_1200 = arith.constant 41 : i32
      %swap3A_1201 = arith.index_cast %swap3A_1200 : i32 to index
      %swap3A_1202 = arith.constant 16 : index
      %swap3A_1203 = tpu.vector_load %arg6[%swap3A_1201, %swap3A_1202] {strides = array<i32>} : memref<128x64xf32, #tpu.memory_space<vmem>>, vector<1x16xf32>,
      %swap3A_1204 = vector.shape_cast %swap3A_1203 : vector<1x16xf32> to vector<16xf32>
      %swap3A_1205 = vector.shape_cast %broadcast_in_dim3A_210 : vector<16xf32> to vector<1x16xf32>
      tpu.vector_store %arg6[%swap3A_1201, %swap3A_1202], %swap3A_1205 {strides = array<i32>} : memref<128x64xf32, #tpu.memory_space<vmem>>, vector<1x16xf32>,
      %swap3A_1206 = arith.constant 41 : i32
      %swap3A_1207 = arith.index_cast %swap3A_1206 : i32 to index
      %swap3A_1208 = arith.constant 32 : index
      %swap3A_1209 = tpu.vector_load %arg6[%swap3A_1207, %swap3A_1208] {strides = array<i32>} : memref<128x64xf32, #tpu.memory_space<vmem>>, vector<1x16xf32>,
      %swap3A_1210 = vector.shape_cast %swap3A_1209 : vector<1x16xf32> to vector<16xf32>
      %swap3A_1211 = vector.shape_cast %broadcast_in_dim3A_210 : vector<16xf32> to vector<1x16xf32>
      tpu.vector_store %arg6[%swap3A_1207, %swap3A_1208], %swap3A_1211 {strides = array<i32>} : memref<128x64xf32, #tpu.memory_space<vmem>>, vector<1x16xf32>,
      %swap3A_1212 = arith.constant 41 : i32
      %swap3A_1213 = arith.index_cast %swap3A_1212 : i32 to index
      %swap3A_1214 = arith.constant 48 : index
      %swap3A_1215 = tpu.vector_load %arg6[%swap3A_1213, %swap3A_1214] {strides = array<i32>} : memref<128x64xf32, #tpu.memory_space<vmem>>, vector<1x16xf32>,
      %swap3A_1216 = vector.shape_cast %swap3A_1215 : vector<1x16xf32> to vector<16xf32>
      %swap3A_1217 = vector.shape_cast %broadcast_in_dim3A_210 : vector<16xf32> to vector<1x16xf32>
      tpu.vector_store %arg6[%swap3A_1213, %swap3A_1214], %swap3A_1217 {strides = array<i32>} : memref<128x64xf32, #tpu.memory_space<vmem>>, vector<1x16xf32>,
      %swap3A_1218 = arith.constant 42 : i32
      %swap3A_1219 = arith.index_cast %swap3A_1218 : i32 to index
      %swap3A_1220 = arith.constant 0 : index
      %swap3A_1221 = tpu.vector_load %arg6[%swap3A_1219, %swap3A_1220] {strides = array<i32>} : memref<128x64xf32, #tpu.memory_space<vmem>>, vector<1x16xf32>,
      %swap3A_1222 = vector.shape_cast %swap3A_1221 : vector<1x16xf32> to vector<16xf32>
      %swap3A_1223 = vector.shape_cast %broadcast_in_dim3A_210 : vector<16xf32> to vector<1x16xf32>
      tpu.vector_store %arg6[%swap3A_1219, %swap3A_1220], %swap3A_1223 {strides = array<i32>} : memref<128x64xf32, #tpu.memory_space<vmem>>, vector<1x16xf32>,
      %swap3A_1224 = arith.constant 42 : i32
      %swap3A_1225 = arith.index_cast %swap3A_1224 : i32 to index
      %swap3A_1226 = arith.constant 16 : index
      %swap3A_1227 = tpu.vector_load %arg6[%swap3A_1225, %swap3A_1226] {strides = array<i32>} : memref<128x64xf32, #tpu.memory_space<vmem>>, vector<1x16xf32>,
      %swap3A_1228 = vector.shape_cast %swap3A_1227 : vector<1x16xf32> to vector<16xf32>
      %swap3A_1229 = vector.shape_cast %broadcast_in_dim3A_210 : vector<16xf32> to vector<1x16xf32>
      tpu.vector_store %arg6[%swap3A_1225, %swap3A_1226], %swap3A_1229 {strides = array<i32>} : memref<128x64xf32, #tpu.memory_space<vmem>>, vector<1x16xf32>,
      %swap3A_1230 = arith.constant 42 : i32
      %swap3A_1231 = arith.index_cast %swap3A_1230 : i32 to index
      %swap3A_1232 = arith.constant 32 : index
      %swap3A_1233 = tpu.vector_load %arg6[%swap3A_1231, %swap3A_1232] {strides = array<i32>} : memref<128x64xf32, #tpu.memory_space<vmem>>, vector<1x16xf32>,
      %swap3A_1234 = vector.shape_cast %swap3A_1233 : vector<1x16xf32> to vector<16xf32>
      %swap3A_1235 = vector.shape_cast %broadcast_in_dim3A_210 : vector<16xf32> to vector<1x16xf32>
      tpu.vector_store %arg6[%swap3A_1231, %swap3A_1232], %swap3A_1235 {strides = array<i32>} : memref<128x64xf32, #tpu.memory_space<vmem>>, vector<1x16xf32>,
      %swap3A_1236 = arith.constant 42 : i32
      %swap3A_1237 = arith.index_cast %swap3A_1236 : i32 to index
      %swap3A_1238 = arith.constant 48 : index
      %swap3A_1239 = tpu.vector_load %arg6[%swap3A_1237, %swap3A_1238] {strides = array<i32>} : memref<128x64xf32, #tpu.memory_space<vmem>>, vector<1x16xf32>,
      %swap3A_1240 = vector.shape_cast %swap3A_1239 : vector<1x16xf32> to vector<16xf32>
      %swap3A_1241 = vector.shape_cast %broadcast_in_dim3A_210 : vector<16xf32> to vector<1x16xf32>
      tpu.vector_store %arg6[%swap3A_1237, %swap3A_1238], %swap3A_1241 {strides = array<i32>} : memref<128x64xf32, #tpu.memory_space<vmem>>, vector<1x16xf32>,
      %swap3A_1242 = arith.constant 43 : i32
      %swap3A_1243 = arith.index_cast %swap3A_1242 : i32 to index
      %swap3A_1244 = arith.constant 0 : index
      %swap3A_1245 = tpu.vector_load %arg6[%swap3A_1243, %swap3A_1244] {strides = array<i32>} : memref<128x64xf32, #tpu.memory_space<vmem>>, vector<1x16xf32>,
      %swap3A_1246 = vector.shape_cast %swap3A_1245 : vector<1x16xf32> to vector<16xf32>
      %swap3A_1247 = vector.shape_cast %broadcast_in_dim3A_210 : vector<16xf32> to vector<1x16xf32>
      tpu.vector_store %arg6[%swap3A_1243, %swap3A_1244], %swap3A_1247 {strides = array<i32>} : memref<128x64xf32, #tpu.memory_space<vmem>>, vector<1x16xf32>,
      %swap3A_1248 = arith.constant 43 : i32
      %swap3A_1249 = arith.index_cast %swap3A_1248 : i32 to index
      %swap3A_1250 = arith.constant 16 : index
      %swap3A_1251 = tpu.vector_load %arg6[%swap3A_1249, %swap3A_1250] {strides = array<i32>} : memref<128x64xf32, #tpu.memory_space<vmem>>, vector<1x16xf32>,
      %swap3A_1252 = vector.shape_cast %swap3A_1251 : vector<1x16xf32> to vector<16xf32>
      %swap3A_1253 = vector.shape_cast %broadcast_in_dim3A_210 : vector<16xf32> to vector<1x16xf32>
      tpu.vector_store %arg6[%swap3A_1249, %swap3A_1250], %swap3A_1253 {strides = array<i32>} : memref<128x64xf32, #tpu.memory_space<vmem>>, vector<1x16xf32>,
      %swap3A_1254 = arith.constant 43 : i32
      %swap3A_1255 = arith.index_cast %swap3A_1254 : i32 to index
      %swap3A_1256 = arith.constant 32 : index
      %swap3A_1257 = tpu.vector_load %arg6[%swap3A_1255, %swap3A_1256] {strides = array<i32>} : memref<128x64xf32, #tpu.memory_space<vmem>>, vector<1x16xf32>,
      %swap3A_1258 = vector.shape_cast %swap3A_1257 : vector<1x16xf32> to vector<16xf32>
      %swap3A_1259 = vector.shape_cast %broadcast_in_dim3A_210 : vector<16xf32> to vector<1x16xf32>
      tpu.vector_store %arg6[%swap3A_1255, %swap3A_1256], %swap3A_1259 {strides = array<i32>} : memref<128x64xf32, #tpu.memory_space<vmem>>, vector<1x16xf32>,
      %swap3A_1260 = arith.constant 43 : i32
      %swap3A_1261 = arith.index_cast %swap3A_1260 : i32 to index
      %swap3A_1262 = arith.constant 48 : index
      %swap3A_1263 = tpu.vector_load %arg6[%swap3A_1261, %swap3A_1262] {strides = array<i32>} : memref<128x64xf32, #tpu.memory_space<vmem>>, vector<1x16xf32>,
      %swap3A_1264 = vector.shape_cast %swap3A_1263 : vector<1x16xf32> to vector<16xf32>
      %swap3A_1265 = vector.shape_cast %broadcast_in_dim3A_210 : vector<16xf32> to vector<1x16xf32>
      tpu.vector_store %arg6[%swap3A_1261, %swap3A_1262], %swap3A_1265 {strides = array<i32>} : memref<128x64xf32, #tpu.memory_space<vmem>>, vector<1x16xf32>,
      %swap3A_1266 = arith.constant 44 : i32
      %swap3A_1267 = arith.index_cast %swap3A_1266 : i32 to index
      %swap3A_1268 = arith.constant 0 : index
      %swap3A_1269 = tpu.vector_load %arg6[%swap3A_1267, %swap3A_1268] {strides = array<i32>} : memref<128x64xf32, #tpu.memory_space<vmem>>, vector<1x16xf32>,
      %swap3A_1270 = vector.shape_cast %swap3A_1269 : vector<1x16xf32> to vector<16xf32>
      %swap3A_1271 = vector.shape_cast %broadcast_in_dim3A_210 : vector<16xf32> to vector<1x16xf32>
      tpu.vector_store %arg6[%swap3A_1267, %swap3A_1268], %swap3A_1271 {strides = array<i32>} : memref<128x64xf32, #tpu.memory_space<vmem>>, vector<1x16xf32>,
      %swap3A_1272 = arith.constant 44 : i32
      %swap3A_1273 = arith.index_cast %swap3A_1272 : i32 to index
      %swap3A_1274 = arith.constant 16 : index
      %swap3A_1275 = tpu.vector_load %arg6[%swap3A_1273, %swap3A_1274] {strides = array<i32>} : memref<128x64xf32, #tpu.memory_space<vmem>>, vector<1x16xf32>,
      %swap3A_1276 = vector.shape_cast %swap3A_1275 : vector<1x16xf32> to vector<16xf32>
      %swap3A_1277 = vector.shape_cast %broadcast_in_dim3A_210 : vector<16xf32> to vector<1x16xf32>
      tpu.vector_store %arg6[%swap3A_1273, %swap3A_1274], %swap3A_1277 {strides = array<i32>} : memref<128x64xf32, #tpu.memory_space<vmem>>, vector<1x16xf32>,
      %swap3A_1278 = arith.constant 44 : i32
      %swap3A_1279 = arith.index_cast %swap3A_1278 : i32 to index
      %swap3A_1280 = arith.constant 32 : index
      %swap3A_1281 = tpu.vector_load %arg6[%swap3A_1279, %swap3A_1280] {strides = array<i32>} : memref<128x64xf32, #tpu.memory_space<vmem>>, vector<1x16xf32>,
      %swap3A_1282 = vector.shape_cast %swap3A_1281 : vector<1x16xf32> to vector<16xf32>
      %swap3A_1283 = vector.shape_cast %broadcast_in_dim3A_210 : vector<16xf32> to vector<1x16xf32>
      tpu.vector_store %arg6[%swap3A_1279, %swap3A_1280], %swap3A_1283 {strides = array<i32>} : memref<128x64xf32, #tpu.memory_space<vmem>>, vector<1x16xf32>,
      %swap3A_1284 = arith.constant 44 : i32
      %swap3A_1285 = arith.index_cast %swap3A_1284 : i32 to index
      %swap3A_1286 = arith.constant 48 : index
      %swap3A_1287 = tpu.vector_load %arg6[%swap3A_1285, %swap3A_1286] {strides = array<i32>} : memref<128x64xf32, #tpu.memory_space<vmem>>, vector<1x16xf32>,
      %swap3A_1288 = vector.shape_cast %swap3A_1287 : vector<1x16xf32> to vector<16xf32>
      %swap3A_1289 = vector.shape_cast %broadcast_in_dim3A_210 : vector<16xf32> to vector<1x16xf32>
      tpu.vector_store %arg6[%swap3A_1285, %swap3A_1286], %swap3A_1289 {strides = array<i32>} : memref<128x64xf32, #tpu.memory_space<vmem>>, vector<1x16xf32>,
      %swap3A_1290 = arith.constant 45 : i32
      %swap3A_1291 = arith.index_cast %swap3A_1290 : i32 to index
      %swap3A_1292 = arith.constant 0 : index
      %swap3A_1293 = tpu.vector_load %arg6[%swap3A_1291, %swap3A_1292] {strides = array<i32>} : memref<128x64xf32, #tpu.memory_space<vmem>>, vector<1x16xf32>,
      %swap3A_1294 = vector.shape_cast %swap3A_1293 : vector<1x16xf32> to vector<16xf32>
      %swap3A_1295 = vector.shape_cast %broadcast_in_dim3A_210 : vector<16xf32> to vector<1x16xf32>
      tpu.vector_store %arg6[%swap3A_1291, %swap3A_1292], %swap3A_1295 {strides = array<i32>} : memref<128x64xf32, #tpu.memory_space<vmem>>, vector<1x16xf32>,
      %swap3A_1296 = arith.constant 45 : i32
      %swap3A_1297 = arith.index_cast %swap3A_1296 : i32 to index
      %swap3A_1298 = arith.constant 16 : index
      %swap3A_1299 = tpu.vector_load %arg6[%swap3A_1297, %swap3A_1298] {strides = array<i32>} : memref<128x64xf32, #tpu.memory_space<vmem>>, vector<1x16xf32>,
      %swap3A_1300 = vector.shape_cast %swap3A_1299 : vector<1x16xf32> to vector<16xf32>
      %swap3A_1301 = vector.shape_cast %broadcast_in_dim3A_210 : vector<16xf32> to vector<1x16xf32>
      tpu.vector_store %arg6[%swap3A_1297, %swap3A_1298], %swap3A_1301 {strides = array<i32>} : memref<128x64xf32, #tpu.memory_space<vmem>>, vector<1x16xf32>,
      %swap3A_1302 = arith.constant 45 : i32
      %swap3A_1303 = arith.index_cast %swap3A_1302 : i32 to index
      %swap3A_1304 = arith.constant 32 : index
      %swap3A_1305 = tpu.vector_load %arg6[%swap3A_1303, %swap3A_1304] {strides = array<i32>} : memref<128x64xf32, #tpu.memory_space<vmem>>, vector<1x16xf32>,
      %swap3A_1306 = vector.shape_cast %swap3A_1305 : vector<1x16xf32> to vector<16xf32>
      %swap3A_1307 = vector.shape_cast %broadcast_in_dim3A_210 : vector<16xf32> to vector<1x16xf32>
      tpu.vector_store %arg6[%swap3A_1303, %swap3A_1304], %swap3A_1307 {strides = array<i32>} : memref<128x64xf32, #tpu.memory_space<vmem>>, vector<1x16xf32>,
      %swap3A_1308 = arith.constant 45 : i32
      %swap3A_1309 = arith.index_cast %swap3A_1308 : i32 to index
      %swap3A_1310 = arith.constant 48 : index
      %swap3A_1311 = tpu.vector_load %arg6[%swap3A_1309, %swap3A_1310] {strides = array<i32>} : memref<128x64xf32, #tpu.memory_space<vmem>>, vector<1x16xf32>,
      %swap3A_1312 = vector.shape_cast %swap3A_1311 : vector<1x16xf32> to vector<16xf32>
      %swap3A_1313 = vector.shape_cast %broadcast_in_dim3A_210 : vector<16xf32> to vector<1x16xf32>
      tpu.vector_store %arg6[%swap3A_1309, %swap3A_1310], %swap3A_1313 {strides = array<i32>} : memref<128x64xf32, #tpu.memory_space<vmem>>, vector<1x16xf32>,
      %swap3A_1314 = arith.constant 46 : i32
      %swap3A_1315 = arith.index_cast %swap3A_1314 : i32 to index
      %swap3A_1316 = arith.constant 0 : index
      %swap3A_1317 = tpu.vector_load %arg6[%swap3A_1315, %swap3A_1316] {strides = array<i32>} : memref<128x64xf32, #tpu.memory_space<vmem>>, vector<1x16xf32>,
      %swap3A_1318 = vector.shape_cast %swap3A_1317 : vector<1x16xf32> to vector<16xf32>
      %swap3A_1319 = vector.shape_cast %broadcast_in_dim3A_210 : vector<16xf32> to vector<1x16xf32>
      tpu.vector_store %arg6[%swap3A_1315, %swap3A_1316], %swap3A_1319 {strides = array<i32>} : memref<128x64xf32, #tpu.memory_space<vmem>>, vector<1x16xf32>,
      %swap3A_1320 = arith.constant 46 : i32
      %swap3A_1321 = arith.index_cast %swap3A_1320 : i32 to index
      %swap3A_1322 = arith.constant 16 : index
      %swap3A_1323 = tpu.vector_load %arg6[%swap3A_1321, %swap3A_1322] {strides = array<i32>} : memref<128x64xf32, #tpu.memory_space<vmem>>, vector<1x16xf32>,
      %swap3A_1324 = vector.shape_cast %swap3A_1323 : vector<1x16xf32> to vector<16xf32>
      %swap3A_1325 = vector.shape_cast %broadcast_in_dim3A_210 : vector<16xf32> to vector<1x16xf32>
      tpu.vector_store %arg6[%swap3A_1321, %swap3A_1322], %swap3A_1325 {strides = array<i32>} : memref<128x64xf32, #tpu.memory_space<vmem>>, vector<1x16xf32>,
      %swap3A_1326 = arith.constant 46 : i32
      %swap3A_1327 = arith.index_cast %swap3A_1326 : i32 to index
      %swap3A_1328 = arith.constant 32 : index
      %swap3A_1329 = tpu.vector_load %arg6[%swap3A_1327, %swap3A_1328] {strides = array<i32>} : memref<128x64xf32, #tpu.memory_space<vmem>>, vector<1x16xf32>,
      %swap3A_1330 = vector.shape_cast %swap3A_1329 : vector<1x16xf32> to vector<16xf32>
      %swap3A_1331 = vector.shape_cast %broadcast_in_dim3A_210 : vector<16xf32> to vector<1x16xf32>
      tpu.vector_store %arg6[%swap3A_1327, %swap3A_1328], %swap3A_1331 {strides = array<i32>} : memref<128x64xf32, #tpu.memory_space<vmem>>, vector<1x16xf32>,
      %swap3A_1332 = arith.constant 46 : i32
      %swap3A_1333 = arith.index_cast %swap3A_1332 : i32 to index
      %swap3A_1334 = arith.constant 48 : index
      %swap3A_1335 = tpu.vector_load %arg6[%swap3A_1333, %swap3A_1334] {strides = array<i32>} : memref<128x64xf32, #tpu.memory_space<vmem>>, vector<1x16xf32>,
      %swap3A_1336 = vector.shape_cast %swap3A_1335 : vector<1x16xf32> to vector<16xf32>
      %swap3A_1337 = vector.shape_cast %broadcast_in_dim3A_210 : vector<16xf32> to vector<1x16xf32>
      tpu.vector_store %arg6[%swap3A_1333, %swap3A_1334], %swap3A_1337 {strides = array<i32>} : memref<128x64xf32, #tpu.memory_space<vmem>>, vector<1x16xf32>,
      %swap3A_1338 = arith.constant 47 : i32
      %swap3A_1339 = arith.index_cast %swap3A_1338 : i32 to index
      %swap3A_1340 = arith.constant 0 : index
      %swap3A_1341 = tpu.vector_load %arg6[%swap3A_1339, %swap3A_1340] {strides = array<i32>} : memref<128x64xf32, #tpu.memory_space<vmem>>, vector<1x16xf32>,
      %swap3A_1342 = vector.shape_cast %swap3A_1341 : vector<1x16xf32> to vector<16xf32>
      %swap3A_1343 = vector.shape_cast %broadcast_in_dim3A_210 : vector<16xf32> to vector<1x16xf32>
      tpu.vector_store %arg6[%swap3A_1339, %swap3A_1340], %swap3A_1343 {strides = array<i32>} : memref<128x64xf32, #tpu.memory_space<vmem>>, vector<1x16xf32>,
      %swap3A_1344 = arith.constant 47 : i32
      %swap3A_1345 = arith.index_cast %swap3A_1344 : i32 to index
      %swap3A_1346 = arith.constant 16 : index
      %swap3A_1347 = tpu.vector_load %arg6[%swap3A_1345, %swap3A_1346] {strides = array<i32>} : memref<128x64xf32, #tpu.memory_space<vmem>>, vector<1x16xf32>,
      %swap3A_1348 = vector.shape_cast %swap3A_1347 : vector<1x16xf32> to vector<16xf32>
      %swap3A_1349 = vector.shape_cast %broadcast_in_dim3A_210 : vector<16xf32> to vector<1x16xf32>
      tpu.vector_store %arg6[%swap3A_1345, %swap3A_1346], %swap3A_1349 {strides = array<i32>} : memref<128x64xf32, #tpu.memory_space<vmem>>, vector<1x16xf32>,
      %swap3A_1350 = arith.constant 47 : i32
      %swap3A_1351 = arith.index_cast %swap3A_1350 : i32 to index
      %swap3A_1352 = arith.constant 32 : index
      %swap3A_1353 = tpu.vector_load %arg6[%swap3A_1351, %swap3A_1352] {strides = array<i32>} : memref<128x64xf32, #tpu.memory_space<vmem>>, vector<1x16xf32>,
      %swap3A_1354 = vector.shape_cast %swap3A_1353 : vector<1x16xf32> to vector<16xf32>
      %swap3A_1355 = vector.shape_cast %broadcast_in_dim3A_210 : vector<16xf32> to vector<1x16xf32>
      tpu.vector_store %arg6[%swap3A_1351, %swap3A_1352], %swap3A_1355 {strides = array<i32>} : memref<128x64xf32, #tpu.memory_space<vmem>>, vector<1x16xf32>,
      %swap3A_1356 = arith.constant 47 : i32
      %swap3A_1357 = arith.index_cast %swap3A_1356 : i32 to index
      %swap3A_1358 = arith.constant 48 : index
      %swap3A_1359 = tpu.vector_load %arg6[%swap3A_1357, %swap3A_1358] {strides = array<i32>} : memref<128x64xf32, #tpu.memory_space<vmem>>, vector<1x16xf32>,
      %swap3A_1360 = vector.shape_cast %swap3A_1359 : vector<1x16xf32> to vector<16xf32>
      %swap3A_1361 = vector.shape_cast %broadcast_in_dim3A_210 : vector<16xf32> to vector<1x16xf32>
      tpu.vector_store %arg6[%swap3A_1357, %swap3A_1358], %swap3A_1361 {strides = array<i32>} : memref<128x64xf32, #tpu.memory_space<vmem>>, vector<1x16xf32>,
      %swap3A_1362 = arith.constant 48 : i32
      %swap3A_1363 = arith.index_cast %swap3A_1362 : i32 to index
      %swap3A_1364 = arith.constant 0 : index
      %swap3A_1365 = tpu.vector_load %arg6[%swap3A_1363, %swap3A_1364] {strides = array<i32>} : memref<128x64xf32, #tpu.memory_space<vmem>>, vector<1x16xf32>,
      %swap3A_1366 = vector.shape_cast %swap3A_1365 : vector<1x16xf32> to vector<16xf32>
      %swap3A_1367 = vector.shape_cast %broadcast_in_dim3A_210 : vector<16xf32> to vector<1x16xf32>
      tpu.vector_store %arg6[%swap3A_1363, %swap3A_1364], %swap3A_1367 {strides = array<i32>} : memref<128x64xf32, #tpu.memory_space<vmem>>, vector<1x16xf32>,
      %swap3A_1368 = arith.constant 48 : i32
      %swap3A_1369 = arith.index_cast %swap3A_1368 : i32 to index
      %swap3A_1370 = arith.constant 16 : index
      %swap3A_1371 = tpu.vector_load %arg6[%swap3A_1369, %swap3A_1370] {strides = array<i32>} : memref<128x64xf32, #tpu.memory_space<vmem>>, vector<1x16xf32>,
      %swap3A_1372 = vector.shape_cast %swap3A_1371 : vector<1x16xf32> to vector<16xf32>
      %swap3A_1373 = vector.shape_cast %broadcast_in_dim3A_210 : vector<16xf32> to vector<1x16xf32>
      tpu.vector_store %arg6[%swap3A_1369, %swap3A_1370], %swap3A_1373 {strides = array<i32>} : memref<128x64xf32, #tpu.memory_space<vmem>>, vector<1x16xf32>,
      %swap3A_1374 = arith.constant 48 : i32
      %swap3A_1375 = arith.index_cast %swap3A_1374 : i32 to index
      %swap3A_1376 = arith.constant 32 : index
      %swap3A_1377 = tpu.vector_load %arg6[%swap3A_1375, %swap3A_1376] {strides = array<i32>} : memref<128x64xf32, #tpu.memory_space<vmem>>, vector<1x16xf32>,
      %swap3A_1378 = vector.shape_cast %swap3A_1377 : vector<1x16xf32> to vector<16xf32>
      %swap3A_1379 = vector.shape_cast %broadcast_in_dim3A_210 : vector<16xf32> to vector<1x16xf32>
      tpu.vector_store %arg6[%swap3A_1375, %swap3A_1376], %swap3A_1379 {strides = array<i32>} : memref<128x64xf32, #tpu.memory_space<vmem>>, vector<1x16xf32>,
      %swap3A_1380 = arith.constant 48 : i32
      %swap3A_1381 = arith.index_cast %swap3A_1380 : i32 to index
      %swap3A_1382 = arith.constant 48 : index
      %swap3A_1383 = tpu.vector_load %arg6[%swap3A_1381, %swap3A_1382] {strides = array<i32>} : memref<128x64xf32, #tpu.memory_space<vmem>>, vector<1x16xf32>,
      %swap3A_1384 = vector.shape_cast %swap3A_1383 : vector<1x16xf32> to vector<16xf32>
      %swap3A_1385 = vector.shape_cast %broadcast_in_dim3A_210 : vector<16xf32> to vector<1x16xf32>
      tpu.vector_store %arg6[%swap3A_1381, %swap3A_1382], %swap3A_1385 {strides = array<i32>} : memref<128x64xf32, #tpu.memory_space<vmem>>, vector<1x16xf32>,
      %swap3A_1386 = arith.constant 49 : i32
      %swap3A_1387 = arith.index_cast %swap3A_1386 : i32 to index
      %swap3A_1388 = arith.constant 0 : index
      %swap3A_1389 = tpu.vector_load %arg6[%swap3A_1387, %swap3A_1388] {strides = array<i32>} : memref<128x64xf32, #tpu.memory_space<vmem>>, vector<1x16xf32>,
      %swap3A_1390 = vector.shape_cast %swap3A_1389 : vector<1x16xf32> to vector<16xf32>
      %swap3A_1391 = vector.shape_cast %broadcast_in_dim3A_210 : vector<16xf32> to vector<1x16xf32>
      tpu.vector_store %arg6[%swap3A_1387, %swap3A_1388], %swap3A_1391 {strides = array<i32>} : memref<128x64xf32, #tpu.memory_space<vmem>>, vector<1x16xf32>,
      %swap3A_1392 = arith.constant 49 : i32
      %swap3A_1393 = arith.index_cast %swap3A_1392 : i32 to index
      %swap3A_1394 = arith.constant 16 : index
      %swap3A_1395 = tpu.vector_load %arg6[%swap3A_1393, %swap3A_1394] {strides = array<i32>} : memref<128x64xf32, #tpu.memory_space<vmem>>, vector<1x16xf32>,
      %swap3A_1396 = vector.shape_cast %swap3A_1395 : vector<1x16xf32> to vector<16xf32>
      %swap3A_1397 = vector.shape_cast %broadcast_in_dim3A_210 : vector<16xf32> to vector<1x16xf32>
      tpu.vector_store %arg6[%swap3A_1393, %swap3A_1394], %swap3A_1397 {strides = array<i32>} : memref<128x64xf32, #tpu.memory_space<vmem>>, vector<1x16xf32>,
      %swap3A_1398 = arith.constant 49 : i32
      %swap3A_1399 = arith.index_cast %swap3A_1398 : i32 to index
      %swap3A_1400 = arith.constant 32 : index
      %swap3A_1401 = tpu.vector_load %arg6[%swap3A_1399, %swap3A_1400] {strides = array<i32>} : memref<128x64xf32, #tpu.memory_space<vmem>>, vector<1x16xf32>,
      %swap3A_1402 = vector.shape_cast %swap3A_1401 : vector<1x16xf32> to vector<16xf32>
      %swap3A_1403 = vector.shape_cast %broadcast_in_dim3A_210 : vector<16xf32> to vector<1x16xf32>
      tpu.vector_store %arg6[%swap3A_1399, %swap3A_1400], %swap3A_1403 {strides = array<i32>} : memref<128x64xf32, #tpu.memory_space<vmem>>, vector<1x16xf32>,
      %swap3A_1404 = arith.constant 49 : i32
      %swap3A_1405 = arith.index_cast %swap3A_1404 : i32 to index
      %swap3A_1406 = arith.constant 48 : index
      %swap3A_1407 = tpu.vector_load %arg6[%swap3A_1405, %swap3A_1406] {strides = array<i32>} : memref<128x64xf32, #tpu.memory_space<vmem>>, vector<1x16xf32>,
      %swap3A_1408 = vector.shape_cast %swap3A_1407 : vector<1x16xf32> to vector<16xf32>
      %swap3A_1409 = vector.shape_cast %broadcast_in_dim3A_210 : vector<16xf32> to vector<1x16xf32>
      tpu.vector_store %arg6[%swap3A_1405, %swap3A_1406], %swap3A_1409 {strides = array<i32>} : memref<128x64xf32, #tpu.memory_space<vmem>>, vector<1x16xf32>,
    } else {
    }
    %add3A_40 = arith.constant 0 : i32
    %add3A_41 = arith.addi %mul3A_2, %add3A_40 : i32
    %dma_start3A_42 = arith.constant 0 : i32
    %dma_start3A_43 = tpu.memref_slice %arg4[%add3A_41, %dma_start3A_42] : memref<819200x64xf32, #tpu.memory_space<hbm>> -> memref<128x64xf32, #tpu.memory_space<hbm>>
    %dma_start3A_44 = arith.constant 0 : i32
    %dma_start3A_45 = tpu.memref_slice %arg4[%add3A_41, %dma_start3A_44] : memref<819200x64xf32, #tpu.memory_space<hbm>> -> memref<128x64xf32, #tpu.memory_space<hbm>>
    tpu.enqueue_dma source(%arg6 : memref<128x64xf32, #tpu.memory_space<vmem>>) target(%dma_start3A_45 : memref<128x64xf32, #tpu.memory_space<hbm>>) target_semaphore(%arg14 : memref<!tpu.dma_semaphore, #tpu.memory_space<semaphore_mem>>)
    %dma_wait3A_46 = arith.constant 1 : i32
    %dma_wait3A_47 = arith.constant 0 : i32
    %dma_wait3A_48 = tpu.memref_slice %arg5[%dma_wait3A_46, %dma_wait3A_47] : memref<200x128xi32, #tpu.memory_space<vmem>> -> memref<1x128xi32, #tpu.memory_space<vmem>>
    %dma_wait3A_49 = tpu.memref_squeeze %dma_wait3A_48 : memref<1x128xi32, #tpu.memory_space<vmem>> -> memref<128xi32, #tpu.memory_space<vmem>>
    %dma_wait3A_50 = arith.constant 0 : i32
    %dma_wait3A_51 = arith.constant 0 : i32
    %dma_wait3A_52 = tpu.memref_slice %arg3[%dma_wait3A_50, %dma_wait3A_51] : memref<1000000x64xf32, #tpu.memory_space<hbm>> -> memref<1000000x64xf32, #tpu.memory_space<hbm>>
    tpu.wait_indirect_dma semaphore(%arg11 : memref<!tpu.dma_semaphore, #tpu.memory_space<semaphore_mem>>) src(%dma_wait3A_52 : memref<1000000x64xf32, #tpu.memory_space<hbm>>) dst(%arg7 : memref<128x64xf32, #tpu.memory_space<vmem>>)
    %add3A_53 = arith.constant 128 : i32
    %add3A_54 = arith.addi %mul3A_2, %add3A_53 : i32
    %dma_start3A_55 = arith.constant 0 : i32
    %dma_start3A_56 = tpu.memref_slice %arg4[%add3A_54, %dma_start3A_55] : memref<819200x64xf32, #tpu.memory_space<hbm>> -> memref<128x64xf32, #tpu.memory_space<hbm>>
    %dma_start3A_57 = arith.constant 0 : i32
    %dma_start3A_58 = tpu.memref_slice %arg4[%add3A_54, %dma_start3A_57] : memref<819200x64xf32, #tpu.memory_space<hbm>> -> memref<128x64xf32, #tpu.memory_space<hbm>>
    tpu.enqueue_dma source(%arg7 : memref<128x64xf32, #tpu.memory_space<vmem>>) target(%dma_start3A_58 : memref<128x64xf32, #tpu.memory_space<hbm>>) target_semaphore(%arg15 : memref<!tpu.dma_semaphore, #tpu.memory_space<semaphore_mem>>)
    %dma_wait3A_59 = arith.constant 2 : i32
    %dma_wait3A_60 = arith.constant 0 : i32
    %dma_wait3A_61 = tpu.memref_slice %arg5[%dma_wait3A_59, %dma_wait3A_60] : memref<200x128xi32, #tpu.memory_space<vmem>> -> memref<1x128xi32, #tpu.memory_space<vmem>>
    %dma_wait3A_62 = tpu.memref_squeeze %dma_wait3A_61 : memref<1x128xi32, #tpu.memory_space<vmem>> -> memref<128xi32, #tpu.memory_space<vmem>>
    %dma_wait3A_63 = arith.constant 0 : i32
    %dma_wait3A_64 = arith.constant 0 : i32
    %dma_wait3A_65 = tpu.memref_slice %arg3[%dma_wait3A_63, %dma_wait3A_64] : memref<1000000x64xf32, #tpu.memory_space<hbm>> -> memref<1000000x64xf32, #tpu.memory_space<hbm>>
    tpu.wait_indirect_dma semaphore(%arg12 : memref<!tpu.dma_semaphore, #tpu.memory_space<semaphore_mem>>) src(%dma_wait3A_65 : memref<1000000x64xf32, #tpu.memory_space<hbm>>) dst(%arg8 : memref<128x64xf32, #tpu.memory_space<vmem>>)
    %add3A_66 = arith.constant 256 : i32
    %add3A_67 = arith.addi %mul3A_2, %add3A_66 : i32
    %dma_start3A_68 = arith.constant 0 : i32
    %dma_start3A_69 = tpu.memref_slice %arg4[%add3A_67, %dma_start3A_68] : memref<819200x64xf32, #tpu.memory_space<hbm>> -> memref<128x64xf32, #tpu.memory_space<hbm>>
    %dma_start3A_70 = arith.constant 0 : i32
    %dma_start3A_71 = tpu.memref_slice %arg4[%add3A_67, %dma_start3A_70] : memref<819200x64xf32, #tpu.memory_space<hbm>> -> memref<128x64xf32, #tpu.memory_space<hbm>>
    tpu.enqueue_dma source(%arg8 : memref<128x64xf32, #tpu.memory_space<vmem>>) target(%dma_start3A_71 : memref<128x64xf32, #tpu.memory_space<hbm>>) target_semaphore(%arg16 : memref<!tpu.dma_semaphore, #tpu.memory_space<semaphore_mem>>)
    %dma_wait3A_72 = arith.constant 3 : i32
    %dma_wait3A_73 = arith.constant 0 : i32
    %dma_wait3A_74 = tpu.memref_slice %arg5[%dma_wait3A_72, %dma_wait3A_73] : memref<200x128xi32, #tpu.memory_space<vmem>> -> memref<1x128xi32, #tpu.memory_space<vmem>>
    %dma_wait3A_75 = tpu.memref_squeeze %dma_wait3A_74 : memref<1x128xi32, #tpu.memory_space<vmem>> -> memref<128xi32, #tpu.memory_space<vmem>>
    %dma_wait3A_76 = arith.constant 0 : i32
    %dma_wait3A_77 = arith.constant 0 : i32
    %dma_wait3A_78 = tpu.memref_slice %arg3[%dma_wait3A_76, %dma_wait3A_77] : memref<1000000x64xf32, #tpu.memory_space<hbm>> -> memref<1000000x64xf32, #tpu.memory_space<hbm>>
    tpu.wait_indirect_dma semaphore(%arg13 : memref<!tpu.dma_semaphore, #tpu.memory_space<semaphore_mem>>) src(%dma_wait3A_78 : memref<1000000x64xf32, #tpu.memory_space<hbm>>) dst(%arg9 : memref<128x64xf32, #tpu.memory_space<vmem>>)
    %add3A_79 = arith.constant 384 : i32
    %add3A_80 = arith.addi %mul3A_2, %add3A_79 : i32
    %dma_start3A_81 = arith.constant 0 : i32
    %dma_start3A_82 = tpu.memref_slice %arg4[%add3A_80, %dma_start3A_81] : memref<819200x64xf32, #tpu.memory_space<hbm>> -> memref<128x64xf32, #tpu.memory_space<hbm>>
    %dma_start3A_83 = arith.constant 0 : i32
    %dma_start3A_84 = tpu.memref_slice %arg4[%add3A_80, %dma_start3A_83] : memref<819200x64xf32, #tpu.memory_space<hbm>> -> memref<128x64xf32, #tpu.memory_space<hbm>>
    tpu.enqueue_dma source(%arg9 : memref<128x64xf32, #tpu.memory_space<vmem>>) target(%dma_start3A_84 : memref<128x64xf32, #tpu.memory_space<hbm>>) target_semaphore(%arg17 : memref<!tpu.dma_semaphore, #tpu.memory_space<semaphore_mem>>)
    %scan3A = arith.constant 0 : i32
    %scan3A_85 = arith.constant 1 : i32
    %scan3A_86 = arith.constant 48 : i32
    %scan3A_87 = arith.addi %scan3A_85, %scan3A_86 : i32
    %scan3A_88 = arith.constant 1 : i32
    scf.for %scan3A_210 = %scan3A_85 to %scan3A_87 step %scan3A_88  : i32 {
      %mul3A_211 = arith.constant 4 : i32
      %mul3A_212 = arith.muli %scan3A_210, %mul3A_211 : i32
      %dma_wait3A_213 = arith.constant 0 : i32
      %dma_wait3A_214 = arith.constant 0 : i32
      %dma_wait3A_215 = tpu.memref_slice %arg4[%dma_wait3A_213, %dma_wait3A_214] : memref<819200x64xf32, #tpu.memory_space<hbm>> -> memref<128x64xf32, #tpu.memory_space<hbm>>
      %dma_wait3A_216 = arith.constant 0 : i32
      %dma_wait3A_217 = arith.constant 0 : i32
      %dma_wait3A_218 = tpu.memref_slice %arg4[%dma_wait3A_216, %dma_wait3A_217] : memref<819200x64xf32, #tpu.memory_space<hbm>> -> memref<128x64xf32, #tpu.memory_space<hbm>>
      tpu.wait_dma2 semaphore(%arg14 : memref<!tpu.dma_semaphore, #tpu.memory_space<semaphore_mem>>) src(%arg6 : memref<128x64xf32, #tpu.memory_space<vmem>>) dst(%dma_wait3A_218 : memref<128x64xf32, #tpu.memory_space<hbm>>)
      %add3A_219 = arith.constant 0 : i32
      %add3A_220 = arith.addi %mul3A_212, %add3A_219 : i32
      %dma_start3A_221 = arith.constant 0 : i32
      %dma_start3A_222 = tpu.memref_slice %arg5[%add3A_220, %dma_start3A_221] : memref<200x128xi32, #tpu.memory_space<vmem>> -> memref<1x128xi32, #tpu.memory_space<vmem>>
      %dma_start3A_223 = tpu.memref_squeeze %dma_start3A_222 : memref<1x128xi32, #tpu.memory_space<vmem>> -> memref<128xi32, #tpu.memory_space<vmem>>
      %dma_start3A_224 = arith.constant 0 : i32
      %dma_start3A_225 = arith.constant 0 : i32
      %dma_start3A_226 = tpu.memref_slice %arg3[%dma_start3A_224, %dma_start3A_225] : memref<1000000x64xf32, #tpu.memory_space<hbm>> -> memref<1000000x64xf32, #tpu.memory_space<hbm>>
      tpu.enqueue_indirect_dma source(%dma_start3A_226 : memref<1000000x64xf32, #tpu.memory_space<hbm>>) target(%arg6 : memref<128x64xf32, #tpu.memory_space<vmem>>) offsets(%dma_start3A_223 : memref<128xi32, #tpu.memory_space<vmem>>) semaphore(%arg10 : memref<!tpu.dma_semaphore, #tpu.memory_space<semaphore_mem>>)
      %dma_wait3A_227 = arith.constant 0 : i32
      %dma_wait3A_228 = arith.constant 0 : i32
      %dma_wait3A_229 = tpu.memref_slice %arg4[%dma_wait3A_227, %dma_wait3A_228] : memref<819200x64xf32, #tpu.memory_space<hbm>> -> memref<128x64xf32, #tpu.memory_space<hbm>>
      %dma_wait3A_230 = arith.constant 0 : i32
      %dma_wait3A_231 = arith.constant 0 : i32
      %dma_wait3A_232 = tpu.memref_slice %arg4[%dma_wait3A_230, %dma_wait3A_231] : memref<819200x64xf32, #tpu.memory_space<hbm>> -> memref<128x64xf32, #tpu.memory_space<hbm>>
      tpu.wait_dma2 semaphore(%arg15 : memref<!tpu.dma_semaphore, #tpu.memory_space<semaphore_mem>>) src(%arg7 : memref<128x64xf32, #tpu.memory_space<vmem>>) dst(%dma_wait3A_232 : memref<128x64xf32, #tpu.memory_space<hbm>>)
      %add3A_233 = arith.constant 1 : i32
      %add3A_234 = arith.addi %mul3A_212, %add3A_233 : i32
      %dma_start3A_235 = arith.constant 0 : i32
      %dma_start3A_236 = tpu.memref_slice %arg5[%add3A_234, %dma_start3A_235] : memref<200x128xi32, #tpu.memory_space<vmem>> -> memref<1x128xi32, #tpu.memory_space<vmem>>
      %dma_start3A_237 = tpu.memref_squeeze %dma_start3A_236 : memref<1x128xi32, #tpu.memory_space<vmem>> -> memref<128xi32, #tpu.memory_space<vmem>>
      %dma_start3A_238 = arith.constant 0 : i32
      %dma_start3A_239 = arith.constant 0 : i32
      %dma_start3A_240 = tpu.memref_slice %arg3[%dma_start3A_238, %dma_start3A_239] : memref<1000000x64xf32, #tpu.memory_space<hbm>> -> memref<1000000x64xf32, #tpu.memory_space<hbm>>
      tpu.enqueue_indirect_dma source(%dma_start3A_240 : memref<1000000x64xf32, #tpu.memory_space<hbm>>) target(%arg7 : memref<128x64xf32, #tpu.memory_space<vmem>>) offsets(%dma_start3A_237 : memref<128xi32, #tpu.memory_space<vmem>>) semaphore(%arg11 : memref<!tpu.dma_semaphore, #tpu.memory_space<semaphore_mem>>)
      %dma_wait3A_241 = arith.constant 0 : i32
      %dma_wait3A_242 = arith.constant 0 : i32
      %dma_wait3A_243 = tpu.memref_slice %arg4[%dma_wait3A_241, %dma_wait3A_242] : memref<819200x64xf32, #tpu.memory_space<hbm>> -> memref<128x64xf32, #tpu.memory_space<hbm>>
      %dma_wait3A_244 = arith.constant 0 : i32
      %dma_wait3A_245 = arith.constant 0 : i32
      %dma_wait3A_246 = tpu.memref_slice %arg4[%dma_wait3A_244, %dma_wait3A_245] : memref<819200x64xf32, #tpu.memory_space<hbm>> -> memref<128x64xf32, #tpu.memory_space<hbm>>
      tpu.wait_dma2 semaphore(%arg16 : memref<!tpu.dma_semaphore, #tpu.memory_space<semaphore_mem>>) src(%arg8 : memref<128x64xf32, #tpu.memory_space<vmem>>) dst(%dma_wait3A_246 : memref<128x64xf32, #tpu.memory_space<hbm>>)
      %add3A_247 = arith.constant 2 : i32
      %add3A_248 = arith.addi %mul3A_212, %add3A_247 : i32
      %dma_start3A_249 = arith.constant 0 : i32
      %dma_start3A_250 = tpu.memref_slice %arg5[%add3A_248, %dma_start3A_249] : memref<200x128xi32, #tpu.memory_space<vmem>> -> memref<1x128xi32, #tpu.memory_space<vmem>>
      %dma_start3A_251 = tpu.memref_squeeze %dma_start3A_250 : memref<1x128xi32, #tpu.memory_space<vmem>> -> memref<128xi32, #tpu.memory_space<vmem>>
      %dma_start3A_252 = arith.constant 0 : i32
      %dma_start3A_253 = arith.constant 0 : i32
      %dma_start3A_254 = tpu.memref_slice %arg3[%dma_start3A_252, %dma_start3A_253] : memref<1000000x64xf32, #tpu.memory_space<hbm>> -> memref<1000000x64xf32, #tpu.memory_space<hbm>>
      tpu.enqueue_indirect_dma source(%dma_start3A_254 : memref<1000000x64xf32, #tpu.memory_space<hbm>>) target(%arg8 : memref<128x64xf32, #tpu.memory_space<vmem>>) offsets(%dma_start3A_251 : memref<128xi32, #tpu.memory_space<vmem>>) semaphore(%arg12 : memref<!tpu.dma_semaphore, #tpu.memory_space<semaphore_mem>>)
      %dma_wait3A_255 = arith.constant 0 : i32
      %dma_wait3A_256 = arith.constant 0 : i32
      %dma_wait3A_257 = tpu.memref_slice %arg4[%dma_wait3A_255, %dma_wait3A_256] : memref<819200x64xf32, #tpu.memory_space<hbm>> -> memref<128x64xf32, #tpu.memory_space<hbm>>
      %dma_wait3A_258 = arith.constant 0 : i32
      %dma_wait3A_259 = arith.constant 0 : i32
      %dma_wait3A_260 = tpu.memref_slice %arg4[%dma_wait3A_258, %dma_wait3A_259] : memref<819200x64xf32, #tpu.memory_space<hbm>> -> memref<128x64xf32, #tpu.memory_space<hbm>>
      tpu.wait_dma2 semaphore(%arg17 : memref<!tpu.dma_semaphore, #tpu.memory_space<semaphore_mem>>) src(%arg9 : memref<128x64xf32, #tpu.memory_space<vmem>>) dst(%dma_wait3A_260 : memref<128x64xf32, #tpu.memory_space<hbm>>)
      %add3A_261 = arith.constant 3 : i32
      %add3A_262 = arith.addi %mul3A_212, %add3A_261 : i32
      %dma_start3A_263 = arith.constant 0 : i32
      %dma_start3A_264 = tpu.memref_slice %arg5[%add3A_262, %dma_start3A_263] : memref<200x128xi32, #tpu.memory_space<vmem>> -> memref<1x128xi32, #tpu.memory_space<vmem>>
      %dma_start3A_265 = tpu.memref_squeeze %dma_start3A_264 : memref<1x128xi32, #tpu.memory_space<vmem>> -> memref<128xi32, #tpu.memory_space<vmem>>
      %dma_start3A_266 = arith.constant 0 : i32
      %dma_start3A_267 = arith.constant 0 : i32
      %dma_start3A_268 = tpu.memref_slice %arg3[%dma_start3A_266, %dma_start3A_267] : memref<1000000x64xf32, #tpu.memory_space<hbm>> -> memref<1000000x64xf32, #tpu.memory_space<hbm>>
      tpu.enqueue_indirect_dma source(%dma_start3A_268 : memref<1000000x64xf32, #tpu.memory_space<hbm>>) target(%arg9 : memref<128x64xf32, #tpu.memory_space<vmem>>) offsets(%dma_start3A_265 : memref<128xi32, #tpu.memory_space<vmem>>) semaphore(%arg13 : memref<!tpu.dma_semaphore, #tpu.memory_space<semaphore_mem>>)
      %dma_wait3A_269 = arith.constant 0 : i32
      %dma_wait3A_270 = tpu.memref_slice %arg5[%add3A_220, %dma_wait3A_269] : memref<200x128xi32, #tpu.memory_space<vmem>> -> memref<1x128xi32, #tpu.memory_space<vmem>>
      %dma_wait3A_271 = tpu.memref_squeeze %dma_wait3A_270 : memref<1x128xi32, #tpu.memory_space<vmem>> -> memref<128xi32, #tpu.memory_space<vmem>>
      %dma_wait3A_272 = arith.constant 0 : i32
      %dma_wait3A_273 = arith.constant 0 : i32
      %dma_wait3A_274 = tpu.memref_slice %arg3[%dma_wait3A_272, %dma_wait3A_273] : memref<1000000x64xf32, #tpu.memory_space<hbm>> -> memref<1000000x64xf32, #tpu.memory_space<hbm>>
      tpu.wait_indirect_dma semaphore(%arg10 : memref<!tpu.dma_semaphore, #tpu.memory_space<semaphore_mem>>) src(%dma_wait3A_274 : memref<1000000x64xf32, #tpu.memory_space<hbm>>) dst(%arg6 : memref<128x64xf32, #tpu.memory_space<vmem>>)
      %add3A_275 = arith.constant 0 : i32
      %add3A_276 = arith.addi %mul3A_212, %add3A_275 : i32
      %mul3A_277 = arith.constant 128 : i32
      %mul3A_278 = arith.muli %add3A_276, %mul3A_277 : i32
      %add3A_279 = arith.addi %mul3A_2, %mul3A_278 : i32
      %dma_start3A_280 = arith.constant 0 : i32
      %dma_start3A_281 = tpu.memref_slice %arg4[%add3A_279, %dma_start3A_280] : memref<819200x64xf32, #tpu.memory_space<hbm>> -> memref<128x64xf32, #tpu.memory_space<hbm>>
      %dma_start3A_282 = arith.constant 0 : i32
      %dma_start3A_283 = tpu.memref_slice %arg4[%add3A_279, %dma_start3A_282] : memref<819200x64xf32, #tpu.memory_space<hbm>> -> memref<128x64xf32, #tpu.memory_space<hbm>>
      tpu.enqueue_dma source(%arg6 : memref<128x64xf32, #tpu.memory_space<vmem>>) target(%dma_start3A_283 : memref<128x64xf32, #tpu.memory_space<hbm>>) target_semaphore(%arg14 : memref<!tpu.dma_semaphore, #tpu.memory_space<semaphore_mem>>)
      %dma_wait3A_284 = arith.constant 0 : i32
      %dma_wait3A_285 = tpu.memref_slice %arg5[%add3A_234, %dma_wait3A_284] : memref<200x128xi32, #tpu.memory_space<vmem>> -> memref<1x128xi32, #tpu.memory_space<vmem>>
      %dma_wait3A_286 = tpu.memref_squeeze %dma_wait3A_285 : memref<1x128xi32, #tpu.memory_space<vmem>> -> memref<128xi32, #tpu.memory_space<vmem>>
      %dma_wait3A_287 = arith.constant 0 : i32
      %dma_wait3A_288 = arith.constant 0 : i32
      %dma_wait3A_289 = tpu.memref_slice %arg3[%dma_wait3A_287, %dma_wait3A_288] : memref<1000000x64xf32, #tpu.memory_space<hbm>> -> memref<1000000x64xf32, #tpu.memory_space<hbm>>
      tpu.wait_indirect_dma semaphore(%arg11 : memref<!tpu.dma_semaphore, #tpu.memory_space<semaphore_mem>>) src(%dma_wait3A_289 : memref<1000000x64xf32, #tpu.memory_space<hbm>>) dst(%arg7 : memref<128x64xf32, #tpu.memory_space<vmem>>)
      %add3A_290 = arith.constant 1 : i32
      %add3A_291 = arith.addi %mul3A_212, %add3A_290 : i32
      %mul3A_292 = arith.constant 128 : i32
      %mul3A_293 = arith.muli %add3A_291, %mul3A_292 : i32
      %add3A_294 = arith.addi %mul3A_2, %mul3A_293 : i32
      %dma_start3A_295 = arith.constant 0 : i32
      %dma_start3A_296 = tpu.memref_slice %arg4[%add3A_294, %dma_start3A_295] : memref<819200x64xf32, #tpu.memory_space<hbm>> -> memref<128x64xf32, #tpu.memory_space<hbm>>
      %dma_start3A_297 = arith.constant 0 : i32
      %dma_start3A_298 = tpu.memref_slice %arg4[%add3A_294, %dma_start3A_297] : memref<819200x64xf32, #tpu.memory_space<hbm>> -> memref<128x64xf32, #tpu.memory_space<hbm>>
      tpu.enqueue_dma source(%arg7 : memref<128x64xf32, #tpu.memory_space<vmem>>) target(%dma_start3A_298 : memref<128x64xf32, #tpu.memory_space<hbm>>) target_semaphore(%arg15 : memref<!tpu.dma_semaphore, #tpu.memory_space<semaphore_mem>>)
      %dma_wait3A_299 = arith.constant 0 : i32
      %dma_wait3A_300 = tpu.memref_slice %arg5[%add3A_248, %dma_wait3A_299] : memref<200x128xi32, #tpu.memory_space<vmem>> -> memref<1x128xi32, #tpu.memory_space<vmem>>
      %dma_wait3A_301 = tpu.memref_squeeze %dma_wait3A_300 : memref<1x128xi32, #tpu.memory_space<vmem>> -> memref<128xi32, #tpu.memory_space<vmem>>
      %dma_wait3A_302 = arith.constant 0 : i32
      %dma_wait3A_303 = arith.constant 0 : i32
      %dma_wait3A_304 = tpu.memref_slice %arg3[%dma_wait3A_302, %dma_wait3A_303] : memref<1000000x64xf32, #tpu.memory_space<hbm>> -> memref<1000000x64xf32, #tpu.memory_space<hbm>>
      tpu.wait_indirect_dma semaphore(%arg12 : memref<!tpu.dma_semaphore, #tpu.memory_space<semaphore_mem>>) src(%dma_wait3A_304 : memref<1000000x64xf32, #tpu.memory_space<hbm>>) dst(%arg8 : memref<128x64xf32, #tpu.memory_space<vmem>>)
      %add3A_305 = arith.constant 2 : i32
      %add3A_306 = arith.addi %mul3A_212, %add3A_305 : i32
      %mul3A_307 = arith.constant 128 : i32
      %mul3A_308 = arith.muli %add3A_306, %mul3A_307 : i32
      %add3A_309 = arith.addi %mul3A_2, %mul3A_308 : i32
      %dma_start3A_310 = arith.constant 0 : i32
      %dma_start3A_311 = tpu.memref_slice %arg4[%add3A_309, %dma_start3A_310] : memref<819200x64xf32, #tpu.memory_space<hbm>> -> memref<128x64xf32, #tpu.memory_space<hbm>>
      %dma_start3A_312 = arith.constant 0 : i32
      %dma_start3A_313 = tpu.memref_slice %arg4[%add3A_309, %dma_start3A_312] : memref<819200x64xf32, #tpu.memory_space<hbm>> -> memref<128x64xf32, #tpu.memory_space<hbm>>
      tpu.enqueue_dma source(%arg8 : memref<128x64xf32, #tpu.memory_space<vmem>>) target(%dma_start3A_313 : memref<128x64xf32, #tpu.memory_space<hbm>>) target_semaphore(%arg16 : memref<!tpu.dma_semaphore, #tpu.memory_space<semaphore_mem>>)
      %dma_wait3A_314 = arith.constant 0 : i32
      %dma_wait3A_315 = tpu.memref_slice %arg5[%add3A_262, %dma_wait3A_314] : memref<200x128xi32, #tpu.memory_space<vmem>> -> memref<1x128xi32, #tpu.memory_space<vmem>>
      %dma_wait3A_316 = tpu.memref_squeeze %dma_wait3A_315 : memref<1x128xi32, #tpu.memory_space<vmem>> -> memref<128xi32, #tpu.memory_space<vmem>>
      %dma_wait3A_317 = arith.constant 0 : i32
      %dma_wait3A_318 = arith.constant 0 : i32
      %dma_wait3A_319 = tpu.memref_slice %arg3[%dma_wait3A_317, %dma_wait3A_318] : memref<1000000x64xf32, #tpu.memory_space<hbm>> -> memref<1000000x64xf32, #tpu.memory_space<hbm>>
      tpu.wait_indirect_dma semaphore(%arg13 : memref<!tpu.dma_semaphore, #tpu.memory_space<semaphore_mem>>) src(%dma_wait3A_319 : memref<1000000x64xf32, #tpu.memory_space<hbm>>) dst(%arg9 : memref<128x64xf32, #tpu.memory_space<vmem>>)
      %add3A_320 = arith.constant 3 : i32
      %add3A_321 = arith.addi %mul3A_212, %add3A_320 : i32
      %mul3A_322 = arith.constant 128 : i32
      %mul3A_323 = arith.muli %add3A_321, %mul3A_322 : i32
      %add3A_324 = arith.addi %mul3A_2, %mul3A_323 : i32
      %dma_start3A_325 = arith.constant 0 : i32
      %dma_start3A_326 = tpu.memref_slice %arg4[%add3A_324, %dma_start3A_325] : memref<819200x64xf32, #tpu.memory_space<hbm>> -> memref<128x64xf32, #tpu.memory_space<hbm>>
      %dma_start3A_327 = arith.constant 0 : i32
      %dma_start3A_328 = tpu.memref_slice %arg4[%add3A_324, %dma_start3A_327] : memref<819200x64xf32, #tpu.memory_space<hbm>> -> memref<128x64xf32, #tpu.memory_space<hbm>>
      tpu.enqueue_dma source(%arg9 : memref<128x64xf32, #tpu.memory_space<vmem>>) target(%dma_start3A_328 : memref<128x64xf32, #tpu.memory_space<hbm>>) target_semaphore(%arg17 : memref<!tpu.dma_semaphore, #tpu.memory_space<semaphore_mem>>)
    }
    %scan3A_89 = arith.constant 48 : i32
    %dma_wait3A_90 = arith.constant 0 : i32
    %dma_wait3A_91 = arith.constant 0 : i32
    %dma_wait3A_92 = tpu.memref_slice %arg4[%dma_wait3A_90, %dma_wait3A_91] : memref<819200x64xf32, #tpu.memory_space<hbm>> -> memref<128x64xf32, #tpu.memory_space<hbm>>
    %dma_wait3A_93 = arith.constant 0 : i32
    %dma_wait3A_94 = arith.constant 0 : i32
    %dma_wait3A_95 = tpu.memref_slice %arg4[%dma_wait3A_93, %dma_wait3A_94] : memref<819200x64xf32, #tpu.memory_space<hbm>> -> memref<128x64xf32, #tpu.memory_space<hbm>>
    tpu.wait_dma2 semaphore(%arg14 : memref<!tpu.dma_semaphore, #tpu.memory_space<semaphore_mem>>) src(%arg6 : memref<128x64xf32, #tpu.memory_space<vmem>>) dst(%dma_wait3A_95 : memref<128x64xf32, #tpu.memory_space<hbm>>)
    %dma_start3A_96 = arith.constant 196 : i32
    %dma_start3A_97 = arith.constant 0 : i32
    %dma_start3A_98 = tpu.memref_slice %arg5[%dma_start3A_96, %dma_start3A_97] : memref<200x128xi32, #tpu.memory_space<vmem>> -> memref<1x128xi32, #tpu.memory_space<vmem>>
    %dma_start3A_99 = tpu.memref_squeeze %dma_start3A_98 : memref<1x128xi32, #tpu.memory_space<vmem>> -> memref<128xi32, #tpu.memory_space<vmem>>
    %dma_start3A_100 = arith.constant 0 : i32
    %dma_start3A_101 = arith.constant 0 : i32
    %dma_start3A_102 = tpu.memref_slice %arg3[%dma_start3A_100, %dma_start3A_101] : memref<1000000x64xf32, #tpu.memory_space<hbm>> -> memref<1000000x64xf32, #tpu.memory_space<hbm>>
    tpu.enqueue_indirect_dma source(%dma_start3A_102 : memref<1000000x64xf32, #tpu.memory_space<hbm>>) target(%arg6 : memref<128x64xf32, #tpu.memory_space<vmem>>) offsets(%dma_start3A_99 : memref<128xi32, #tpu.memory_space<vmem>>) semaphore(%arg10 : memref<!tpu.dma_semaphore, #tpu.memory_space<semaphore_mem>>)
    %dma_wait3A_103 = arith.constant 196 : i32
    %dma_wait3A_104 = arith.constant 0 : i32
    %dma_wait3A_105 = tpu.memref_slice %arg5[%dma_wait3A_103, %dma_wait3A_104] : memref<200x128xi32, #tpu.memory_space<vmem>> -> memref<1x128xi32, #tpu.memory_space<vmem>>
    %dma_wait3A_106 = tpu.memref_squeeze %dma_wait3A_105 : memref<1x128xi32, #tpu.memory_space<vmem>> -> memref<128xi32, #tpu.memory_space<vmem>>
    %dma_wait3A_107 = arith.constant 0 : i32
    %dma_wait3A_108 = arith.constant 0 : i32
    %dma_wait3A_109 = tpu.memref_slice %arg3[%dma_wait3A_107, %dma_wait3A_108] : memref<1000000x64xf32, #tpu.memory_space<hbm>> -> memref<1000000x64xf32, #tpu.memory_space<hbm>>
    tpu.wait_indirect_dma semaphore(%arg10 : memref<!tpu.dma_semaphore, #tpu.memory_space<semaphore_mem>>) src(%dma_wait3A_109 : memref<1000000x64xf32, #tpu.memory_space<hbm>>) dst(%arg6 : memref<128x64xf32, #tpu.memory_space<vmem>>)
    %add3A_110 = arith.constant 25088 : i32
    %add3A_111 = arith.addi %mul3A_2, %add3A_110 : i32
    %dma_start3A_112 = arith.constant 0 : i32
    %dma_start3A_113 = tpu.memref_slice %arg4[%add3A_111, %dma_start3A_112] : memref<819200x64xf32, #tpu.memory_space<hbm>> -> memref<128x64xf32, #tpu.memory_space<hbm>>
    %dma_start3A_114 = arith.constant 0 : i32
    %dma_start3A_115 = tpu.memref_slice %arg4[%add3A_111, %dma_start3A_114] : memref<819200x64xf32, #tpu.memory_space<hbm>> -> memref<128x64xf32, #tpu.memory_space<hbm>>
    tpu.enqueue_dma source(%arg6 : memref<128x64xf32, #tpu.memory_space<vmem>>) target(%dma_start3A_115 : memref<128x64xf32, #tpu.memory_space<hbm>>) target_semaphore(%arg14 : memref<!tpu.dma_semaphore, #tpu.memory_space<semaphore_mem>>)
    %dma_wait3A_116 = arith.constant 0 : i32
    %dma_wait3A_117 = tpu.memref_slice %arg4[%add3A_111, %dma_wait3A_116] : memref<819200x64xf32, #tpu.memory_space<hbm>> -> memref<128x64xf32, #tpu.memory_space<hbm>>
    %dma_wait3A_118 = arith.constant 0 : i32
    %dma_wait3A_119 = tpu.memref_slice %arg4[%add3A_111, %dma_wait3A_118] : memref<819200x64xf32, #tpu.memory_space<hbm>> -> memref<128x64xf32, #tpu.memory_space<hbm>>
    tpu.wait_dma2 semaphore(%arg14 : memref<!tpu.dma_semaphore, #tpu.memory_space<semaphore_mem>>) src(%arg6 : memref<128x64xf32, #tpu.memory_space<vmem>>) dst(%dma_wait3A_119 : memref<128x64xf32, #tpu.memory_space<hbm>>)
    %dma_wait3A_120 = arith.constant 0 : i32
    %dma_wait3A_121 = arith.constant 0 : i32
    %dma_wait3A_122 = tpu.memref_slice %arg4[%dma_wait3A_120, %dma_wait3A_121] : memref<819200x64xf32, #tpu.memory_space<hbm>> -> memref<128x64xf32, #tpu.memory_space<hbm>>
    %dma_wait3A_123 = arith.constant 0 : i32
    %dma_wait3A_124 = arith.constant 0 : i32
    %dma_wait3A_125 = tpu.memref_slice %arg4[%dma_wait3A_123, %dma_wait3A_124] : memref<819200x64xf32, #tpu.memory_space<hbm>> -> memref<128x64xf32, #tpu.memory_space<hbm>>
    tpu.wait_dma2 semaphore(%arg15 : memref<!tpu.dma_semaphore, #tpu.memory_space<semaphore_mem>>) src(%arg7 : memref<128x64xf32, #tpu.memory_space<vmem>>) dst(%dma_wait3A_125 : memref<128x64xf32, #tpu.memory_space<hbm>>)
    %dma_start3A_126 = arith.constant 197 : i32
    %dma_start3A_127 = arith.constant 0 : i32
    %dma_start3A_128 = tpu.memref_slice %arg5[%dma_start3A_126, %dma_start3A_127] : memref<200x128xi32, #tpu.memory_space<vmem>> -> memref<1x128xi32, #tpu.memory_space<vmem>>
    %dma_start3A_129 = tpu.memref_squeeze %dma_start3A_128 : memref<1x128xi32, #tpu.memory_space<vmem>> -> memref<128xi32, #tpu.memory_space<vmem>>
    %dma_start3A_130 = arith.constant 0 : i32
    %dma_start3A_131 = arith.constant 0 : i32
    %dma_start3A_132 = tpu.memref_slice %arg3[%dma_start3A_130, %dma_start3A_131] : memref<1000000x64xf32, #tpu.memory_space<hbm>> -> memref<1000000x64xf32, #tpu.memory_space<hbm>>
    tpu.enqueue_indirect_dma source(%dma_start3A_132 : memref<1000000x64xf32, #tpu.memory_space<hbm>>) target(%arg7 : memref<128x64xf32, #tpu.memory_space<vmem>>) offsets(%dma_start3A_129 : memref<128xi32, #tpu.memory_space<vmem>>) semaphore(%arg11 : memref<!tpu.dma_semaphore, #tpu.memory_space<semaphore_mem>>)
    %dma_wait3A_133 = arith.constant 197 : i32
    %dma_wait3A_134 = arith.constant 0 : i32
    %dma_wait3A_135 = tpu.memref_slice %arg5[%dma_wait3A_133, %dma_wait3A_134] : memref<200x128xi32, #tpu.memory_space<vmem>> -> memref<1x128xi32, #tpu.memory_space<vmem>>
    %dma_wait3A_136 = tpu.memref_squeeze %dma_wait3A_135 : memref<1x128xi32, #tpu.memory_space<vmem>> -> memref<128xi32, #tpu.memory_space<vmem>>
    %dma_wait3A_137 = arith.constant 0 : i32
    %dma_wait3A_138 = arith.constant 0 : i32
    %dma_wait3A_139 = tpu.memref_slice %arg3[%dma_wait3A_137, %dma_wait3A_138] : memref<1000000x64xf32, #tpu.memory_space<hbm>> -> memref<1000000x64xf32, #tpu.memory_space<hbm>>
    tpu.wait_indirect_dma semaphore(%arg11 : memref<!tpu.dma_semaphore, #tpu.memory_space<semaphore_mem>>) src(%dma_wait3A_139 : memref<1000000x64xf32, #tpu.memory_space<hbm>>) dst(%arg7 : memref<128x64xf32, #tpu.memory_space<vmem>>)
    %add3A_140 = arith.constant 25216 : i32
    %add3A_141 = arith.addi %mul3A_2, %add3A_140 : i32
    %dma_start3A_142 = arith.constant 0 : i32
    %dma_start3A_143 = tpu.memref_slice %arg4[%add3A_141, %dma_start3A_142] : memref<819200x64xf32, #tpu.memory_space<hbm>> -> memref<128x64xf32, #tpu.memory_space<hbm>>
    %dma_start3A_144 = arith.constant 0 : i32
    %dma_start3A_145 = tpu.memref_slice %arg4[%add3A_141, %dma_start3A_144] : memref<819200x64xf32, #tpu.memory_space<hbm>> -> memref<128x64xf32, #tpu.memory_space<hbm>>
    tpu.enqueue_dma source(%arg7 : memref<128x64xf32, #tpu.memory_space<vmem>>) target(%dma_start3A_145 : memref<128x64xf32, #tpu.memory_space<hbm>>) target_semaphore(%arg15 : memref<!tpu.dma_semaphore, #tpu.memory_space<semaphore_mem>>)
    %dma_wait3A_146 = arith.constant 0 : i32
    %dma_wait3A_147 = tpu.memref_slice %arg4[%add3A_141, %dma_wait3A_146] : memref<819200x64xf32, #tpu.memory_space<hbm>> -> memref<128x64xf32, #tpu.memory_space<hbm>>
    %dma_wait3A_148 = arith.constant 0 : i32
    %dma_wait3A_149 = tpu.memref_slice %arg4[%add3A_141, %dma_wait3A_148] : memref<819200x64xf32, #tpu.memory_space<hbm>> -> memref<128x64xf32, #tpu.memory_space<hbm>>
    tpu.wait_dma2 semaphore(%arg15 : memref<!tpu.dma_semaphore, #tpu.memory_space<semaphore_mem>>) src(%arg7 : memref<128x64xf32, #tpu.memory_space<vmem>>) dst(%dma_wait3A_149 : memref<128x64xf32, #tpu.memory_space<hbm>>)
    %dma_wait3A_150 = arith.constant 0 : i32
    %dma_wait3A_151 = arith.constant 0 : i32
    %dma_wait3A_152 = tpu.memref_slice %arg4[%dma_wait3A_150, %dma_wait3A_151] : memref<819200x64xf32, #tpu.memory_space<hbm>> -> memref<128x64xf32, #tpu.memory_space<hbm>>
    %dma_wait3A_153 = arith.constant 0 : i32
    %dma_wait3A_154 = arith.constant 0 : i32
    %dma_wait3A_155 = tpu.memref_slice %arg4[%dma_wait3A_153, %dma_wait3A_154] : memref<819200x64xf32, #tpu.memory_space<hbm>> -> memref<128x64xf32, #tpu.memory_space<hbm>>
    tpu.wait_dma2 semaphore(%arg16 : memref<!tpu.dma_semaphore, #tpu.memory_space<semaphore_mem>>) src(%arg8 : memref<128x64xf32, #tpu.memory_space<vmem>>) dst(%dma_wait3A_155 : memref<128x64xf32, #tpu.memory_space<hbm>>)
    %dma_start3A_156 = arith.constant 198 : i32
    %dma_start3A_157 = arith.constant 0 : i32
    %dma_start3A_158 = tpu.memref_slice %arg5[%dma_start3A_156, %dma_start3A_157] : memref<200x128xi32, #tpu.memory_space<vmem>> -> memref<1x128xi32, #tpu.memory_space<vmem>>
    %dma_start3A_159 = tpu.memref_squeeze %dma_start3A_158 : memref<1x128xi32, #tpu.memory_space<vmem>> -> memref<128xi32, #tpu.memory_space<vmem>>
    %dma_start3A_160 = arith.constant 0 : i32
    %dma_start3A_161 = arith.constant 0 : i32
    %dma_start3A_162 = tpu.memref_slice %arg3[%dma_start3A_160, %dma_start3A_161] : memref<1000000x64xf32, #tpu.memory_space<hbm>> -> memref<1000000x64xf32, #tpu.memory_space<hbm>>
    tpu.enqueue_indirect_dma source(%dma_start3A_162 : memref<1000000x64xf32, #tpu.memory_space<hbm>>) target(%arg8 : memref<128x64xf32, #tpu.memory_space<vmem>>) offsets(%dma_start3A_159 : memref<128xi32, #tpu.memory_space<vmem>>) semaphore(%arg12 : memref<!tpu.dma_semaphore, #tpu.memory_space<semaphore_mem>>)
    %dma_wait3A_163 = arith.constant 198 : i32
    %dma_wait3A_164 = arith.constant 0 : i32
    %dma_wait3A_165 = tpu.memref_slice %arg5[%dma_wait3A_163, %dma_wait3A_164] : memref<200x128xi32, #tpu.memory_space<vmem>> -> memref<1x128xi32, #tpu.memory_space<vmem>>
    %dma_wait3A_166 = tpu.memref_squeeze %dma_wait3A_165 : memref<1x128xi32, #tpu.memory_space<vmem>> -> memref<128xi32, #tpu.memory_space<vmem>>
    %dma_wait3A_167 = arith.constant 0 : i32
    %dma_wait3A_168 = arith.constant 0 : i32
    %dma_wait3A_169 = tpu.memref_slice %arg3[%dma_wait3A_167, %dma_wait3A_168] : memref<1000000x64xf32, #tpu.memory_space<hbm>> -> memref<1000000x64xf32, #tpu.memory_space<hbm>>
    tpu.wait_indirect_dma semaphore(%arg12 : memref<!tpu.dma_semaphore, #tpu.memory_space<semaphore_mem>>) src(%dma_wait3A_169 : memref<1000000x64xf32, #tpu.memory_space<hbm>>) dst(%arg8 : memref<128x64xf32, #tpu.memory_space<vmem>>)
    %add3A_170 = arith.constant 25344 : i32
    %add3A_171 = arith.addi %mul3A_2, %add3A_170 : i32
    %dma_start3A_172 = arith.constant 0 : i32
    %dma_start3A_173 = tpu.memref_slice %arg4[%add3A_171, %dma_start3A_172] : memref<819200x64xf32, #tpu.memory_space<hbm>> -> memref<128x64xf32, #tpu.memory_space<hbm>>
    %dma_start3A_174 = arith.constant 0 : i32
    %dma_start3A_175 = tpu.memref_slice %arg4[%add3A_171, %dma_start3A_174] : memref<819200x64xf32, #tpu.memory_space<hbm>> -> memref<128x64xf32, #tpu.memory_space<hbm>>
    tpu.enqueue_dma source(%arg8 : memref<128x64xf32, #tpu.memory_space<vmem>>) target(%dma_start3A_175 : memref<128x64xf32, #tpu.memory_space<hbm>>) target_semaphore(%arg16 : memref<!tpu.dma_semaphore, #tpu.memory_space<semaphore_mem>>)
    %dma_wait3A_176 = arith.constant 0 : i32
    %dma_wait3A_177 = tpu.memref_slice %arg4[%add3A_171, %dma_wait3A_176] : memref<819200x64xf32, #tpu.memory_space<hbm>> -> memref<128x64xf32, #tpu.memory_space<hbm>>
    %dma_wait3A_178 = arith.constant 0 : i32
    %dma_wait3A_179 = tpu.memref_slice %arg4[%add3A_171, %dma_wait3A_178] : memref<819200x64xf32, #tpu.memory_space<hbm>> -> memref<128x64xf32, #tpu.memory_space<hbm>>
    tpu.wait_dma2 semaphore(%arg16 : memref<!tpu.dma_semaphore, #tpu.memory_space<semaphore_mem>>) src(%arg8 : memref<128x64xf32, #tpu.memory_space<vmem>>) dst(%dma_wait3A_179 : memref<128x64xf32, #tpu.memory_space<hbm>>)
    %dma_wait3A_180 = arith.constant 0 : i32
    %dma_wait3A_181 = arith.constant 0 : i32
    %dma_wait3A_182 = tpu.memref_slice %arg4[%dma_wait3A_180, %dma_wait3A_181] : memref<819200x64xf32, #tpu.memory_space<hbm>> -> memref<128x64xf32, #tpu.memory_space<hbm>>
    %dma_wait3A_183 = arith.constant 0 : i32
    %dma_wait3A_184 = arith.constant 0 : i32
    %dma_wait3A_185 = tpu.memref_slice %arg4[%dma_wait3A_183, %dma_wait3A_184] : memref<819200x64xf32, #tpu.memory_space<hbm>> -> memref<128x64xf32, #tpu.memory_space<hbm>>
    tpu.wait_dma2 semaphore(%arg17 : memref<!tpu.dma_semaphore, #tpu.memory_space<semaphore_mem>>) src(%arg9 : memref<128x64xf32, #tpu.memory_space<vmem>>) dst(%dma_wait3A_185 : memref<128x64xf32, #tpu.memory_space<hbm>>)
    %dma_start3A_186 = arith.constant 199 : i32
    %dma_start3A_187 = arith.constant 0 : i32
    %dma_start3A_188 = tpu.memref_slice %arg5[%dma_start3A_186, %dma_start3A_187] : memref<200x128xi32, #tpu.memory_space<vmem>> -> memref<1x128xi32, #tpu.memory_space<vmem>>
    %dma_start3A_189 = tpu.memref_squeeze %dma_start3A_188 : memref<1x128xi32, #tpu.memory_space<vmem>> -> memref<128xi32, #tpu.memory_space<vmem>>
    %dma_start3A_190 = arith.constant 0 : i32
    %dma_start3A_191 = arith.constant 0 : i32
    %dma_start3A_192 = tpu.memref_slice %arg3[%dma_start3A_190, %dma_start3A_191] : memref<1000000x64xf32, #tpu.memory_space<hbm>> -> memref<1000000x64xf32, #tpu.memory_space<hbm>>
    tpu.enqueue_indirect_dma source(%dma_start3A_192 : memref<1000000x64xf32, #tpu.memory_space<hbm>>) target(%arg9 : memref<128x64xf32, #tpu.memory_space<vmem>>) offsets(%dma_start3A_189 : memref<128xi32, #tpu.memory_space<vmem>>) semaphore(%arg13 : memref<!tpu.dma_semaphore, #tpu.memory_space<semaphore_mem>>)
    %dma_wait3A_193 = arith.constant 199 : i32
    %dma_wait3A_194 = arith.constant 0 : i32
    %dma_wait3A_195 = tpu.memref_slice %arg5[%dma_wait3A_193, %dma_wait3A_194] : memref<200x128xi32, #tpu.memory_space<vmem>> -> memref<1x128xi32, #tpu.memory_space<vmem>>
    %dma_wait3A_196 = tpu.memref_squeeze %dma_wait3A_195 : memref<1x128xi32, #tpu.memory_space<vmem>> -> memref<128xi32, #tpu.memory_space<vmem>>
    %dma_wait3A_197 = arith.constant 0 : i32
    %dma_wait3A_198 = arith.constant 0 : i32
    %dma_wait3A_199 = tpu.memref_slice %arg3[%dma_wait3A_197, %dma_wait3A_198] : memref<1000000x64xf32, #tpu.memory_space<hbm>> -> memref<1000000x64xf32, #tpu.memory_space<hbm>>
    tpu.wait_indirect_dma semaphore(%arg13 : memref<!tpu.dma_semaphore, #tpu.memory_space<semaphore_mem>>) src(%dma_wait3A_199 : memref<1000000x64xf32, #tpu.memory_space<hbm>>) dst(%arg9 : memref<128x64xf32, #tpu.memory_space<vmem>>)
    %add3A_200 = arith.constant 25472 : i32
    %add3A_201 = arith.addi %mul3A_2, %add3A_200 : i32
    %dma_start3A_202 = arith.constant 0 : i32
    %dma_start3A_203 = tpu.memref_slice %arg4[%add3A_201, %dma_start3A_202] : memref<819200x64xf32, #tpu.memory_space<hbm>> -> memref<128x64xf32, #tpu.memory_space<hbm>>
    %dma_start3A_204 = arith.constant 0 : i32
    %dma_start3A_205 = tpu.memref_slice %arg4[%add3A_201, %dma_start3A_204] : memref<819200x64xf32, #tpu.memory_space<hbm>> -> memref<128x64xf32, #tpu.memory_space<hbm>>
    tpu.enqueue_dma source(%arg9 : memref<128x64xf32, #tpu.memory_space<vmem>>) target(%dma_start3A_205 : memref<128x64xf32, #tpu.memory_space<hbm>>) target_semaphore(%arg17 : memref<!tpu.dma_semaphore, #tpu.memory_space<semaphore_mem>>)
    %dma_wait3A_206 = arith.constant 0 : i32
    %dma_wait3A_207 = tpu.memref_slice %arg4[%add3A_201, %dma_wait3A_206] : memref<819200x64xf32, #tpu.memory_space<hbm>> -> memref<128x64xf32, #tpu.memory_space<hbm>>
    %dma_wait3A_208 = arith.constant 0 : i32
    %dma_wait3A_209 = tpu.memref_slice %arg4[%add3A_201, %dma_wait3A_208] : memref<819200x64xf32, #tpu.memory_space<hbm>> -> memref<128x64xf32, #tpu.memory_space<hbm>>
    tpu.wait_dma2 semaphore(%arg17 : memref<!tpu.dma_semaphore, #tpu.memory_space<semaphore_mem>>) src(%arg9 : memref<128x64xf32, #tpu.memory_space<vmem>>) dst(%dma_wait3A_209 : memref<128x64xf32, #tpu.memory_space<hbm>>)
    return
  }
}

</mosaic_0001>

<sc_bundles>
// kernel: kernel.3.cloned.1.call-start
scs
__scs_entry_jumppad:
0x0: {  	(pc) =	sbr.rel $0x88, $3  }
0x1: {  	(tag) =	ssettag $0x0;
	lr =	simm.s32 $0x1  }
0x2: {  	[smem:$0x3F9F] =	sst lr;
	_ =	strace $0xD0000000  }
0x3: {  	_ = 	snop  }
0x4: {  	_ = 	snop  }
0x5: {  	_ = 	snop  }
0x6: {  	_ = 	snop  }
0x7: {  	_ = 	snop  }
__scs_overlays_trampoline_lowered:
0x8: {  	[smem:$0x3FAE] =	sst s0  }
0x9: {  	[smem:$0x3FAF] =	sst s1  }
0xa: {  	[smem:$0x3FB0] =	sst s2  }
0xb: {  	[smem:$0x3FB1] =	sst s3  }
0xc: {  	[smem:$0x3FB2] =	sst s4  }
0xd: {  	[smem:$0x3FB3] =	sst s5  }
0xe: {  	[smem:$0x3FB4] =	sst s6  }
0xf: {  	[smem:$0x3FB5] =	sst s7  }
0x10: {  	[smem:$0x3FB6] =	sst s8  }
0x11: {  	[smem:$0x3FB7] =	sst s9;
	s0 =	simm.s32 @!p0 $0x0  }
0x12: {  	s1 =	sld [smem:$0x3F9D];
	s0 =	simm.s32 @p0 $0x1  }
0x13: {  	[smem:$0x3FB8] =	sst s0;
	s0 =	simm.s32 @!p1 $0x0  }
0x14: {  	s2 =	sld [smem:$0x3F9C];
	s0 =	simm.s32 @p1 $0x1  }
0x15: {  	[smem:$0x3FB9] =	sst s0;
	s0 =	simm.s32 @!p2 $0x0  }
0x16: {  	s3 =	sld [smem:$0x3FDB];
	s0 =	simm.s32 @p2 $0x1  }
0x17: {  	s4 =	simm.s32 $0x1BF5;
	[smem:$0x3FBB] =	sst s0  }
0x18: {  	s0 =	sld [smem:$0x3F9E];
	_ =	swait.ge [sflag:s4], $0x0  }
0x19: {  	s7 =	sld [smem:$0x3F9F]  }
0x1a: {  	s8 =	sadd.s32 $0xFFFFE003, lr  }
0x1b: {  	s9 =	sadd.s32 $0xFFFFFEF7, lr;
	s5 =	simm.s32 $0xFFFFFFFF;
	p2 =	slt.u32 s8, $0xFFFFF086  }
0x1c: {  	p1 =	slt.u32 s9, $0xF7A;
	s5 =	simm.s32 @!p2 $0x0  }
0x1d: {  	s5 =	simm.s32 @p1 $0x1;
	p0 =	seq.s32 s7, s2  }
0x1e: {  	s7 =	smul.u32 @!p0 $0xF7A, s2;
	p2 =	seq.s32 @!p0 s5, $0x0  }
0x1f: {  	s9 =	smul.u32 $0xF7A, s1;
	s8 =	simm.s32 @!p0 $0x1BF5;
	p2 =	por !p2, p0  }
0x20: {  	[sflag:s8] =	ssyncset.s32 @!p0 $0xFFFFF086;
	s6 =	sadd.s32 @!p0 s3, s7;
	s7 =	simm.s32 @!p0 $0x108  }
0x21: {  	s3 =	sadd.s32 s3, s9;
	s6 =	sadd.s32 @!p0 $0x88, s6;
	s7 =	simm.s32 @p2 $0x1082  }
0x22: {  	[simem:s7], [sflag:s8] =	dma.local @!p0 [hbm:s6], $0xF7A  }
0x23: {  	s9 =	sor.u32 $0xD0000000, s2;
	s6 =	simm.s32 $0x108;
	_ =	swait.ge @!p0 [sflag:s8], $0x0  }
0x24: {  	s3 =	sadd.s32 $0x88, s3;
	s6 =	simm.s32 @!p1 $0x1082;
	[sflag:s4] =	ssyncset.s32 $0xFFFFF086  }
0x25: {  	[simem:s6], [sflag:s4] =	dma.local [hbm:s3], $0xF7A  }
0x26: {  	[smem:$0x3F9F] =	sst s1;
	(tag) =	ssettag s2;
	_ =	strace s9  }
0x27: {  	s1 =	sld [smem:$0x3FAF]  }
0x28: {  	s2 =	sld [smem:$0x3FB0]  }
0x29: {  	s4 =	sld [smem:$0x3FB2]  }
0x2a: {  	p0 =	seq.s32 s5, $0x0;
	s5 =	sld [smem:$0x3FB3]  }
0x2b: {  	s6 =	sld [smem:$0x3FB4]  }
0x2c: {  	s7 =	sld [smem:$0x3FB5]  }
0x2d: {  	s3 =	simm.s32 $0x108;
	s8 =	sld [smem:$0x3FB6]  }
0x2e: {  	s3 =	simm.s32 @!p0 $0x1082;
	s9 =	sld [smem:$0x3FB7]  }
0x2f: {  	lr =	sadd.s32 s0, s3;
	s0 =	sld [smem:$0x3FAE]  }
0x30: {  	s3 =	sld [smem:$0x3FB1]  }
0x31: {  	[smem:$0x3FBA] =	sst s10  }
0x32: {  	s10 =	sld [smem:$0x3FB8];
	_ =	sdelay $0x3  }
0x33: {  	p0 =	seq.s32 s10, $0x1;
	s10 =	sld [smem:$0x3FBA];
	_ =	sdelay $0x3  }
0x34: {  	[smem:$0x3FBA] =	sst s10  }
0x35: {  	s10 =	sld [smem:$0x3FB9];
	_ =	sdelay $0x3  }
0x36: {  	p1 =	seq.s32 s10, $0x1;
	s10 =	sld [smem:$0x3FBA];
	_ =	sdelay $0x3  }
0x37: {  	[smem:$0x3FBA] =	sst s10  }
0x38: {  	s10 =	sld [smem:$0x3FBB]  }
0x39: {  	_ = 	snop;
	(pc) =	sbr.ind lr, $3  }
0x3a: {  	_ = 	snop  }
0x3b: {  	_ = 	snop  }
0x3c: {  	p2 =	seq.s32 s10, $0x1;
	s10 =	sld [smem:$0x3FBA]  }
0x3d: {  	_ =	shalt  }
0x3e: {  	_ =	shalt  }
0x3f: {  	_ =	shalt  }
0x40: {  	_ =	shalt  }
0x41: {  	_ =	shalt  }
0x42: {  	_ =	shalt  }
0x43: {  	_ =	shalt  }
0x44: {  	_ =	shalt  }
0x45: {  	_ =	shalt  }
0x46: {  	_ =	shalt  }
0x47: {  	_ =	shalt  }
0x48: {  	_ =	shalt  }
0x49: {  	_ =	shalt  }
0x4a: {  	_ =	shalt  }
0x4b: {  	_ =	shalt  }
0x4c: {  	_ =	shalt  }
0x4d: {  	_ =	shalt  }
0x4e: {  	_ =	shalt  }
0x4f: {  	_ =	shalt  }
0x50: {  	_ =	shalt  }
0x51: {  	_ =	shalt  }
0x52: {  	_ =	shalt  }
0x53: {  	_ =	shalt  }
0x54: {  	_ =	shalt  }
0x55: {  	_ =	shalt  }
0x56: {  	_ =	shalt  }
0x57: {  	_ =	shalt  }
0x58: {  	_ =	shalt  }
0x59: {  	_ =	shalt  }
0x5a: {  	_ =	shalt  }
0x5b: {  	_ =	shalt  }
0x5c: {  	_ =	shalt  }
0x5d: {  	_ =	shalt  }
0x5e: {  	_ =	shalt  }
0x5f: {  	_ =	shalt  }
0x60: {  	_ =	shalt  }
0x61: {  	_ =	shalt  }
0x62: {  	_ =	shalt  }
0x63: {  	_ =	shalt  }
0x64: {  	_ =	shalt  }
0x65: {  	_ =	shalt  }
0x66: {  	_ =	shalt  }
0x67: {  	_ =	shalt  }
0x68: {  	_ =	shalt  }
0x69: {  	_ =	shalt  }
0x6a: {  	_ =	shalt  }
0x6b: {  	_ =	shalt  }
0x6c: {  	_ =	shalt  }
0x6d: {  	_ =	shalt  }
0x6e: {  	_ =	shalt  }
0x6f: {  	_ =	shalt  }
0x70: {  	_ =	shalt  }
0x71: {  	_ =	shalt  }
0x72: {  	_ =	shalt  }
0x73: {  	_ =	shalt  }
0x74: {  	_ =	shalt  }
0x75: {  	_ =	shalt  }
0x76: {  	_ =	shalt  }
0x77: {  	_ =	shalt  }
0x78: {  	_ =	shalt  }
0x79: {  	_ =	shalt  }
0x7a: {  	_ =	shalt  }
0x7b: {  	_ =	shalt  }
0x7c: {  	_ =	shalt  }
0x7d: {  	_ =	shalt  }
0x7e: {  	_ =	shalt  }
0x7f: {  	_ =	shalt  }
0x80: {  	_ =	shalt  }
0x81: {  	_ =	shalt  }
0x82: {  	_ =	shalt  }
0x83: {  	_ =	shalt  }
0x84: {  	_ =	shalt  }
0x85: {  	_ =	shalt  }
0x86: {  	_ =	shalt  }
0x87: {  	_ =	shalt  }
.Lfunc_end0:
.L_simem_size_0:
called_computation.1_lowered:
.L_overlay_start_0:
0x88: {  	s2 =	sld [smem:$0x3FD9]  }
0x89: {  	s3 =	sld [smem:$0x3FFE];
	_ =	sdelay $0x1  }
0x8a: {  	s1 =	srdreg.scid  }
0x8b: {  	s0 =	sand.u32 $0x1, s1  }
0x8c: {  	s17 =	sshll.u32 s0, $0xA;
	s2 =	sadd.s32 s3, s2  }
0x8d: {  	s2 =	sadd.s32 s2, s17  }
0x8e: {  	[smem:$0x3FC6] =	sst s2  }
0x8f: {  	_ = 	snop  }
0x90: {  	s2 =	sld [smem:$0x3FD0];
	(tm) =	ssettm $0x1  }
0x91: {  	s18 =	sld [smem:$0x3FFB];
	_ =	sdelay $0x3  }
0x92: {  	_ =	strace s18  }
0x93: {  	s3 =	sld [smem:$0x3FFC];
	_ =	sdelay $0x3  }
0x94: {  	_ =	strace s3  }
0x95: {  	s3 =	sld [smem:$0x3FFD];
	_ =	sdelay $0x3  }
0x96: {  	_ =	strace s3  }
0x97: {  	_ =	strace $0x8FFFFFFF  }
0x98: {  	s19 =	sld [smem:$0x3FDB];
	_ =	sdelay $0x1  }
0x99: {  	s4 =	simm.s32 $_scs_section_size  }
0x9a: {  	s5 =	simm.s32 $_size__tile_overlayer_lowered;
	s6 =	simm.s32 $_tile_overlayer_lowered  }
0x9b: {  	s22 =	simm.s32 $0x1BFF;
	s21 =	sshll.u32 s6, $0x1;
	s3 =	sadd.s32 s4, s19  }
0x9c: {  	s7 =	simm.s32 $0x0;
	s20 =	sshll.u32 s5, $0x1;
	s5 =	sadd.s32 s21, s3  }
0x9d: {  	[timem:s7], [sflag:s22] =	dma.local [hbm:s5], s20  }
0x9e: {  	_ =	swait.ge [sflag:s22], s20  }
0x9f: {  	s4 =	ssub.s32 $0x0, s20;
	[sflag:s22] =	ssyncset.done $0x0  }
0xa0: {  	[sflag:s22] =	ssyncadd.s32 s4;
	_ =	sdelay $0x1  }
0xa1: {  	s23 =	simm.s32 $0x1B8B  }
0xa2: {  	_ =	swait.ge [sflag:s23], $0x1  }
0xa3: {  	[sflag:s23] =	ssyncset.done $0x0  }
0xa4: {  	s25 =	simm.s32 $0x1B8E;
	s24 =	sld [smem:$0x3FFE];
	[sflag:s23] =	ssyncadd.s32 $0xFFFFFFFF  }
0xa5: {  	s26 =	simm.s32 $execute0_lowered;
	[smem:$0x3FD2] =	sst s25  }
0xa6: {  	s5 =	sshll.u32 s26, $0x1;
	_ =	strace $0x80000046;
	[dreg:$0x1] =	wrdreg $0xFFFFFFFF  }
0xa7: {  	s28 =	simm.s32 $_size_execute0_lowered;
	s3 =	sadd.s32 s3, s5;
	[dreg:$0x0] =	wrdreg $0x0  }
0xa8: {  	s5 =	sshll.u32 s28, $0x1;
	[dreg:$0x2] =	wrdreg s3  }
0xa9: {  	[dreg:$0x3] =	wrdreg s5  }
0xaa: {  	[dreg:$0x4] =	wrdreg $0xC0  }
0xab: {  	_ =	task [dreg:s7], $0x5FFFF  }
0xac: {  	[dreg:$0x1] =	wrdreg $0xFFFFFFFF  }
0xad: {  	[dreg:$0x0] =	wrdreg $0x60  }
0xae: {  	[dreg:$0x2] =	wrdreg s24  }
0xaf: {  	[dreg:$0x3] =	wrdreg s2  }
0xb0: {  	[dreg:$0x4] =	wrdreg $0x9  }
0xb1: {  	_ =	task.clear_ibuf [dreg:s7], $0x5FFFF;
	_ =	strace $0x90000046  }
0xb2: {  	s29 =	simm.s32 $0x9;
	_ =	strace $0x80000048  }
0xb3: {  	_ =	swait.ge [sflag:s29], $0x1  }
0xb4: {  	[sflag:s29] =	ssyncadd.s32 $0xFFFFFFFF  }
0xb5: {  	_ =	strace $0x90000048  }
0xb6: {  	_ =	sfence  }
0xb7: {  	s30 =	sld [smem:$0x0];
	_ =	sdelay $0x2  }
0xb8: {  	s31 =	sshll.u32 s1, $0xD;
	s1 =	sshrl.u32 s1, $0x2  }
0xb9: {  	s3 =	sand.u32 $0x4000, s31;
	s1 =	sadd.s32 s1, s30  }
0xba: {  	s0 =	sor.u32 s3, s0;
	s1 =	sshll.u32 s1, $0x11  }
0xbb: {  	s0 =	sor.u32 s1, s0  }
0xbc: {  	s0 =	sadd.s32 $0x8F2B, s0  }
0xbd: {  	[sflag:s0] =	ssyncadd.remote.s32 $0x1  }
0xbe: {  	_ =	sfence.sel $0xFFFF  }
0xbf: {  	[dreg:$0x0] =	wrdreg $0xFFFFFFFF;
	(pc) =	sbr.abs _section_cstart, $3  }
0xc0: {  	[dreg:$0x1] =	wrdreg $0xFFFFFFFF  }
0xc1: {  	_ =	task.clear_ibuf [dreg:s7], $0x2FFFF;
	_ =	strace $0x9FFFFFFF  }
0xc2: {  	(tm) =	ssettm $0x7FFFFFFF  }
0xc3: {  	_ =	shalt  }
tec
execute0_lowered:
.L_overlay_start_1:
0x0: {  	(tag) =	ssettag $0x1  }
0x1: {  	s0 =	rddreg [dreg:$0x0];
	s1 =	srdreg.scid  }
0x2: {  	s10 =	stileid.u32;
	s4 =	rddreg [dreg:$0x1]  }
0x3: {  	s2 =	simm.s32 $0x0;
	s18 =	simm.s32 $0x9;
	s11 =	smul.u32 $0x320000, s10  }
0x4: {  	s19 =	simm.s32 $0x80;
	s1 =	sand.u32 $0x1, s1;
	s12 =	smul.u32 $0xC800, s10  }
0x5: {  	s20 =	simm.s32 $0x6400;
	s3 =	sshll.u32 s10, $0x1;
	s22 =	smul.u32 $0x190000, s1  }
0x6: {  	s6 =	sor.u32 s1, s3;
	s8 =	ssub.s32 $0x2, s1;
	s1 =	smul.u32 $0x6400, s1  }
0x7: {  	s28 =	simm.s32 $0x2;
	s29 =	simm.s32 $0x3;
	s3 =	smul.u32 $0xC80, s6  }
0x8: {  	s30 =	simm.s32 $0x4;
	[smem:$0x7FF] =	sst s2;
	s5 =	smul.u32 $0x32000, s6  }
0x9: {  	s31 =	simm.s32 $0x5;
	_ =	strace $0x80000047;
	s9 =	smul.u32 $0x190000, s6  }
0xa: {  	s21 =	sshrl.u32 s8, $0x1;
	p0 =	sne.s32 s6, $0x0;
	s1 =	sadd.s32 s1, s12  }
0xb: {  	s7 =	sadd.s32 s3, s0;
	s3 =	sadd.s32 $0xF42E00, s0;
	s0 =	ssub.s32 s8, s21  }
0xc: {  	s5 =	sadd.s32 s4, s5;
	s23 =	sshrl.u32 s9, $0x3;
	s7 =	sadd.s32 $0xA00, s7  }
0xd: {  	s1 =	sshll.u32 s1, $0x3;
	s24 =	sadd.s32 $0x400, s5;
	[dreg:$0x3] =	wrdreg s7  }
0xe: {  	s21 =	simm.s32 $0x8400;
	s25 =	sadd.s32 $0x800, s5;
	[dreg:$0x4] =	wrdreg s24  }
0xf: {  	s13 =	sadd.s32 s4, s23;
	s26 =	sadd.s32 $0xC00, s5;
	[dreg:$0x5] =	wrdreg s25  }
0x10: {  	s1 =	sadd.s32 s1, s4;
	s23 =	simm.s32 $0xA400;
	[dreg:$0x6] =	wrdreg s26  }
0x11: {  	s9 =	sadd.s32 $0x31000, s13;
	s10 =	sadd.s32 $0x31400, s13;
	s7 =	sadd.s32 s22, s11  }
0x12: {  	s11 =	sadd.s32 $0x31800, s13;
	s12 =	sadd.s32 $0x31C00, s13;
	s13 =	smax.u32 s0, $0x1  }
0x13: {  	s15 =	sadd.s32 $0x1800, s1;
	s16 =	sadd.s32 $0x1400, s1;
	s17 =	sadd.s32 $0x1C00, s1  }
0x14: {  	s25 =	simm.s32 $0xC400;
	s26 =	simm.s32 $0x1;
	s7 =	sor.u32 $0x8000, s7  }
0x15: {  	s1 =	simm.s32 $0x6;
	s0 =	simm.s32 $0x7;
	s7 =	sshrl.u32 s7, $0x3  }
0x16: {  	v0 =	vimm.f32 $0.0e+00;
	s22 =	simm.s32 $0x8;
	s24 =	simm.s32 $0x0;
	s14 =	sadd.s32 s7, s4  }
.LBB2_1:
0x17: {  	s4 =	rddreg [dreg:$0x3]  }
0x18: {  	[tilespmem:s2], [sflag:$0x9] =	stream.linear.gather [hbm4b:s4+s2], $0x6400, $0x38;
	[tilespmem:$0xE400] =	vst v63  }
0x19: {  	_ =	swait.ge [sflag:s18], $0x6400  }
0x1a: {  	[sflag:s18] =	ssyncset.done $0x0  }
0x1b: {  	[sflag:s18] =	ssyncadd.s32 $0xFFFF9C00  }
0x1c: {  	[tilespmem:s20], [sflag:$0x1] =	stream.indirect.gather [hbm4b:s3+s19], $0x40, s2, s19, $0xb8;
	[tilespmem:$0xE400] =	vst v63  }
0x1d: {  	_ = 	snop  }
0x1e: {  	[tilespmem:s21], [sflag:$0x2] =	stream.indirect.gather [hbm4b:s3+s19], $0x40, s19, s19, $0xb8;
	[tilespmem:$0xE400] =	vst v63  }
0x1f: {  	s7 =	simm.s32 $0x100  }
0x20: {  	[tilespmem:s23], [sflag:$0x3] =	stream.indirect.gather [hbm4b:s3+s19], $0x40, s7, s19, $0xb8;
	[tilespmem:$0xE400] =	vst v63  }
.Ltmp0:
0x21: {  	s8 =	simm.s32 $0x180;
	(pc) =	sbr.rel @p0 .LBB2_3-.Ltmp0, $4  }
0x22: {  	[tilespmem:s25], [sflag:$0x4] =	stream.indirect.gather [hbm4b:s3+s19], $0x40, s8, s19, $0xb8;
	[tilespmem:$0xE400] =	vst v63  }
0x23: {  	_ =	swait.ge [sflag:s26], $0x2000  }
0x24: {  	[sflag:s26] =	ssyncset.done $0x0  }
0x25: {  	[sflag:s26] =	ssyncadd.s32 $0xFFFFE000  }
0x26: {  	[tilespmem:$0x6400] =	vst v0  }
0x27: {  	[tilespmem:$0x6410] =	vst v0  }
0x28: {  	[tilespmem:$0x6420] =	vst v0  }
0x29: {  	[tilespmem:$0x6430] =	vst v0  }
0x2a: {  	[tilespmem:$0x6440] =	vst v0  }
0x2b: {  	[tilespmem:$0x6450] =	vst v0  }
0x2c: {  	[tilespmem:$0x6460] =	vst v0  }
0x2d: {  	[tilespmem:$0x6470] =	vst v0  }
0x2e: {  	[tilespmem:$0x6480] =	vst v0  }
0x2f: {  	[tilespmem:$0x6490] =	vst v0  }
0x30: {  	[tilespmem:$0x64A0] =	vst v0  }
0x31: {  	[tilespmem:$0x64B0] =	vst v0  }
0x32: {  	[tilespmem:$0x64C0] =	vst v0  }
0x33: {  	[tilespmem:$0x64D0] =	vst v0  }
0x34: {  	[tilespmem:$0x64E0] =	vst v0  }
0x35: {  	[tilespmem:$0x64F0] =	vst v0  }
0x36: {  	[tilespmem:$0x6500] =	vst v0  }
0x37: {  	[tilespmem:$0x6510] =	vst v0  }
0x38: {  	[tilespmem:$0x6520] =	vst v0  }
0x39: {  	[tilespmem:$0x6530] =	vst v0  }
0x3a: {  	[tilespmem:$0x6540] =	vst v0  }
0x3b: {  	[tilespmem:$0x6550] =	vst v0  }
0x3c: {  	[tilespmem:$0x6560] =	vst v0  }
0x3d: {  	[tilespmem:$0x6570] =	vst v0  }
0x3e: {  	[tilespmem:$0x6580] =	vst v0  }
0x3f: {  	[tilespmem:$0x6590] =	vst v0  }
0x40: {  	[tilespmem:$0x65A0] =	vst v0  }
0x41: {  	[tilespmem:$0x65B0] =	vst v0  }
0x42: {  	[tilespmem:$0x65C0] =	vst v0  }
0x43: {  	[tilespmem:$0x65D0] =	vst v0  }
0x44: {  	[tilespmem:$0x65E0] =	vst v0  }
0x45: {  	[tilespmem:$0x65F0] =	vst v0  }
0x46: {  	[tilespmem:$0x6600] =	vst v0  }
0x47: {  	[tilespmem:$0x6610] =	vst v0  }
0x48: {  	[tilespmem:$0x6620] =	vst v0  }
0x49: {  	[tilespmem:$0x6630] =	vst v0  }
0x4a: {  	[tilespmem:$0x6640] =	vst v0  }
0x4b: {  	[tilespmem:$0x6650] =	vst v0  }
0x4c: {  	[tilespmem:$0x6660] =	vst v0  }
0x4d: {  	[tilespmem:$0x6670] =	vst v0  }
0x4e: {  	[tilespmem:$0x6680] =	vst v0  }
0x4f: {  	[tilespmem:$0x6690] =	vst v0  }
0x50: {  	[tilespmem:$0x66A0] =	vst v0  }
0x51: {  	[tilespmem:$0x66B0] =	vst v0  }
0x52: {  	[tilespmem:$0x66C0] =	vst v0  }
0x53: {  	[tilespmem:$0x66D0] =	vst v0  }
0x54: {  	[tilespmem:$0x66E0] =	vst v0  }
0x55: {  	[tilespmem:$0x66F0] =	vst v0  }
0x56: {  	[tilespmem:$0x6700] =	vst v0  }
0x57: {  	[tilespmem:$0x6710] =	vst v0  }
0x58: {  	[tilespmem:$0x6720] =	vst v0  }
0x59: {  	[tilespmem:$0x6730] =	vst v0  }
0x5a: {  	[tilespmem:$0x6740] =	vst v0  }
0x5b: {  	[tilespmem:$0x6750] =	vst v0  }
0x5c: {  	[tilespmem:$0x6760] =	vst v0  }
0x5d: {  	[tilespmem:$0x6770] =	vst v0  }
0x5e: {  	[tilespmem:$0x6780] =	vst v0  }
0x5f: {  	[tilespmem:$0x6790] =	vst v0  }
0x60: {  	[tilespmem:$0x67A0] =	vst v0  }
0x61: {  	[tilespmem:$0x67B0] =	vst v0  }
0x62: {  	[tilespmem:$0x67C0] =	vst v0  }
0x63: {  	[tilespmem:$0x67D0] =	vst v0  }
0x64: {  	[tilespmem:$0x67E0] =	vst v0  }
0x65: {  	[tilespmem:$0x67F0] =	vst v0  }
0x66: {  	[tilespmem:$0x6800] =	vst v0  }
0x67: {  	[tilespmem:$0x6810] =	vst v0  }
0x68: {  	[tilespmem:$0x6820] =	vst v0  }
0x69: {  	[tilespmem:$0x6830] =	vst v0  }
0x6a: {  	[tilespmem:$0x6840] =	vst v0  }
0x6b: {  	[tilespmem:$0x6850] =	vst v0  }
0x6c: {  	[tilespmem:$0x6860] =	vst v0  }
0x6d: {  	[tilespmem:$0x6870] =	vst v0  }
0x6e: {  	[tilespmem:$0x6880] =	vst v0  }
0x6f: {  	[tilespmem:$0x6890] =	vst v0  }
0x70: {  	[tilespmem:$0x68A0] =	vst v0  }
0x71: {  	[tilespmem:$0x68B0] =	vst v0  }
0x72: {  	[tilespmem:$0x68C0] =	vst v0  }
0x73: {  	[tilespmem:$0x68D0] =	vst v0  }
0x74: {  	[tilespmem:$0x68E0] =	vst v0  }
0x75: {  	[tilespmem:$0x68F0] =	vst v0  }
0x76: {  	[tilespmem:$0x6900] =	vst v0  }
0x77: {  	[tilespmem:$0x6910] =	vst v0  }
0x78: {  	[tilespmem:$0x6920] =	vst v0  }
0x79: {  	[tilespmem:$0x6930] =	vst v0  }
0x7a: {  	[tilespmem:$0x6940] =	vst v0  }
0x7b: {  	[tilespmem:$0x6950] =	vst v0  }
0x7c: {  	[tilespmem:$0x6960] =	vst v0  }
0x7d: {  	[tilespmem:$0x6970] =	vst v0  }
0x7e: {  	[tilespmem:$0x6980] =	vst v0  }
0x7f: {  	[tilespmem:$0x6990] =	vst v0  }
0x80: {  	[tilespmem:$0x69A0] =	vst v0  }
0x81: {  	[tilespmem:$0x69B0] =	vst v0  }
0x82: {  	[tilespmem:$0x69C0] =	vst v0  }
0x83: {  	[tilespmem:$0x69D0] =	vst v0  }
0x84: {  	[tilespmem:$0x69E0] =	vst v0  }
0x85: {  	[tilespmem:$0x69F0] =	vst v0  }
0x86: {  	[tilespmem:$0x6A00] =	vst v0  }
0x87: {  	[tilespmem:$0x6A10] =	vst v0  }
0x88: {  	[tilespmem:$0x6A20] =	vst v0  }
0x89: {  	[tilespmem:$0x6A30] =	vst v0  }
0x8a: {  	[tilespmem:$0x6A40] =	vst v0  }
0x8b: {  	[tilespmem:$0x6A50] =	vst v0  }
0x8c: {  	[tilespmem:$0x6A60] =	vst v0  }
0x8d: {  	[tilespmem:$0x6A70] =	vst v0  }
0x8e: {  	[tilespmem:$0x6A80] =	vst v0  }
0x8f: {  	[tilespmem:$0x6A90] =	vst v0  }
0x90: {  	[tilespmem:$0x6AA0] =	vst v0  }
0x91: {  	[tilespmem:$0x6AB0] =	vst v0  }
0x92: {  	[tilespmem:$0x6AC0] =	vst v0  }
0x93: {  	[tilespmem:$0x6AD0] =	vst v0  }
0x94: {  	[tilespmem:$0x6AE0] =	vst v0  }
0x95: {  	[tilespmem:$0x6AF0] =	vst v0  }
0x96: {  	[tilespmem:$0x6B00] =	vst v0  }
0x97: {  	[tilespmem:$0x6B10] =	vst v0  }
0x98: {  	[tilespmem:$0x6B20] =	vst v0  }
0x99: {  	[tilespmem:$0x6B30] =	vst v0  }
0x9a: {  	[tilespmem:$0x6B40] =	vst v0  }
0x9b: {  	[tilespmem:$0x6B50] =	vst v0  }
0x9c: {  	[tilespmem:$0x6B60] =	vst v0  }
0x9d: {  	[tilespmem:$0x6B70] =	vst v0  }
0x9e: {  	[tilespmem:$0x6B80] =	vst v0  }
0x9f: {  	[tilespmem:$0x6B90] =	vst v0  }
0xa0: {  	[tilespmem:$0x6BA0] =	vst v0  }
0xa1: {  	[tilespmem:$0x6BB0] =	vst v0  }
0xa2: {  	[tilespmem:$0x6BC0] =	vst v0  }
0xa3: {  	[tilespmem:$0x6BD0] =	vst v0  }
0xa4: {  	[tilespmem:$0x6BE0] =	vst v0  }
0xa5: {  	[tilespmem:$0x6BF0] =	vst v0  }
0xa6: {  	[tilespmem:$0x6C00] =	vst v0  }
0xa7: {  	[tilespmem:$0x6C10] =	vst v0  }
0xa8: {  	[tilespmem:$0x6C20] =	vst v0  }
0xa9: {  	[tilespmem:$0x6C30] =	vst v0  }
0xaa: {  	[tilespmem:$0x6C40] =	vst v0  }
0xab: {  	[tilespmem:$0x6C50] =	vst v0  }
0xac: {  	[tilespmem:$0x6C60] =	vst v0  }
0xad: {  	[tilespmem:$0x6C70] =	vst v0  }
0xae: {  	[tilespmem:$0x6C80] =	vst v0  }
0xaf: {  	[tilespmem:$0x6C90] =	vst v0  }
0xb0: {  	[tilespmem:$0x6CA0] =	vst v0  }
0xb1: {  	[tilespmem:$0x6CB0] =	vst v0  }
0xb2: {  	[tilespmem:$0x6CC0] =	vst v0  }
0xb3: {  	[tilespmem:$0x6CD0] =	vst v0  }
0xb4: {  	[tilespmem:$0x6CE0] =	vst v0  }
0xb5: {  	[tilespmem:$0x6CF0] =	vst v0  }
0xb6: {  	[tilespmem:$0x6D00] =	vst v0  }
0xb7: {  	[tilespmem:$0x6D10] =	vst v0  }
0xb8: {  	[tilespmem:$0x6D20] =	vst v0  }
0xb9: {  	[tilespmem:$0x6D30] =	vst v0  }
0xba: {  	[tilespmem:$0x6D40] =	vst v0  }
0xbb: {  	[tilespmem:$0x6D50] =	vst v0  }
0xbc: {  	[tilespmem:$0x6D60] =	vst v0  }
0xbd: {  	[tilespmem:$0x6D70] =	vst v0  }
0xbe: {  	[tilespmem:$0x6D80] =	vst v0  }
0xbf: {  	[tilespmem:$0x6D90] =	vst v0  }
0xc0: {  	[tilespmem:$0x6DA0] =	vst v0  }
0xc1: {  	[tilespmem:$0x6DB0] =	vst v0  }
0xc2: {  	[tilespmem:$0x6DC0] =	vst v0  }
0xc3: {  	[tilespmem:$0x6DD0] =	vst v0  }
0xc4: {  	[tilespmem:$0x6DE0] =	vst v0  }
0xc5: {  	[tilespmem:$0x6DF0] =	vst v0  }
0xc6: {  	[tilespmem:$0x6E00] =	vst v0  }
0xc7: {  	[tilespmem:$0x6E10] =	vst v0  }
0xc8: {  	[tilespmem:$0x6E20] =	vst v0  }
0xc9: {  	[tilespmem:$0x6E30] =	vst v0  }
0xca: {  	[tilespmem:$0x6E40] =	vst v0  }
0xcb: {  	[tilespmem:$0x6E50] =	vst v0  }
0xcc: {  	[tilespmem:$0x6E60] =	vst v0  }
0xcd: {  	[tilespmem:$0x6E70] =	vst v0  }
0xce: {  	[tilespmem:$0x6E80] =	vst v0  }
0xcf: {  	[tilespmem:$0x6E90] =	vst v0  }
0xd0: {  	[tilespmem:$0x6EA0] =	vst v0  }
0xd1: {  	[tilespmem:$0x6EB0] =	vst v0  }
0xd2: {  	[tilespmem:$0x6EC0] =	vst v0  }
0xd3: {  	[tilespmem:$0x6ED0] =	vst v0  }
0xd4: {  	[tilespmem:$0x6EE0] =	vst v0  }
0xd5: {  	[tilespmem:$0x6EF0] =	vst v0  }
0xd6: {  	[tilespmem:$0x6F00] =	vst v0  }
0xd7: {  	[tilespmem:$0x6F10] =	vst v0  }
0xd8: {  	[tilespmem:$0x6F20] =	vst v0  }
0xd9: {  	[tilespmem:$0x6F30] =	vst v0  }
0xda: {  	[tilespmem:$0x6F40] =	vst v0  }
0xdb: {  	[tilespmem:$0x6F50] =	vst v0  }
0xdc: {  	[tilespmem:$0x6F60] =	vst v0  }
0xdd: {  	[tilespmem:$0x6F70] =	vst v0  }
0xde: {  	[tilespmem:$0x6F80] =	vst v0  }
0xdf: {  	[tilespmem:$0x6F90] =	vst v0  }
0xe0: {  	[tilespmem:$0x6FA0] =	vst v0  }
0xe1: {  	[tilespmem:$0x6FB0] =	vst v0  }
0xe2: {  	[tilespmem:$0x6FC0] =	vst v0  }
0xe3: {  	[tilespmem:$0x6FD0] =	vst v0  }
0xe4: {  	[tilespmem:$0x6FE0] =	vst v0  }
0xe5: {  	[tilespmem:$0x6FF0] =	vst v0  }
0xe6: {  	[tilespmem:$0x7000] =	vst v0  }
0xe7: {  	[tilespmem:$0x7010] =	vst v0  }
0xe8: {  	[tilespmem:$0x7020] =	vst v0  }
0xe9: {  	[tilespmem:$0x7030] =	vst v0  }
0xea: {  	[tilespmem:$0x7040] =	vst v0  }
0xeb: {  	[tilespmem:$0x7050] =	vst v0  }
0xec: {  	[tilespmem:$0x7060] =	vst v0  }
0xed: {  	[tilespmem:$0x7070] =	vst v0  }
.LBB2_3:
0xee: {  	s4 =	simm.s32 $0x0  }
0xef: {  	[hbm4b:s5+s4] =	stream.linear.scatter [tilespmem:s20], [sflag:$0x5], $0x2000, $0x38;
	[tilespmem:$0xE400] =	vst v63  }
0xf0: {  	_ =	swait.ge [sflag:s28], $0x2000  }
0xf1: {  	[sflag:s28] =	ssyncset.done $0x0  }
0xf2: {  	s6 =	rddreg [dreg:$0x4];
	[sflag:s28] =	ssyncadd.s32 $0xFFFFE000  }
0xf3: {  	[hbm4b:s6+s4] =	stream.linear.scatter [tilespmem:s21], [sflag:$0x6], $0x2000, $0x38;
	[tilespmem:$0xE400] =	vst v63  }
0xf4: {  	_ =	swait.ge [sflag:s29], $0x2000  }
0xf5: {  	[sflag:s29] =	ssyncset.done $0x0  }
0xf6: {  	s8 =	rddreg [dreg:$0x5];
	[sflag:s29] =	ssyncadd.s32 $0xFFFFE000  }
0xf7: {  	[hbm4b:s8+s4] =	stream.linear.scatter [tilespmem:s23], [sflag:$0x7], $0x2000, $0x38;
	[tilespmem:$0xE400] =	vst v63  }
0xf8: {  	_ =	swait.ge [sflag:s30], $0x2000  }
0xf9: {  	[sflag:s30] =	ssyncset.done $0x0  }
0xfa: {  	s7 =	rddreg [dreg:$0x6];
	[sflag:s30] =	ssyncadd.s32 $0xFFFFE000  }
0xfb: {  	[hbm4b:s7+s4] =	stream.linear.scatter [tilespmem:s25], [sflag:$0x8], $0x2000, $0x38;
	[tilespmem:$0xE400] =	vst v63  }
0xfc: {  	_ =	swait.ge [sflag:s31], $0x2000  }
0xfd: {  	[sflag:s31] =	ssyncset.done $0x0  }
0xfe: {  	s8 =	simm.s32 $0x200;
	[sflag:s31] =	ssyncadd.s32 $0xFFFFE000  }
0xff: {  	[tilespmem:s20], [sflag:$0x1] =	stream.indirect.gather [hbm4b:s3+s19], $0x40, s8, s19, $0xb8;
	[tilespmem:$0xE400] =	vst v63  }
0x100: {  	_ =	swait.ge [sflag:s1], $0x2000  }
0x101: {  	[sflag:s1] =	ssyncset.done $0x0  }
0x102: {  	s6 =	simm.s32 $0x280;
	[sflag:s1] =	ssyncadd.s32 $0xFFFFE000  }
0x103: {  	[tilespmem:s21], [sflag:$0x2] =	stream.indirect.gather [hbm4b:s3+s19], $0x40, s6, s19, $0xb8;
	[tilespmem:$0xE400] =	vst v63  }
0x104: {  	_ =	swait.ge [sflag:s0], $0x2000  }
0x105: {  	[sflag:s0] =	ssyncset.done $0x0  }
0x106: {  	s7 =	simm.s32 $0x300;
	[sflag:s0] =	ssyncadd.s32 $0xFFFFE000  }
0x107: {  	[tilespmem:s23], [sflag:$0x3] =	stream.indirect.gather [hbm4b:s3+s19], $0x40, s7, s19, $0xb8;
	[tilespmem:$0xE400] =	vst v63  }
0x108: {  	_ =	swait.ge [sflag:s22], $0x2000  }
0x109: {  	[sflag:s22] =	ssyncset.done $0x0  }
0x10a: {  	s8 =	simm.s32 $0x380;
	[sflag:s22] =	ssyncadd.s32 $0xFFFFE000  }
0x10b: {  	[tilespmem:s25], [sflag:$0x4] =	stream.indirect.gather [hbm4b:s3+s19], $0x40, s8, s19, $0xb8;
	[tilespmem:$0xE400] =	vst v63  }
0x10c: {  	_ =	swait.ge [sflag:s26], $0x2000  }
0x10d: {  	[sflag:s26] =	ssyncset.done $0x0  }
0x10e: {  	s6 =	sadd.s32 $0x0, s14;
	[sflag:s26] =	ssyncadd.s32 $0xFFFFE000  }
0x10f: {  	[hbm4b:s6+s2] =	stream.linear.scatter [tilespmem:s20], [sflag:$0x5], $0x2000, $0x38;
	[tilespmem:$0xE400] =	vst v63  }
0x110: {  	_ =	swait.ge [sflag:s28], $0x2000  }
0x111: {  	[sflag:s28] =	ssyncset.done $0x0  }
0x112: {  	s7 =	sadd.s32 $0x0, s16;
	[sflag:s28] =	ssyncadd.s32 $0xFFFFE000  }
0x113: {  	[hbm4b:s7+s2] =	stream.linear.scatter [tilespmem:s21], [sflag:$0x6], $0x2000, $0x38;
	[tilespmem:$0xE400] =	vst v63  }
0x114: {  	_ =	swait.ge [sflag:s29], $0x2000  }
0x115: {  	[sflag:s29] =	ssyncset.done $0x0  }
0x116: {  	s8 =	sadd.s32 $0x0, s15;
	[sflag:s29] =	ssyncadd.s32 $0xFFFFE000  }
0x117: {  	[hbm4b:s8+s2] =	stream.linear.scatter [tilespmem:s23], [sflag:$0x7], $0x2000, $0x38;
	[tilespmem:$0xE400] =	vst v63  }
0x118: {  	_ =	swait.ge [sflag:s30], $0x2000  }
0x119: {  	s4 =	simm.s32 $0x1000;
	[sflag:s30] =	ssyncset.done $0x0  }
0x11a: {  	s6 =	simm.s32 $0x400;
	s7 =	sadd.s32 $0x0, s17;
	[sflag:s30] =	ssyncadd.s32 $0xFFFFE000  }
.LBB2_4:
0x11b: {  	[hbm4b:s7+s2] =	stream.linear.scatter [tilespmem:s25], [sflag:$0x8], $0x2000, $0x38;
	[tilespmem:$0xE400] =	vst v63  }
0x11c: {  	s7 =	smov.u32 s4  }
0x11d: {  	p1 =	sne.s32 s4, $0x2F000;
	s4 =	sadd.s32 $0x1000, s4;
	_ =	swait.ge [sflag:s31], $0x2000  }
0x11e: {  	[sflag:s31] =	ssyncset.done $0x0  }
0x11f: {  	[sflag:s31] =	ssyncadd.s32 $0xFFFFE000  }
0x120: {  	[tilespmem:s20], [sflag:$0x1] =	stream.indirect.gather [hbm4b:s3+s19], $0x40, s6, s19, $0xb8;
	[tilespmem:$0xE400] =	vst v63  }
0x121: {  	_ =	swait.ge [sflag:s1], $0x2000  }
0x122: {  	[sflag:s1] =	ssyncset.done $0x0  }
0x123: {  	s8 =	sadd.s32 $0x80, s6;
	[sflag:s1] =	ssyncadd.s32 $0xFFFFE000  }
0x124: {  	[tilespmem:s21], [sflag:$0x2] =	stream.indirect.gather [hbm4b:s3+s19], $0x40, s8, s19, $0xb8;
	[tilespmem:$0xE400] =	vst v63  }
0x125: {  	_ =	swait.ge [sflag:s0], $0x2000  }
0x126: {  	[sflag:s0] =	ssyncset.done $0x0  }
0x127: {  	s8 =	sadd.s32 $0x100, s6;
	[sflag:s0] =	ssyncadd.s32 $0xFFFFE000  }
0x128: {  	[tilespmem:s23], [sflag:$0x3] =	stream.indirect.gather [hbm4b:s3+s19], $0x40, s8, s19, $0xb8;
	[tilespmem:$0xE400] =	vst v63  }
0x129: {  	_ =	swait.ge [sflag:s22], $0x2000  }
0x12a: {  	[sflag:s22] =	ssyncset.done $0x0  }
0x12b: {  	s8 =	sadd.s32 $0x180, s6;
	[sflag:s22] =	ssyncadd.s32 $0xFFFFE000  }
0x12c: {  	[tilespmem:s25], [sflag:$0x4] =	stream.indirect.gather [hbm4b:s3+s19], $0x40, s8, s19, $0xb8;
	[tilespmem:$0xE400] =	vst v63  }
0x12d: {  	_ =	swait.ge [sflag:s26], $0x2000  }
0x12e: {  	[sflag:s26] =	ssyncset.done $0x0  }
0x12f: {  	s8 =	sadd.s32 s7, s14;
	[sflag:s26] =	ssyncadd.s32 $0xFFFFE000  }
0x130: {  	[hbm4b:s8+s2] =	stream.linear.scatter [tilespmem:s20], [sflag:$0x5], $0x2000, $0x38;
	[tilespmem:$0xE400] =	vst v63  }
0x131: {  	_ =	swait.ge [sflag:s28], $0x2000  }
0x132: {  	[sflag:s28] =	ssyncset.done $0x0  }
0x133: {  	s8 =	sadd.s32 s7, s16;
	[sflag:s28] =	ssyncadd.s32 $0xFFFFE000  }
0x134: {  	[hbm4b:s8+s2] =	stream.linear.scatter [tilespmem:s21], [sflag:$0x6], $0x2000, $0x38;
	[tilespmem:$0xE400] =	vst v63  }
0x135: {  	_ =	swait.ge [sflag:s29], $0x2000  }
0x136: {  	[sflag:s29] =	ssyncset.done $0x0  }
.Ltmp1:
0x137: {  	s8 =	sadd.s32 s7, s15;
	[sflag:s29] =	ssyncadd.s32 $0xFFFFE000;
	(pc) =	sbr.rel @p1 .LBB2_4-.Ltmp1, $4  }
0x138: {  	[hbm4b:s8+s2] =	stream.linear.scatter [tilespmem:s23], [sflag:$0x7], $0x2000, $0x38;
	[tilespmem:$0xE400] =	vst v63  }
0x139: {  	_ =	swait.ge [sflag:s30], $0x2000  }
0x13a: {  	[sflag:s30] =	ssyncset.done $0x0  }
0x13b: {  	s6 =	sadd.s32 $0x200, s6;
	s7 =	sadd.s32 s7, s17;
	[sflag:s30] =	ssyncadd.s32 $0xFFFFE000  }
0x13c: {  	[hbm4b:s7+s2] =	stream.linear.scatter [tilespmem:s25], [sflag:$0x8], $0x2000, $0x38;
	[tilespmem:$0xE400] =	vst v63  }
0x13d: {  	_ =	swait.ge [sflag:s31], $0x2000  }
0x13e: {  	[sflag:s31] =	ssyncset.done $0x0  }
0x13f: {  	s4 =	simm.s32 $0x6200;
	[sflag:s31] =	ssyncadd.s32 $0xFFFFE000  }
0x140: {  	[tilespmem:s20], [sflag:$0x1] =	stream.indirect.gather [hbm4b:s3+s19], $0x40, s4, s19, $0xb8;
	[tilespmem:$0xE400] =	vst v63  }
0x141: {  	_ =	swait.ge [sflag:s26], $0x2000  }
0x142: {  	[sflag:s26] =	ssyncset.done $0x0  }
0x143: {  	[sflag:s26] =	ssyncadd.s32 $0xFFFFE000  }
0x144: {  	[hbm4b:s9+s2] =	stream.linear.scatter [tilespmem:s20], [sflag:$0x5], $0x2000, $0x38;
	[tilespmem:$0xE400] =	vst v63  }
0x145: {  	_ =	swait.ge [sflag:s31], $0x2000  }
0x146: {  	[sflag:s31] =	ssyncset.done $0x0  }
0x147: {  	[sflag:s31] =	ssyncadd.s32 $0xFFFFE000  }
0x148: {  	_ =	swait.ge [sflag:s1], $0x2000  }
0x149: {  	[sflag:s1] =	ssyncset.done $0x0  }
0x14a: {  	s6 =	simm.s32 $0x6280;
	[sflag:s1] =	ssyncadd.s32 $0xFFFFE000  }
0x14b: {  	[tilespmem:s21], [sflag:$0x2] =	stream.indirect.gather [hbm4b:s3+s19], $0x40, s6, s19, $0xb8;
	[tilespmem:$0xE400] =	vst v63  }
0x14c: {  	_ =	swait.ge [sflag:s28], $0x2000  }
0x14d: {  	[sflag:s28] =	ssyncset.done $0x0  }
0x14e: {  	[sflag:s28] =	ssyncadd.s32 $0xFFFFE000  }
0x14f: {  	[hbm4b:s10+s2] =	stream.linear.scatter [tilespmem:s21], [sflag:$0x6], $0x2000, $0x38;
	[tilespmem:$0xE400] =	vst v63  }
0x150: {  	_ =	swait.ge [sflag:s1], $0x2000  }
0x151: {  	[sflag:s1] =	ssyncset.done $0x0  }
0x152: {  	[sflag:s1] =	ssyncadd.s32 $0xFFFFE000  }
0x153: {  	_ =	swait.ge [sflag:s0], $0x2000  }
0x154: {  	[sflag:s0] =	ssyncset.done $0x0  }
0x155: {  	s7 =	simm.s32 $0x6300;
	[sflag:s0] =	ssyncadd.s32 $0xFFFFE000  }
0x156: {  	[tilespmem:s23], [sflag:$0x3] =	stream.indirect.gather [hbm4b:s3+s19], $0x40, s7, s19, $0xb8;
	[tilespmem:$0xE400] =	vst v63  }
0x157: {  	_ =	swait.ge [sflag:s29], $0x2000  }
0x158: {  	[sflag:s29] =	ssyncset.done $0x0  }
0x159: {  	[sflag:s29] =	ssyncadd.s32 $0xFFFFE000  }
0x15a: {  	[hbm4b:s11+s2] =	stream.linear.scatter [tilespmem:s23], [sflag:$0x7], $0x2000, $0x38;
	[tilespmem:$0xE400] =	vst v63  }
0x15b: {  	_ =	swait.ge [sflag:s0], $0x2000  }
0x15c: {  	[sflag:s0] =	ssyncset.done $0x0  }
0x15d: {  	[sflag:s0] =	ssyncadd.s32 $0xFFFFE000  }
0x15e: {  	_ =	swait.ge [sflag:s22], $0x2000  }
0x15f: {  	[sflag:s22] =	ssyncset.done $0x0  }
0x160: {  	s8 =	simm.s32 $0x6380;
	[sflag:s22] =	ssyncadd.s32 $0xFFFFE000  }
0x161: {  	[tilespmem:s25], [sflag:$0x4] =	stream.indirect.gather [hbm4b:s3+s19], $0x40, s8, s19, $0xb8;
	[tilespmem:$0xE400] =	vst v63  }
0x162: {  	s24 =	sadd.s32 $0x1, s24;
	_ =	swait.ge [sflag:s30], $0x2000  }
0x163: {  	p1 =	sne.s32 s24, s13;
	[sflag:s30] =	ssyncset.done $0x0  }
.Ltmp2:
0x164: {  	[sflag:s30] =	ssyncadd.s32 $0xFFFFE000;
	(pc) =	sbr.rel @p1 .LBB2_1-.Ltmp2, $4  }
0x165: {  	[hbm4b:s12+s2] =	stream.linear.scatter [tilespmem:s25], [sflag:$0x8], $0x2000, $0x38;
	[tilespmem:$0xE400] =	vst v63  }
0x166: {  	_ =	swait.ge [sflag:s22], $0x2000  }
0x167: {  	[sflag:s22] =	ssyncset.done $0x0  }
0x168: {  	[sflag:s22] =	ssyncadd.s32 $0xFFFFE000  }
0x169: {  	_ =	sfence.sel $0x180000  }
0x16a: {  	[bflag:$0x0] =	sbarrier.arrive $0xFFFF  }
0x16b: {  	_ =	strace $0x90000047  }
0x16c: {  	s0 =	stileid.u32;
	[bflag:$0x2] =	sbarrier.arrive $0xFFFF  }
0x16d: {  	p0 =	sne.s32 s0, $0x0;
	s0 =	rddreg [dreg:$0x2]  }
0x16e: {  	s0 =	sadd.s32 @!p0 $0x100000, s0  }
0x16f: {  	[sflag:s0] =	ssyncadd.tile.s32 @!p0 $0x1;
	_ =	shalt  }
.Lfunc_end2:
_tile_overlayer_lowered:
.L_overlay_start_2:
0x170: {  	(tag) =	ssettag $0x2  }
0x171: {  	s0 =	rddreg [dreg:$0x0];
	s2 =	stileid.u32  }
0x172: {  	s1 =	rddreg [dreg:$0x1];
	p0 =	sne.s32 s2, $0x0  }
0x173: {  	s3 =	rddreg [dreg:$0x2];
	[bflag:$0x3] =	sbarrier.arrive $0xFFFF;
	s2 =	simm.s32 @!p0 $0x1C09  }
0x174: {  	[timem:s3], [sflag:s2] =	dma.local @!p0 [hbm:s0], s1  }
0x175: {  	s0 =	simm.s32 @!p0 $0x9  }
0x176: {  	_ =	swait.ge @!p0 [sflag:s0], s1  }
0x177: {  	s1 =	ssub.s32 @!p0 $0x0, s1;
	[sflag:s0] =	ssyncset.done @!p0 $0x0  }
0x178: {  	[sflag:s0] =	ssyncadd.s32 @!p0 s1  }
0x179: {  	[bflag:$0x3] =	sbarrier.arrive $0xFFFF  }
0x17a: {  	_ =	shalt  }

// kernel: sparse-core-data-format-call.cloned.1.call-start
scs
called_computation_lowered:
.L_overlay_start_0:
0x0: {  	s2 =	sld [smem:$0x3FD9]  }
0x1: {  	s3 =	sld [smem:$0x3FFE];
	_ =	sdelay $0x1  }
0x2: {  	s1 =	srdreg.scid  }
0x3: {  	s0 =	sand.u32 $0x1, s1  }
0x4: {  	s18 =	sshll.u32 s0, $0xA;
	s2 =	sadd.s32 s3, s2  }
0x5: {  	s2 =	sadd.s32 s2, s18  }
0x6: {  	[smem:$0x3FC6] =	sst s2  }
0x7: {  	_ = 	snop  }
0x8: {  	s2 =	sld [smem:$0x3FD0];
	(tm) =	ssettm $0x1  }
0x9: {  	s19 =	sld [smem:$0x3FFB];
	_ =	sdelay $0x3  }
0xa: {  	_ =	strace s19  }
0xb: {  	s3 =	sld [smem:$0x3FFC];
	_ =	sdelay $0x3  }
0xc: {  	_ =	strace s3  }
0xd: {  	s3 =	sld [smem:$0x3FFD];
	_ =	sdelay $0x3  }
0xe: {  	_ =	strace s3  }
0xf: {  	_ =	strace $0x8FFFFFFF  }
0x10: {  	s20 =	sld [smem:$0x3FDB];
	_ =	sdelay $0x1  }
0x11: {  	s4 =	simm.s32 $_scs_section_size  }
0x12: {  	s5 =	simm.s32 $_size__tile_overlayer_lowered;
	s6 =	simm.s32 $_tile_overlayer_lowered  }
0x13: {  	s23 =	simm.s32 $0x1BFF;
	s22 =	sshll.u32 s6, $0x1;
	s3 =	sadd.s32 s4, s20  }
0x14: {  	s7 =	simm.s32 $0x0;
	s21 =	sshll.u32 s5, $0x1;
	s5 =	sadd.s32 s22, s3  }
0x15: {  	[timem:s7], [sflag:s23] =	dma.local [hbm:s5], s21  }
0x16: {  	_ =	swait.ge [sflag:s23], s21  }
0x17: {  	s4 =	ssub.s32 $0x0, s21;
	[sflag:s23] =	ssyncset.done $0x0  }
0x18: {  	[sflag:s23] =	ssyncadd.s32 s4;
	_ =	sdelay $0x1  }
0x19: {  	s24 =	simm.s32 $0x1B8B  }
0x1a: {  	_ =	swait.ge [sflag:s24], $0x1  }
0x1b: {  	[sflag:s24] =	ssyncset.done $0x0  }
0x1c: {  	s26 =	simm.s32 $0x1B8E;
	s25 =	sld [smem:$0x3FFE];
	[sflag:s24] =	ssyncadd.s32 $0xFFFFFFFF  }
0x1d: {  	s27 =	simm.s32 $execute0_lowered;
	[smem:$0x3FD2] =	sst s26  }
0x1e: {  	s5 =	sshll.u32 s27, $0x1;
	_ =	strace $0x80000049;
	[dreg:$0x1] =	wrdreg $0xFFFFFFFF  }
0x1f: {  	s28 =	simm.s32 $_size_execute0_lowered;
	s3 =	sadd.s32 s3, s5;
	[dreg:$0x0] =	wrdreg $0x0  }
0x20: {  	s5 =	sshll.u32 s28, $0x1;
	[dreg:$0x2] =	wrdreg s3  }
0x21: {  	[dreg:$0x3] =	wrdreg s5  }
0x22: {  	[dreg:$0x4] =	wrdreg $0xC0  }
0x23: {  	_ =	task [dreg:s7], $0x5FFFF  }
0x24: {  	[dreg:$0x1] =	wrdreg $0xFFFFFFFF  }
0x25: {  	[dreg:$0x0] =	wrdreg $0x60  }
0x26: {  	[dreg:$0x2] =	wrdreg s25  }
0x27: {  	[dreg:$0x3] =	wrdreg s2  }
0x28: {  	[dreg:$0x4] =	wrdreg $0x9  }
0x29: {  	_ =	task.clear_ibuf [dreg:s7], $0x5FFFF;
	_ =	strace $0x90000049  }
0x2a: {  	s29 =	simm.s32 $0x9;
	_ =	strace $0x8000004B  }
0x2b: {  	_ =	swait.ge [sflag:s29], $0x1  }
0x2c: {  	[sflag:s29] =	ssyncadd.s32 $0xFFFFFFFF  }
0x2d: {  	_ =	strace $0x9000004B  }
0x2e: {  	_ =	sfence  }
0x2f: {  	s30 =	sld [smem:$0x0];
	_ =	sdelay $0x2  }
0x30: {  	s31 =	sshll.u32 s1, $0xD;
	s1 =	sshrl.u32 s1, $0x2  }
0x31: {  	s3 =	sand.u32 $0x4000, s31;
	s1 =	sadd.s32 s1, s30  }
0x32: {  	s0 =	sor.u32 s3, s0;
	s1 =	sshll.u32 s1, $0x11  }
0x33: {  	s0 =	sor.u32 s1, s0  }
0x34: {  	s0 =	sadd.s32 $0x8F2B, s0  }
0x35: {  	[sflag:s0] =	ssyncadd.remote.s32 $0x1  }
0x36: {  	_ =	sfence.sel $0xFFFF  }
0x37: {  	[dreg:$0x0] =	wrdreg $0xFFFFFFFF;
	(pc) =	sbr.abs _section_cstart, $3  }
0x38: {  	[dreg:$0x1] =	wrdreg $0xFFFFFFFF  }
0x39: {  	_ =	task.clear_ibuf [dreg:s7], $0x2FFFF;
	_ =	strace $0x9FFFFFFF  }
0x3a: {  	(tm) =	ssettm $0x7FFFFFFF  }
0x3b: {  	_ =	shalt  }
tec
execute0_lowered:
.L_overlay_start_1:
0x0: {  	(tag) =	ssettag $0x1  }
0x1: {  	s0 =	srdreg.scid  }
0x2: {  	s1 =	sshll.u32 s0, $0x4  }
0x3: {  	s0 =	stileid.u32;
	s1 =	sand.u32 $0x10, s1  }
0x4: {  	s1 =	sor.u32 s0, s1  }
0x5: {  	s6 =	rddreg [dreg:$0x0];
	s4 =	simm.s32 $0x1;
	s2 =	sshll.u32 s1, $0x7  }
0x6: {  	s7 =	simm.s32 $0x2;
	s12 =	simm.s32 $0x0;
	s1 =	ssub.s32 $0x4000, s2  }
0x7: {  	s8 =	simm.s32 $0x20000;
	s13 =	simm.s32 $0x0;
	s3 =	sand.u32 $0xF80, s1  }
0x8: {  	s9 =	simm.s32 $0x0;
	s5 =	sshrl.u32 s1, $0xC;
	p0 =	sne.s32 s3, $0x0  }
.Ltmp0:
0x9: {  	s1 =	rddreg [dreg:$0x2];
	s4 =	simm.s32 @!p0 $0x0;
	(pc) =	sbr.rel .LBB1_1-.Ltmp0, $4  }
0xa: {  	s11 =	simm.s32 $0x0;
	s3 =	rddreg [dreg:$0x1];
	s5 =	sadd.s32 s4, s5  }
0xb: {  	_ =	strace $0x8000004A;
	s4 =	simm.s32 $0x1;
	s5 =	smul.u32 $0x32, s5  }
0xc: {  	s6 =	sadd.s32 $0xA00, s6;
	s10 =	smov.u32 s2;
	[sflag:s4] =	ssyncpa.u1 $0x0  }
0xd: {  	p0 =	por $0x0, $0x0;
	[sflag:s7] =	ssyncpa.u1 $0x0;
	s7 =	sor.u32 $0x1, s5  }
.LBB1_4:
0xe: {  	s16 =	sshll.u32 s13, $0x3;
	s17 =	sand.u32 $0x78, s13  }
0xf: {  	s30 =	sand.u32 $0x1F800, s13;
	s12 =	sshll.u32 s12, $0x11;
	s16 =	sand.u32 $0x3C00, s16  }
0x10: {  	[tilespmem:s15+$0x810 ss:$0x81] =	vst.msk $0xffff, v2;
	s31 =	sand.u32 $0x7, s13;
	s16 =	sor.u32 s17, s16;
	s17 =	sadd.s32 s3, s30  }
0x11: {  	[tilespmem:s15+$0x1020 ss:$0x81] =	vst.msk $0xffff, v0;
	s13 =	sshll.u32 s31, $0x12;
	s12 =	sadd.s32 s12, s17;
	s16 =	sshrl.u32 s16, $0x3  }
0x12: {  	[tilespmem:s15+$0x0 ss:$0x81] =	vst.msk $0xffff, v1;
	s13 =	sor.u32 $0x400, s13;
	s12 =	sadd.s32 s16, s12  }
0x13: {  	[hbm4b:s12+s13] =	stream.strided.scatter [tilespmem:s14], [sflag:$0x2], $0x2000, s8, s13, $0x20;
	[tilespmem:$0x8080] =	vst v63  }
.LBB1_5:
0x14: {  	s14 =	sadd.s32 $0x1, s9  }
0x15: {  	s12 =	sadd.s32 $0x1000, s10;
	s16 =	smov.u32 s10;
	p2 =	sgt.s32 s14, $0x31  }
0x16: {  	s16 =	smov.u32 @p2 s12  }
0x17: {  	s14 =	simm.s32 @p2 $0x0;
	p2 =	sgt.s32 s16, $0x3FFF  }
0x18: {  	s16 =	smov.u32 @p2 s2;
	p2 =	sne.s32 s11, s7  }
.Ltmp1:
0x19: {  	p1 =	slt.u32 s11, $0x2;
	(pc) =	sbr.rel @!p2 .LBB1_6-.Ltmp1, $4  }
0x1a: {  	s15 =	simm.s32 @!p1 $0x2  }
0x1b: {  	s13 =	smov.u32 s10;
	p0 =	por !p0, !p0;
	_ =	swait.ge @!p1 [sflag:s15], $0x2000  }
0x1c: {  	s12 =	smov.u32 s9;
	[sflag:s15] =	ssyncset.done @!p1 $0x0;
	s9 =	smov.u32 s14  }
0x1d: {  	s11 =	sadd.s32 $0x1, s11;
	[sflag:s15] =	ssyncadd.s32 @!p1 $0xFFFFE000;
	s10 =	smov.u32 s16  }
.LBB1_1:
0x1e: {  	p1 =	sge.u32 s11, s5  }
0x1f: {  	s14 =	sand.u32 @!p1 $0x1FFFFFF, s9  }
0x20: {  	s15 =	smulhi.u32 @!p1 $0x4924925, s14;
	_ =	sdelay $0x1  }
0x21: {  	s15 =	smul.u32 @!p1 $0x38, s15  }
0x22: {  	s16 =	sxor.u32 @!p1 $0xFFFFFFFF, s11;
	s17 =	smul.u32 @!p1 $0x380, s10  }
0x23: {  	s31 =	sadd.s32 $0xFFFFFFFF, s11;
	s16 =	sshll.u32 @!p1 s16, $0xD;
	s14 =	ssub.s32 @!p1 s14, s15  }
0x24: {  	s15 =	sand.u32 @!p1 $0x2000, s16;
	s16 =	sadd.s32 @!p1 s6, s17;
	s14 =	sshll.u32 @!p1 s14, $0x4  }
0x25: {  	s17 =	simm.s32 @!p1 $0x1C00;
	s14 =	sadd.s32 @!p1 s14, s16;
	s16 =	simm.s32 @!p1 $0x40  }
0x26: {  	[tilespmem:s15], [sflag:$0x1] =	stream.strided.gather @!p1 [hbm4b:s14+s16], $0x2000, s17, s16, $0x38;
	[tilespmem:$0x8080] =	vst v63  }
0x27: {  	p1 =	sge.u32 s31, s5  }
.Ltmp2:
0x28: {  	_ = 	snop;
	(pc) =	sbr.rel @p1 .LBB1_5-.Ltmp2, $1  }
0x29: {  	_ =	sdelay $0x3  }
0x2a: {  	s14 =	simm.s32 $0x1  }
0x2b: {  	_ =	swait.ge [sflag:s4], $0x2000;
	s14 =	simm.s32 @!p0 $0x0  }
0x2c: {  	[sflag:s4] =	ssyncset.done $0x0;
	s15 =	sshll.u32 s14, $0xD  }
0x2d: {  	[sflag:s4] =	ssyncadd.s32 $0xFFFFE000;
	s18 =	sor.u32 $0x20, s15  }
0x2e: {  	s14 =	smul.u32 $0x8100, s14;
	v3 =	vld [tilespmem:s18+$0x10]  }
0x2f: {  	s30 =	sand.u32 $0x1, s11;
	v2 =	vld [tilespmem:s18+$0xFFFFFFF0]  }
0x30: {  	s15 =	smul.u32 $0x8100, s30;
	s14 =	sshrl.u32 s14, $0x2;
	v0 =	vld [tilespmem:s18+$0x0]  }
0x31: {  	v1 =	vld [tilespmem:s18+$0xFFFFFFE0];
	s16 =	sor.u32 $0x4000, s14  }
0x32: {  	s31 =	sshrl.u32 s15, $0x2;
	s15 =	sadd.s32 $0x0, s16  }
0x33: {  	s17 =	simm.s32 $0x4;
	s18 =	sadd.s32 $0x40, s18;
	s14 =	sor.u32 $0x4000, s31;
	[tilespmem:s15+$0x1830 ss:$0x81] =	vst.msk $0xffff, v3  }
.LBB1_3:
0x34: {  	v3 =	vld [tilespmem:s18+$0x10];
	p1 =	sne.s32 s17, $0x1FC;
	[tilespmem:s15+$0x810 ss:$0x81] =	vst.msk $0xffff, v2;
	s19 =	smov.u32 s17;
	s17 =	sadd.s32 $0x4, s17  }
.Ltmp3:
0x35: {  	v2 =	vld [tilespmem:s18+$0xFFFFFFF0];
	[tilespmem:s15+$0x1020 ss:$0x81] =	vst.msk $0xffff, v0;
	(pc) =	sbr.rel @p1 .LBB1_3-.Ltmp3, $4  }
0x36: {  	v0 =	vld [tilespmem:s18+$0x0];
	[tilespmem:s15+$0x0 ss:$0x81] =	vst.msk $0xffff, v1  }
0x37: {  	s15 =	sshra.s32 s19, $0x2;
	v1 =	vld [tilespmem:s18+$0xFFFFFFE0]  }
0x38: {  	s15 =	sadd.s32 s15, s16  }
0x39: {  	s18 =	sadd.s32 $0x40, s18;
	[tilespmem:s15+$0x1830 ss:$0x81] =	vst.msk $0xffff, v3  }
.Ltmp4:
0x3a: {  	_ = 	snop;
	(pc) =	sbr.rel .LBB1_4-.Ltmp4, $1  }
0x3b: {  	_ =	sdelay $0x3  }
.LBB1_6:
0x3c: {  	_ =	sfence.sel $0x180000  }
0x3d: {  	s2 =	simm.s32 $0x1;
	[bflag:$0x0] =	sbarrier.arrive $0xFFFF  }
0x3e: {  	s31 =	simm.s32 $0x2;
	[sflag:s2] =	ssyncpa.u1 $0x1  }
0x3f: {  	[sflag:s31] =	ssyncpa.u1 $0x1  }
0x40: {  	p0 =	sne.s32 s0, $0x0;
	_ =	strace $0x9000004A  }
0x41: {  	s0 =	sadd.s32 @!p0 $0x100000, s1;
	[bflag:$0x2] =	sbarrier.arrive $0xFFFF  }
0x42: {  	[sflag:s0] =	ssyncadd.tile.s32 @!p0 $0x1;
	_ =	shalt  }
.Lfunc_end1:
_tile_overlayer_lowered:
.L_overlay_start_2:
0x43: {  	(tag) =	ssettag $0x2  }
0x44: {  	s0 =	rddreg [dreg:$0x0];
	s2 =	stileid.u32  }
0x45: {  	s1 =	rddreg [dreg:$0x1];
	p0 =	sne.s32 s2, $0x0  }
0x46: {  	s3 =	rddreg [dreg:$0x2];
	[bflag:$0x3] =	sbarrier.arrive $0xFFFF;
	s2 =	simm.s32 @!p0 $0x1C01  }
0x47: {  	[timem:s3], [sflag:s2] =	dma.local @!p0 [hbm:s0], s1  }
0x48: {  	s0 =	simm.s32 @!p0 $0x1  }
0x49: {  	_ =	swait.ge @!p0 [sflag:s0], s1  }
0x4a: {  	s1 =	ssub.s32 @!p0 $0x0, s1;
	[sflag:s0] =	ssyncset.done @!p0 $0x0  }
0x4b: {  	[sflag:s0] =	ssyncadd.s32 @!p0 s1  }
0x4c: {  	[bflag:$0x3] =	sbarrier.arrive $0xFFFF  }
0x4d: {  	_ =	shalt  }

</sc_bundles>
